<compile_context>
chip_gen: v7x
topology: tpu7x:2x2x1
jax: 0.10.2.dev20260603
libtpu: 0.0.44.dev20260713+nightly
codegen_flags: <defaults>
</compile_context>

<pallas_src>
import functools

import jax
import jax.numpy as jnp
from jax import lax
from jax.experimental import pallas as pl
from jax.experimental.pallas import tpu as pltpu
from jax.experimental.pallas import tpu_sc as plsc

N = 10000
E = 320000
D = 128
NUM_GRAPHS = 64

NC = 2
NS = 16
TILES = NC * NS

C = 128
NCH = 160
NCH0 = 136
NCH1 = NCH - NCH0
PER_TILE = NCH * C // 2
EPAD = NS * NCH * C
NPAD = 10016
ZSTRIPE = NPAD // NS
OSTRIPE = N // NS

def _sc_mesh():
    return plsc.VectorSubcoreMesh(
        core_axis_name="c", subcore_axis_name="s",
        num_cores=NC, num_subcores=NS)


def _deg_body(dst_hbm, out_hbm, idx_v, deg_v):
    c = lax.axis_index("c")
    s = lax.axis_index("s")
    wid = s * NC + c
    zeros16 = jnp.zeros((16,), jnp.float32)

    def zbody(i, carry):
        deg_v[pl.ds(i * 16, 16)] = zeros16
        return carry

    lax.fori_loop(0, NPAD // 16, zbody, 0)

    pltpu.sync_copy(dst_hbm.at[pl.ds(wid * PER_TILE, PER_TILE)], idx_v)
    ones16 = jnp.ones((16,), jnp.float32)

    def ebody(i, carry):
        idx = idx_v[pl.ds(i * 16, 16)]
        plsc.addupdate_scatter(deg_v, [idx], ones16)
        return carry

    lax.fori_loop(0, PER_TILE // 16, ebody, 0)
    pltpu.sync_copy(deg_v.at[pl.ds(0, N)], out_hbm.at[wid])


@functools.cache
def _deg_kernel():
    return pl.kernel(
        _deg_body,
        out_type=jax.ShapeDtypeStruct((TILES, N), jnp.float32),
        mesh=_sc_mesh(),
        scratch_types=[
            pltpu.VMEM((PER_TILE,), jnp.int32),
            pltpu.VMEM((NPAD,), jnp.float32),
        ],
        compiler_params=pltpu.CompilerParams(
            needs_layout_passes=False, use_tc_tiling_on_sc=False),
    )


def _agg_body(q_hbm, src_hbm, dst_hbm, zeros_hbm, out_hbm,
              src0, dst0, src1, dst1, rows0, rows1, agg_sh,
              gsem0, gsem1, ssem0, ssem1):
    c = lax.axis_index("c")
    s = lax.axis_index("s")

    base_e = jnp.where(c == 0, s * (NCH0 * C), NS * (NCH0 * C) + s * (NCH1 * C))
    nch = jnp.where(c == 0, NCH0, NCH1)

    @pl.when(nch > 0)
    def _():
        pltpu.sync_copy(zeros_hbm, agg_sh.at[pl.ds(s * ZSTRIPE, ZSTRIPE)])
    plsc.subcore_barrier()

    def _drain(rows, ssem):
        pltpu.make_async_copy(zeros_hbm.at[pl.ds(0, C)], rows, ssem).wait()

    def pbody(p, carry):
        off0 = base_e + (2 * p) * C

        @pl.when(p > 0)
        def _():
            _drain(rows0, ssem0)

        pltpu.sync_copy(src_hbm.at[pl.ds(off0, C)], src0)
        pltpu.sync_copy(dst_hbm.at[pl.ds(off0, C)], dst0)
        g0 = pltpu.async_copy(q_hbm.at[src0], rows0, gsem0)

        @pl.when(p > 0)
        def _():
            _drain(rows1, ssem1)

        pltpu.sync_copy(src_hbm.at[pl.ds(off0 + C, C)], src1)
        pltpu.sync_copy(dst_hbm.at[pl.ds(off0 + C, C)], dst1)
        g1 = pltpu.async_copy(q_hbm.at[src1], rows1, gsem1)

        g0.wait()
        pltpu.async_copy(rows0, agg_sh.at[dst0], ssem0, add=True)
        g1.wait()
        pltpu.async_copy(rows1, agg_sh.at[dst1], ssem1, add=True)
        return carry

    lax.fori_loop(0, nch // 2, pbody, 0)

    @pl.when(nch > 0)
    def _():
        _drain(rows0, ssem0)
        _drain(rows1, ssem1)

    plsc.subcore_barrier()

    @pl.when(nch > 0)
    def _():
        pltpu.sync_copy(agg_sh.at[pl.ds(s * OSTRIPE, OSTRIPE)],
                        out_hbm.at[c, pl.ds(s * OSTRIPE, OSTRIPE)])


@functools.cache
def _agg_kernel():
    return pl.kernel(
        _agg_body,
        out_type=jax.ShapeDtypeStruct((NC, N, D), jnp.float32),
        mesh=_sc_mesh(),
        scratch_types=[
            pltpu.VMEM((C,), jnp.int32),
            pltpu.VMEM((C,), jnp.int32),
            pltpu.VMEM((C,), jnp.int32),
            pltpu.VMEM((C,), jnp.int32),
            pltpu.VMEM((C, D), jnp.float32),
            pltpu.VMEM((C, D), jnp.float32),
            pltpu.VMEM_SHARED((NPAD, D), jnp.float32),
            pltpu.SemaphoreType.DMA,
            pltpu.SemaphoreType.DMA,
            pltpu.SemaphoreType.DMA,
            pltpu.SemaphoreType.DMA,
        ],
        compiler_params=pltpu.CompilerParams(
            needs_layout_passes=False, use_tc_tiling_on_sc=False),
    )


def _dinv_body(parts_ref, dinv_ref):
    deg = 1.0 + jnp.sum(parts_ref[...], axis=0, keepdims=True)
    dinv_ref[...] = lax.rsqrt(deg)


_dinv_call = pl.pallas_call(
    _dinv_body, out_shape=jax.ShapeDtypeStruct((1, N), jnp.float32))


def _q1_body(x_ref, w_ref, dinv_ref, q_ref):
    q_ref[...] = dinv_ref[...] * jnp.dot(
        x_ref[...], w_ref[...], preferred_element_type=jnp.float32)


_q1_call = pl.pallas_call(
    _q1_body, out_shape=jax.ShapeDtypeStruct((N, D), jnp.float32))


def _bn_relu(p_ref, q_ref, dinv_ref, b_ref, g_ref, bt_ref):
    dinv = dinv_ref[...]
    pre = dinv * (p_ref[0] + p_ref[1] + q_ref[...]) + b_ref[...]
    mu = jnp.mean(pre, axis=0, keepdims=True)
    var = jnp.mean((pre - mu) * (pre - mu), axis=0, keepdims=True)
    h = g_ref[...] * (pre - mu) * lax.rsqrt(var + 1e-5) + bt_ref[...]
    return jnp.maximum(h, 0.0)


def _bnq_body(p_ref, q_ref, dinv_ref, b_ref, g_ref, bt_ref, w_ref, qn_ref):
    h = _bn_relu(p_ref, q_ref, dinv_ref, b_ref, g_ref, bt_ref)
    qn_ref[...] = dinv_ref[...] * jnp.dot(
        h, w_ref[...], preferred_element_type=jnp.float32)


_bnq_call = pl.pallas_call(
    _bnq_body, out_shape=jax.ShapeDtypeStruct((N, D), jnp.float32))


def _final_body(p_ref, q_ref, dinv_ref, b_ref, g_ref, bt_ref, batch_ref,
                m1_ref, mb1_ref, m2_ref, mb2_ref, m3_ref, mb3_ref,
                wo_ref, bo_ref, out_ref):
    h = _bn_relu(p_ref, q_ref, dinv_ref, b_ref, g_ref, bt_ref)
    gids = lax.broadcasted_iota(jnp.int32, (NUM_GRAPHS, 1), 0)
    oht = (gids == batch_ref[...]).astype(jnp.float32)
    pooled = jnp.dot(oht, h, preferred_element_type=jnp.float32)
    counts = jnp.dot(oht, jnp.ones((N, 1), jnp.float32),
                     preferred_element_type=jnp.float32)
    z = pooled / jnp.maximum(counts, 1.0)
    z = jnp.maximum(jnp.dot(z, m1_ref[...],
                            preferred_element_type=jnp.float32) + mb1_ref[...], 0.0)
    z = jnp.maximum(jnp.dot(z, m2_ref[...],
                            preferred_element_type=jnp.float32) + mb2_ref[...], 0.0)
    z = jnp.maximum(jnp.dot(z, m3_ref[...],
                            preferred_element_type=jnp.float32) + mb3_ref[...], 0.0)
    out_ref[...] = jnp.dot(z, wo_ref[...],
                           preferred_element_type=jnp.float32) + bo_ref[...]


_final_call = pl.pallas_call(
    _final_body, out_shape=jax.ShapeDtypeStruct((NUM_GRAPHS, 2), jnp.float32))


def kernel(x, edge_index, batch, W1, b1, g1, bt1, W2, b2, g2, bt2,
           W3, b3, g3, bt3, M1, mb1, M2, mb2, M3, mb3, Wo, bo):
    src = jnp.concatenate(
        [edge_index[0], jnp.zeros((EPAD - E,), jnp.int32)])
    dst = jnp.concatenate(
        [edge_index[1], jnp.full((EPAD - E,), N, jnp.int32)])
    zeros_block = jnp.zeros((ZSTRIPE, D), jnp.float32)

    deg_parts = _deg_kernel()(dst)
    dinv_row = _dinv_call(deg_parts)
    dinv_col = dinv_row.reshape(N, 1)

    agg = _agg_kernel()
    q = _q1_call(x, W1, dinv_col)
    p = agg(q, src, dst, zeros_block)
    q = _bnq_call(p, q, dinv_col, b1.reshape(1, D), g1.reshape(1, D),
                  bt1.reshape(1, D), W2)
    p = agg(q, src, dst, zeros_block)
    q = _bnq_call(p, q, dinv_col, b2.reshape(1, D), g2.reshape(1, D),
                  bt2.reshape(1, D), W3)
    p = agg(q, src, dst, zeros_block)

    return _final_call(
        p, q, dinv_col, b3.reshape(1, D), g3.reshape(1, D), bt3.reshape(1, D),
        batch.reshape(1, N), M1, mb1.reshape(1, D), M2, mb2.reshape(1, 64),
        M3, mb3.reshape(1, 32), Wo, bo.reshape(1, 2))

# --- scband reference (transcript-rebuilt; emitter-appended) ---
"""Pipeline reference for scband-gcn-15530601742784 (READ-ONLY COPY).

The authoritative reference and input builder live on the scoring server;
editing this copy changes nothing except your own understanding.
"""

import jax, jax.numpy as jnp
import numpy as np

N = 10000
E = 320000
D_IN = 128
H = 128
H2 = 64
H3 = 32
OUT = 2
NUM_GRAPHS = 64


def _linear_init(key, fan_in, fan_out):
    s = 1.0 / np.sqrt(fan_in)
    k1, k2 = jax.random.split(key)
    W = jax.random.uniform(k1, (fan_in, fan_out), jnp.float32, -s, s)
    b = jax.random.uniform(k2, (fan_out,), jnp.float32, -s, s)
    return W, b


def setup_inputs(seed: int = 0) -> dict:
    key = jax.random.key(seed)
    ks = jax.random.split(key, 16)
    inp = {}
    inp['x'] = jax.random.normal(ks[0], (N, D_IN), dtype=jnp.float32)
    inp['edge_index'] = jax.random.randint(ks[1], (2, E), 0, N, dtype=jnp.int32)
    inp['batch'] = jnp.sort(jax.random.randint(ks[2], (N,), 0, NUM_GRAPHS, dtype=jnp.int32))
    inp['W1'], inp['b1'] = _linear_init(ks[3], D_IN, H)
    inp['g1'] = jnp.ones((H,), jnp.float32)
    inp['bt1'] = jnp.zeros((H,), jnp.float32)
    inp['W2'], inp['b2'] = _linear_init(ks[4], H, H)
    inp['g2'] = jnp.ones((H,), jnp.float32)
    inp['bt2'] = jnp.zeros((H,), jnp.float32)
    inp['W3'], inp['b3'] = _linear_init(ks[5], H, H)
    inp['g3'] = jnp.ones((H,), jnp.float32)
    inp['bt3'] = jnp.zeros((H,), jnp.float32)
    inp['M1'], inp['mb1'] = _linear_init(ks[6], H, H)
    inp['M2'], inp['mb2'] = _linear_init(ks[7], H, H2)
    inp['M3'], inp['mb3'] = _linear_init(ks[8], H2, H3)
    inp['Wo'], inp['bo'] = _linear_init(ks[9], H3, OUT)
    return inp


def _gcn_conv(h, src, dst, norm, W, b):
    m = (h @ W)[src] * norm[:, None]
    out = jnp.zeros((h.shape[0], W.shape[1]), h.dtype).at[dst].add(m)
    return out + b


def _bn(x, g, bt):
    mu = jnp.mean(x, axis=0)
    var = jnp.var(x, axis=0)
    return g * (x - mu) / jnp.sqrt(var + 1e-5) + bt


def reference(x, edge_index, batch, W1, b1, g1, bt1, W2, b2, g2, bt2, W3, b3, g3, bt3, M1, mb1, M2, mb2, M3, mb3, Wo, bo):
    loop = jnp.arange(N, dtype=edge_index.dtype)
    src = jnp.concatenate([edge_index[0], loop])
    dst = jnp.concatenate([edge_index[1], loop])
    deg = jnp.zeros((N,), x.dtype).at[dst].add(1.0)
    dinv = jnp.where(deg > 0, 1.0 / jnp.sqrt(deg), 0.0)
    norm = dinv[src] * dinv[dst]
    h = jax.nn.relu(_bn(_gcn_conv(x, src, dst, norm, W1, b1), g1, bt1))
    h = jax.nn.relu(_bn(_gcn_conv(h, src, dst, norm, W2, b2), g2, bt2))
    h = jax.nn.relu(_bn(_gcn_conv(h, src, dst, norm, W3, b3), g3, bt3))
    counts = jnp.zeros((NUM_GRAPHS,), h.dtype).at[batch].add(1.0)
    pooled = jnp.zeros((NUM_GRAPHS, H), h.dtype).at[batch].add(h)
    pooled = pooled / jnp.maximum(counts, 1.0)[:, None]
    z = jax.nn.relu(pooled @ M1 + mb1)
    z = jax.nn.relu(z @ M2 + mb2)
    z = jax.nn.relu(z @ M3 + mb3)
    return z @ Wo + bo

if __name__ == "__main__":
    import jax
    _d = setup_inputs()
    print(jax.jit(kernel)(*tuple(_d.values())))

</pallas_src>

<mosaic_0001>
#map = affine_map<(d0, d1) -> (0)>
#map1 = affine_map<(d0, d1) -> (0, 0)>
module attributes {stable_mosaic.version = 14 : i64} {
  func.func @_deg_body(%arg0: i32, %arg1: i32, %arg2: memref<327680xi32, #tpu.memory_space<hbm>>, %arg3: memref<32x10000xf32, #tpu.memory_space<hbm>>, %arg4: memref<10240xi32, #tpu.memory_space<vmem>>, %arg5: memref<10016xf32, #tpu.memory_space<vmem>>) attributes {dimension_semantics = [#tpu.dimension_semantics<core_parallel>, #tpu.dimension_semantics<subcore_parallel>], iteration_bounds = array<i64: 2, 16>, scalar_prefetch = 0 : i64, scratch_operands = 2 : i64, tpu.core_type = #tpu.core_type<sc_vector_subcore>, window_params = [{transform_indices = #map}, {transform_indices = #map1}]} {
    %mul3A = arith.constant 2 : i32
    %mul3A_0 = arith.muli %arg1, %mul3A : i32
    %add3A = arith.addi %mul3A_0, %arg0 : i32
    %broadcast_in_dim3A = arith.constant 0.000000e+00 : f32
    %broadcast_in_dim3A_1 = vector.broadcast %broadcast_in_dim3A : f32 to vector<16xf32>
    %scan3A = arith.constant 0 : i32
    %scan3A_2 = arith.constant 0 : i32
    %scan3A_3 = arith.constant 626 : i32
    %scan3A_4 = arith.addi %scan3A_2, %scan3A_3 : i32
    %scan3A_5 = arith.constant 1 : i32
    scf.for %scan3A_17 = %scan3A_2 to %scan3A_4 step %scan3A_5  : i32 {
      %mul3A_18 = arith.constant 16 : i32
      %mul3A_19 = arith.muli %scan3A_17, %mul3A_18 : i32
      %swap3A = arith.index_cast %mul3A_19 : i32 to index
      %swap3A_20 = tpu.vector_load %arg5[%swap3A] {strides = array<i32>} : memref<10016xf32, #tpu.memory_space<vmem>>, vector<16xf32>,
      tpu.vector_store %arg5[%swap3A], %broadcast_in_dim3A_1 {strides = array<i32>} : memref<10016xf32, #tpu.memory_space<vmem>>, vector<16xf32>,
    }
    %scan3A_6 = arith.constant 626 : i32
    %mul3A_7 = arith.constant 10240 : i32
    %mul3A_8 = arith.muli %add3A, %mul3A_7 : i32
    "tpu.region"() ({
      %run_scoped3A = tpu.sem_alloc : memref<!tpu.dma_semaphore, #tpu.memory_space<semaphore_mem>>
      %dma_start3A = tpu.memref_slice %arg2[%mul3A_8] : memref<327680xi32, #tpu.memory_space<hbm>> -> memref<10240xi32, #tpu.memory_space<hbm>>
      %dma_start3A_17 = tpu.memref_slice %arg2[%mul3A_8] : memref<327680xi32, #tpu.memory_space<hbm>> -> memref<10240xi32, #tpu.memory_space<hbm>>
      tpu.enqueue_dma source(%dma_start3A_17 : memref<10240xi32, #tpu.memory_space<hbm>>) target(%arg4 : memref<10240xi32, #tpu.memory_space<vmem>>) target_semaphore(%run_scoped3A : memref<!tpu.dma_semaphore, #tpu.memory_space<semaphore_mem>>)
      %dma_wait3A = tpu.memref_slice %arg2[%mul3A_8] : memref<327680xi32, #tpu.memory_space<hbm>> -> memref<10240xi32, #tpu.memory_space<hbm>>
      %dma_wait3A_18 = tpu.memref_slice %arg2[%mul3A_8] : memref<327680xi32, #tpu.memory_space<hbm>> -> memref<10240xi32, #tpu.memory_space<hbm>>
      tpu.wait_dma2 semaphore(%run_scoped3A : memref<!tpu.dma_semaphore, #tpu.memory_space<semaphore_mem>>) src(%dma_wait3A_18 : memref<10240xi32, #tpu.memory_space<hbm>>) dst(%arg4 : memref<10240xi32, #tpu.memory_space<vmem>>)
      tpu.yield
    }) : () -> ()
    %broadcast_in_dim3A_9 = arith.constant 1.000000e+00 : f32
    %broadcast_in_dim3A_10 = vector.broadcast %broadcast_in_dim3A_9 : f32 to vector<16xf32>
    %scan3A_11 = arith.constant 0 : i32
    %scan3A_12 = arith.constant 0 : i32
    %scan3A_13 = arith.constant 640 : i32
    %scan3A_14 = arith.addi %scan3A_12, %scan3A_13 : i32
    %scan3A_15 = arith.constant 1 : i32
    scf.for %scan3A_17 = %scan3A_12 to %scan3A_14 step %scan3A_15  : i32 {
      %mul3A_18 = arith.constant 16 : i32
      %mul3A_19 = arith.muli %scan3A_17, %mul3A_18 : i32
      %get3A = arith.index_cast %mul3A_19 : i32 to index
      %get3A_20 = tpu.vector_load %arg4[%get3A] {strides = array<i32>} : memref<10240xi32, #tpu.memory_space<vmem>>, vector<16xi32>,
      tpu.vector_store_idx %arg5[%get3A_20], %broadcast_in_dim3A_10 {add = true} : memref<10016xf32, #tpu.memory_space<vmem>>[vector<16xi32>], vector<16xf32>,
    }
    %scan3A_16 = arith.constant 640 : i32
    "tpu.region"() ({
      %run_scoped3A = tpu.sem_alloc : memref<!tpu.dma_semaphore, #tpu.memory_space<semaphore_mem>>
      %dma_start3A = arith.constant 0 : i32
      %dma_start3A_17 = tpu.memref_slice %arg5[%dma_start3A] : memref<10016xf32, #tpu.memory_space<vmem>> -> memref<10000xf32, #tpu.memory_space<vmem>>
      %dma_start3A_18 = arith.constant 0 : i32
      %dma_start3A_19 = tpu.memref_slice %arg3[%add3A, %dma_start3A_18] : memref<32x10000xf32, #tpu.memory_space<hbm>> -> memref<1x10000xf32, #tpu.memory_space<hbm>>
      %dma_start3A_20 = tpu.memref_squeeze %dma_start3A_19 : memref<1x10000xf32, #tpu.memory_space<hbm>> -> memref<10000xf32, #tpu.memory_space<hbm>>
      %dma_start3A_21 = arith.constant 0 : i32
      %dma_start3A_22 = tpu.memref_slice %arg3[%add3A, %dma_start3A_21] : memref<32x10000xf32, #tpu.memory_space<hbm>> -> memref<1x10000xf32, #tpu.memory_space<hbm>>
      %dma_start3A_23 = tpu.memref_squeeze %dma_start3A_22 : memref<1x10000xf32, #tpu.memory_space<hbm>> -> memref<10000xf32, #tpu.memory_space<hbm>>
      %dma_start3A_24 = arith.constant 0 : i32
      %dma_start3A_25 = tpu.memref_slice %arg5[%dma_start3A_24] : memref<10016xf32, #tpu.memory_space<vmem>> -> memref<10000xf32, #tpu.memory_space<vmem>>
      tpu.enqueue_dma source(%dma_start3A_25 : memref<10000xf32, #tpu.memory_space<vmem>>) target(%dma_start3A_23 : memref<10000xf32, #tpu.memory_space<hbm>>) target_semaphore(%run_scoped3A : memref<!tpu.dma_semaphore, #tpu.memory_space<semaphore_mem>>)
      %dma_wait3A = arith.constant 0 : i32
      %dma_wait3A_26 = tpu.memref_slice %arg5[%dma_wait3A] : memref<10016xf32, #tpu.memory_space<vmem>> -> memref<10000xf32, #tpu.memory_space<vmem>>
      %dma_wait3A_27 = arith.constant 0 : i32
      %dma_wait3A_28 = tpu.memref_slice %arg3[%add3A, %dma_wait3A_27] : memref<32x10000xf32, #tpu.memory_space<hbm>> -> memref<1x10000xf32, #tpu.memory_space<hbm>>
      %dma_wait3A_29 = tpu.memref_squeeze %dma_wait3A_28 : memref<1x10000xf32, #tpu.memory_space<hbm>> -> memref<10000xf32, #tpu.memory_space<hbm>>
      %dma_wait3A_30 = arith.constant 0 : i32
      %dma_wait3A_31 = tpu.memref_slice %arg3[%add3A, %dma_wait3A_30] : memref<32x10000xf32, #tpu.memory_space<hbm>> -> memref<1x10000xf32, #tpu.memory_space<hbm>>
      %dma_wait3A_32 = tpu.memref_squeeze %dma_wait3A_31 : memref<1x10000xf32, #tpu.memory_space<hbm>> -> memref<10000xf32, #tpu.memory_space<hbm>>
      %dma_wait3A_33 = arith.constant 0 : i32
      %dma_wait3A_34 = tpu.memref_slice %arg5[%dma_wait3A_33] : memref<10016xf32, #tpu.memory_space<vmem>> -> memref<10000xf32, #tpu.memory_space<vmem>>
      tpu.wait_dma2 semaphore(%run_scoped3A : memref<!tpu.dma_semaphore, #tpu.memory_space<semaphore_mem>>) src(%dma_wait3A_34 : memref<10000xf32, #tpu.memory_space<vmem>>) dst(%dma_wait3A_32 : memref<10000xf32, #tpu.memory_space<hbm>>)
      tpu.yield
    }) : () -> ()
    return
  }
}

#map = affine_map<(d0, d1) -> (0, 0)>
#map1 = affine_map<(d0, d1) -> (0)>
#map2 = affine_map<(d0, d1) -> (0, 0, 0)>
module attributes {stable_mosaic.version = 14 : i64} {
  func.func @_agg_body(%arg0: i32, %arg1: i32, %arg2: memref<10000x128xf32, #tpu.memory_space<hbm>>, %arg3: memref<327680xi32, #tpu.memory_space<hbm>>, %arg4: memref<327680xi32, #tpu.memory_space<hbm>>, %arg5: memref<626x128xf32, #tpu.memory_space<hbm>>, %arg6: memref<2x10000x128xf32, #tpu.memory_space<hbm>>, %arg7: memref<128xi32, #tpu.memory_space<vmem>>, %arg8: memref<128xi32, #tpu.memory_space<vmem>>, %arg9: memref<128xi32, #tpu.memory_space<vmem>>, %arg10: memref<128xi32, #tpu.memory_space<vmem>>, %arg11: memref<128x128xf32, #tpu.memory_space<vmem>>, %arg12: memref<128x128xf32, #tpu.memory_space<vmem>>, %arg13: memref<10016x128xf32, #tpu.memory_space<vmem_shared>>, %arg14: memref<!tpu.dma_semaphore, #tpu.memory_space<semaphore_mem>>, %arg15: memref<!tpu.dma_semaphore, #tpu.memory_space<semaphore_mem>>, %arg16: memref<!tpu.dma_semaphore, #tpu.memory_space<semaphore_mem>>, %arg17: memref<!tpu.dma_semaphore, #tpu.memory_space<semaphore_mem>>) attributes {dimension_semantics = [#tpu.dimension_semantics<core_parallel>, #tpu.dimension_semantics<subcore_parallel>], iteration_bounds = array<i64: 2, 16>, scalar_prefetch = 0 : i64, scratch_operands = 11 : i64, tpu.core_type = #tpu.core_type<sc_vector_subcore>, window_params = [{transform_indices = #map}, {transform_indices = #map1}, {transform_indices = #map1}, {transform_indices = #map}, {transform_indices = #map2}]} {
    %eq3A = arith.constant 0 : i32
    %eq3A_0 = arith.cmpi eq, %arg0, %eq3A : i32
    %mul3A = arith.constant 17408 : i32
    %mul3A_1 = arith.muli %arg1, %mul3A : i32
    %mul3A_2 = arith.constant 3072 : i32
    %mul3A_3 = arith.muli %arg1, %mul3A_2 : i32
    %add3A = arith.constant 278528 : i32
    %add3A_4 = arith.addi %add3A, %mul3A_3 : i32
    %select_n3A = arith.select %eq3A_0, %mul3A_1, %add3A_4 : i32
    %eq3A_5 = arith.constant 0 : i32
    %eq3A_6 = arith.cmpi eq, %arg0, %eq3A_5 : i32
    %jit3A = arith.constant 136 : i32
    %jit3A_7 = arith.constant 24 : i32
    %select_n3A_8 = arith.select %eq3A_6, %jit3A, %jit3A_7 : i32
    %gt3A = arith.constant 0 : i32
    %gt3A_9 = arith.cmpi sgt, %select_n3A_8, %gt3A : i32
    %convert_element_type3A = arith.extui %gt3A_9 : i1 to i32
    %cond3A = arith.constant 0 : i32
    %cond3A_10 = arith.cmpi ne, %convert_element_type3A, %cond3A : i32
    scf.if %cond3A_10 {
      %mul3A_49 = arith.constant 626 : i32
      %mul3A_50 = arith.muli %arg1, %mul3A_49 : i32
      "tpu.region"() ({
        %run_scoped3A = tpu.sem_alloc : memref<!tpu.dma_semaphore, #tpu.memory_space<semaphore_mem>>
        %dma_start3A = arith.constant 0 : i32
        %dma_start3A_51 = tpu.memref_slice %arg13[%mul3A_50, %dma_start3A] : memref<10016x128xf32, #tpu.memory_space<vmem_shared>> -> memref<626x128xf32, #tpu.memory_space<vmem_shared>>
        tpu.enqueue_dma source(%arg5 : memref<626x128xf32, #tpu.memory_space<hbm>>) target(%dma_start3A_51 : memref<626x128xf32, #tpu.memory_space<vmem_shared>>) target_semaphore(%run_scoped3A : memref<!tpu.dma_semaphore, #tpu.memory_space<semaphore_mem>>)
        %dma_wait3A = arith.constant 0 : i32
        %dma_wait3A_52 = tpu.memref_slice %arg13[%mul3A_50, %dma_wait3A] : memref<10016x128xf32, #tpu.memory_space<vmem_shared>> -> memref<626x128xf32, #tpu.memory_space<vmem_shared>>
        tpu.wait_dma2 semaphore(%run_scoped3A : memref<!tpu.dma_semaphore, #tpu.memory_space<semaphore_mem>>) src(%arg5 : memref<626x128xf32, #tpu.memory_space<hbm>>) dst(%dma_wait3A_52 : memref<626x128xf32, #tpu.memory_space<vmem_shared>>)
        tpu.yield
      }) : () -> ()
    } else {
    }
    %barrier3A = arith.constant 0 : index
    tpu.barrier barrier_id(%barrier3A)
    %jit3A_11 = arith.constant 2 : i32
    %div3A = arith.divsi %select_n3A_8, %jit3A_11 : i32
    %sign3A = arith.constant 0 : i32
    %sign3A_12 = arith.cmpi sgt, %select_n3A_8, %sign3A : i32
    %sign3A_13 = arith.extui %sign3A_12 : i1 to i32
    %sign3A_14 = arith.constant 0 : i32
    %sign3A_15 = arith.cmpi slt, %select_n3A_8, %sign3A_14 : i32
    %sign3A_16 = arith.extui %sign3A_15 : i1 to i32
    %sign3A_17 = arith.subi %sign3A_13, %sign3A_16 : i32
    %sign3A_18 = arith.constant 0 : i32
    %sign3A_19 = arith.cmpi sgt, %jit3A_11, %sign3A_18 : i32
    %sign3A_20 = arith.extui %sign3A_19 : i1 to i32
    %sign3A_21 = arith.constant 0 : i32
    %sign3A_22 = arith.cmpi slt, %jit3A_11, %sign3A_21 : i32
    %sign3A_23 = arith.extui %sign3A_22 : i1 to i32
    %sign3A_24 = arith.subi %sign3A_20, %sign3A_23 : i32
    %ne3A = arith.cmpi ne, %sign3A_17, %sign3A_24 : i32
    %rem3A = arith.remsi %select_n3A_8, %jit3A_11 : i32
    %ne3A_25 = arith.constant 0 : i32
    %ne3A_26 = arith.cmpi ne, %rem3A, %ne3A_25 : i32
    %and3A = arith.andi %ne3A, %ne3A_26 : i1
    %sub3A = arith.constant 1 : i32
    %sub3A_27 = arith.subi %div3A, %sub3A : i32
    %select_n3A_28 = arith.select %and3A, %sub3A_27, %div3A : i32
    %while3A = arith.constant 0 : i32
    %while3A_29 = arith.constant 0 : i32
    %while3A_30 = arith.subi %select_n3A_28, %while3A_29 : i32
    %while3A_31 = arith.addi %while3A_29, %while3A_30 : i32
    %while3A_32 = arith.constant 1 : i32
    %while3A_33 = arith.divsi %while3A_30, %while3A_32 : i32
    %while3A_34 = arith.muli %while3A_33, %while3A_32 : i32
    %while3A_35 = arith.addi %while3A_29, %while3A_34 : i32
    %while3A_36 = arith.constant 1 : i32
    scf.for %while3A_49 = %while3A_29 to %while3A_35 step %while3A_36  : i32 {
      %mul3A_50 = arith.constant 2 : i32
      %mul3A_51 = arith.muli %mul3A_50, %while3A_49 : i32
      %mul3A_52 = arith.constant 128 : i32
      %mul3A_53 = arith.muli %mul3A_51, %mul3A_52 : i32
      %add3A_54 = arith.addi %select_n3A, %mul3A_53 : i32
      %gt3A_55 = arith.constant 0 : i32
      %gt3A_56 = arith.cmpi sgt, %while3A_49, %gt3A_55 : i32
      %convert_element_type3A_57 = arith.extui %gt3A_56 : i1 to i32
      %cond3A_58 = arith.constant 0 : i32
      %cond3A_59 = arith.cmpi ne, %convert_element_type3A_57, %cond3A_58 : i32
      scf.if %cond3A_59 {
        %dma_wait3A_85 = arith.constant 0 : i32
        %dma_wait3A_86 = arith.constant 0 : i32
        %dma_wait3A_87 = tpu.memref_slice %arg5[%dma_wait3A_85, %dma_wait3A_86] : memref<626x128xf32, #tpu.memory_space<hbm>> -> memref<128x128xf32, #tpu.memory_space<hbm>>
        %dma_wait3A_88 = arith.constant 0 : i32
        %dma_wait3A_89 = arith.constant 0 : i32
        %dma_wait3A_90 = tpu.memref_slice %arg5[%dma_wait3A_88, %dma_wait3A_89] : memref<626x128xf32, #tpu.memory_space<hbm>> -> memref<128x128xf32, #tpu.memory_space<hbm>>
        tpu.wait_dma2 semaphore(%arg16 : memref<!tpu.dma_semaphore, #tpu.memory_space<semaphore_mem>>) src(%dma_wait3A_90 : memref<128x128xf32, #tpu.memory_space<hbm>>) dst(%arg11 : memref<128x128xf32, #tpu.memory_space<vmem>>)
      } else {
      }
      "tpu.region"() ({
        %run_scoped3A = tpu.sem_alloc : memref<!tpu.dma_semaphore, #tpu.memory_space<semaphore_mem>>
        %dma_start3A_85 = tpu.memref_slice %arg3[%add3A_54] : memref<327680xi32, #tpu.memory_space<hbm>> -> memref<128xi32, #tpu.memory_space<hbm>>
        %dma_start3A_86 = tpu.memref_slice %arg3[%add3A_54] : memref<327680xi32, #tpu.memory_space<hbm>> -> memref<128xi32, #tpu.memory_space<hbm>>
        tpu.enqueue_dma source(%dma_start3A_86 : memref<128xi32, #tpu.memory_space<hbm>>) target(%arg7 : memref<128xi32, #tpu.memory_space<vmem>>) target_semaphore(%run_scoped3A : memref<!tpu.dma_semaphore, #tpu.memory_space<semaphore_mem>>)
        %dma_wait3A_87 = tpu.memref_slice %arg3[%add3A_54] : memref<327680xi32, #tpu.memory_space<hbm>> -> memref<128xi32, #tpu.memory_space<hbm>>
        %dma_wait3A_88 = tpu.memref_slice %arg3[%add3A_54] : memref<327680xi32, #tpu.memory_space<hbm>> -> memref<128xi32, #tpu.memory_space<hbm>>
        tpu.wait_dma2 semaphore(%run_scoped3A : memref<!tpu.dma_semaphore, #tpu.memory_space<semaphore_mem>>) src(%dma_wait3A_88 : memref<128xi32, #tpu.memory_space<hbm>>) dst(%arg7 : memref<128xi32, #tpu.memory_space<vmem>>)
        tpu.yield
      }) : () -> ()
      "tpu.region"() ({
        %run_scoped3A = tpu.sem_alloc : memref<!tpu.dma_semaphore, #tpu.memory_space<semaphore_mem>>
        %dma_start3A_85 = tpu.memref_slice %arg4[%add3A_54] : memref<327680xi32, #tpu.memory_space<hbm>> -> memref<128xi32, #tpu.memory_space<hbm>>
        %dma_start3A_86 = tpu.memref_slice %arg4[%add3A_54] : memref<327680xi32, #tpu.memory_space<hbm>> -> memref<128xi32, #tpu.memory_space<hbm>>
        tpu.enqueue_dma source(%dma_start3A_86 : memref<128xi32, #tpu.memory_space<hbm>>) target(%arg8 : memref<128xi32, #tpu.memory_space<vmem>>) target_semaphore(%run_scoped3A : memref<!tpu.dma_semaphore, #tpu.memory_space<semaphore_mem>>)
        %dma_wait3A_87 = tpu.memref_slice %arg4[%add3A_54] : memref<327680xi32, #tpu.memory_space<hbm>> -> memref<128xi32, #tpu.memory_space<hbm>>
        %dma_wait3A_88 = tpu.memref_slice %arg4[%add3A_54] : memref<327680xi32, #tpu.memory_space<hbm>> -> memref<128xi32, #tpu.memory_space<hbm>>
        tpu.wait_dma2 semaphore(%run_scoped3A : memref<!tpu.dma_semaphore, #tpu.memory_space<semaphore_mem>>) src(%dma_wait3A_88 : memref<128xi32, #tpu.memory_space<hbm>>) dst(%arg8 : memref<128xi32, #tpu.memory_space<vmem>>)
        tpu.yield
      }) : () -> ()
      %dma_start3A = arith.constant 0 : i32
      %dma_start3A_60 = arith.constant 0 : i32
      %dma_start3A_61 = tpu.memref_slice %arg2[%dma_start3A, %dma_start3A_60] : memref<10000x128xf32, #tpu.memory_space<hbm>> -> memref<10000x128xf32, #tpu.memory_space<hbm>>
      tpu.enqueue_indirect_dma source(%dma_start3A_61 : memref<10000x128xf32, #tpu.memory_space<hbm>>) target(%arg11 : memref<128x128xf32, #tpu.memory_space<vmem>>) offsets(%arg7 : memref<128xi32, #tpu.memory_space<vmem>>) semaphore(%arg14 : memref<!tpu.dma_semaphore, #tpu.memory_space<semaphore_mem>>)
      %gt3A_62 = arith.constant 0 : i32
      %gt3A_63 = arith.cmpi sgt, %while3A_49, %gt3A_62 : i32
      %convert_element_type3A_64 = arith.extui %gt3A_63 : i1 to i32
      %cond3A_65 = arith.constant 0 : i32
      %cond3A_66 = arith.cmpi ne, %convert_element_type3A_64, %cond3A_65 : i32
      scf.if %cond3A_66 {
        %dma_wait3A_85 = arith.constant 0 : i32
        %dma_wait3A_86 = arith.constant 0 : i32
        %dma_wait3A_87 = tpu.memref_slice %arg5[%dma_wait3A_85, %dma_wait3A_86] : memref<626x128xf32, #tpu.memory_space<hbm>> -> memref<128x128xf32, #tpu.memory_space<hbm>>
        %dma_wait3A_88 = arith.constant 0 : i32
        %dma_wait3A_89 = arith.constant 0 : i32
        %dma_wait3A_90 = tpu.memref_slice %arg5[%dma_wait3A_88, %dma_wait3A_89] : memref<626x128xf32, #tpu.memory_space<hbm>> -> memref<128x128xf32, #tpu.memory_space<hbm>>
        tpu.wait_dma2 semaphore(%arg17 : memref<!tpu.dma_semaphore, #tpu.memory_space<semaphore_mem>>) src(%dma_wait3A_90 : memref<128x128xf32, #tpu.memory_space<hbm>>) dst(%arg12 : memref<128x128xf32, #tpu.memory_space<vmem>>)
      } else {
      }
      %add3A_67 = arith.constant 128 : i32
      %add3A_68 = arith.addi %add3A_54, %add3A_67 : i32
      "tpu.region"() ({
        %run_scoped3A = tpu.sem_alloc : memref<!tpu.dma_semaphore, #tpu.memory_space<semaphore_mem>>
        %dma_start3A_85 = tpu.memref_slice %arg3[%add3A_68] : memref<327680xi32, #tpu.memory_space<hbm>> -> memref<128xi32, #tpu.memory_space<hbm>>
        %dma_start3A_86 = tpu.memref_slice %arg3[%add3A_68] : memref<327680xi32, #tpu.memory_space<hbm>> -> memref<128xi32, #tpu.memory_space<hbm>>
        tpu.enqueue_dma source(%dma_start3A_86 : memref<128xi32, #tpu.memory_space<hbm>>) target(%arg9 : memref<128xi32, #tpu.memory_space<vmem>>) target_semaphore(%run_scoped3A : memref<!tpu.dma_semaphore, #tpu.memory_space<semaphore_mem>>)
        %dma_wait3A_87 = tpu.memref_slice %arg3[%add3A_68] : memref<327680xi32, #tpu.memory_space<hbm>> -> memref<128xi32, #tpu.memory_space<hbm>>
        %dma_wait3A_88 = tpu.memref_slice %arg3[%add3A_68] : memref<327680xi32, #tpu.memory_space<hbm>> -> memref<128xi32, #tpu.memory_space<hbm>>
        tpu.wait_dma2 semaphore(%run_scoped3A : memref<!tpu.dma_semaphore, #tpu.memory_space<semaphore_mem>>) src(%dma_wait3A_88 : memref<128xi32, #tpu.memory_space<hbm>>) dst(%arg9 : memref<128xi32, #tpu.memory_space<vmem>>)
        tpu.yield
      }) : () -> ()
      %add3A_69 = arith.constant 128 : i32
      %add3A_70 = arith.addi %add3A_54, %add3A_69 : i32
      "tpu.region"() ({
        %run_scoped3A = tpu.sem_alloc : memref<!tpu.dma_semaphore, #tpu.memory_space<semaphore_mem>>
        %dma_start3A_85 = tpu.memref_slice %arg4[%add3A_70] : memref<327680xi32, #tpu.memory_space<hbm>> -> memref<128xi32, #tpu.memory_space<hbm>>
        %dma_start3A_86 = tpu.memref_slice %arg4[%add3A_70] : memref<327680xi32, #tpu.memory_space<hbm>> -> memref<128xi32, #tpu.memory_space<hbm>>
        tpu.enqueue_dma source(%dma_start3A_86 : memref<128xi32, #tpu.memory_space<hbm>>) target(%arg10 : memref<128xi32, #tpu.memory_space<vmem>>) target_semaphore(%run_scoped3A : memref<!tpu.dma_semaphore, #tpu.memory_space<semaphore_mem>>)
        %dma_wait3A_87 = tpu.memref_slice %arg4[%add3A_70] : memref<327680xi32, #tpu.memory_space<hbm>> -> memref<128xi32, #tpu.memory_space<hbm>>
        %dma_wait3A_88 = tpu.memref_slice %arg4[%add3A_70] : memref<327680xi32, #tpu.memory_space<hbm>> -> memref<128xi32, #tpu.memory_space<hbm>>
        tpu.wait_dma2 semaphore(%run_scoped3A : memref<!tpu.dma_semaphore, #tpu.memory_space<semaphore_mem>>) src(%dma_wait3A_88 : memref<128xi32, #tpu.memory_space<hbm>>) dst(%arg10 : memref<128xi32, #tpu.memory_space<vmem>>)
        tpu.yield
      }) : () -> ()
      %dma_start3A_71 = arith.constant 0 : i32
      %dma_start3A_72 = arith.constant 0 : i32
      %dma_start3A_73 = tpu.memref_slice %arg2[%dma_start3A_71, %dma_start3A_72] : memref<10000x128xf32, #tpu.memory_space<hbm>> -> memref<10000x128xf32, #tpu.memory_space<hbm>>
      tpu.enqueue_indirect_dma source(%dma_start3A_73 : memref<10000x128xf32, #tpu.memory_space<hbm>>) target(%arg12 : memref<128x128xf32, #tpu.memory_space<vmem>>) offsets(%arg9 : memref<128xi32, #tpu.memory_space<vmem>>) semaphore(%arg15 : memref<!tpu.dma_semaphore, #tpu.memory_space<semaphore_mem>>)
      %dma_wait3A = arith.constant 0 : i32
      %dma_wait3A_74 = arith.constant 0 : i32
      %dma_wait3A_75 = tpu.memref_slice %arg2[%dma_wait3A, %dma_wait3A_74] : memref<10000x128xf32, #tpu.memory_space<hbm>> -> memref<10000x128xf32, #tpu.memory_space<hbm>>
      tpu.wait_indirect_dma semaphore(%arg14 : memref<!tpu.dma_semaphore, #tpu.memory_space<semaphore_mem>>) src(%dma_wait3A_75 : memref<10000x128xf32, #tpu.memory_space<hbm>>) dst(%arg11 : memref<128x128xf32, #tpu.memory_space<vmem>>)
      %dma_start3A_76 = arith.constant 0 : i32
      %dma_start3A_77 = arith.constant 0 : i32
      %dma_start3A_78 = tpu.memref_slice %arg13[%dma_start3A_76, %dma_start3A_77] : memref<10016x128xf32, #tpu.memory_space<vmem_shared>> -> memref<10016x128xf32, #tpu.memory_space<vmem_shared>>
      tpu.enqueue_indirect_dma source(%arg11 : memref<128x128xf32, #tpu.memory_space<vmem>>) target(%dma_start3A_78 : memref<10016x128xf32, #tpu.memory_space<vmem_shared>>) offsets(%arg8 : memref<128xi32, #tpu.memory_space<vmem>>) semaphore(%arg16 : memref<!tpu.dma_semaphore, #tpu.memory_space<semaphore_mem>>) {add = true}
      %dma_wait3A_79 = arith.constant 0 : i32
      %dma_wait3A_80 = arith.constant 0 : i32
      %dma_wait3A_81 = tpu.memref_slice %arg2[%dma_wait3A_79, %dma_wait3A_80] : memref<10000x128xf32, #tpu.memory_space<hbm>> -> memref<10000x128xf32, #tpu.memory_space<hbm>>
      tpu.wait_indirect_dma semaphore(%arg15 : memref<!tpu.dma_semaphore, #tpu.memory_space<semaphore_mem>>) src(%dma_wait3A_81 : memref<10000x128xf32, #tpu.memory_space<hbm>>) dst(%arg12 : memref<128x128xf32, #tpu.memory_space<vmem>>)
      %dma_start3A_82 = arith.constant 0 : i32
      %dma_start3A_83 = arith.constant 0 : i32
      %dma_start3A_84 = tpu.memref_slice %arg13[%dma_start3A_82, %dma_start3A_83] : memref<10016x128xf32, #tpu.memory_space<vmem_shared>> -> memref<10016x128xf32, #tpu.memory_space<vmem_shared>>
      tpu.enqueue_indirect_dma source(%arg12 : memref<128x128xf32, #tpu.memory_space<vmem>>) target(%dma_start3A_84 : memref<10016x128xf32, #tpu.memory_space<vmem_shared>>) offsets(%arg10 : memref<128xi32, #tpu.memory_space<vmem>>) semaphore(%arg17 : memref<!tpu.dma_semaphore, #tpu.memory_space<semaphore_mem>>) {add = true}
    }
    %while3A_37 = arith.constant 1 : i32
    scf.for %while3A_49 = %while3A_35 to %while3A_31 step %while3A_37  : i32 {
      %mul3A_50 = arith.constant 2 : i32
      %mul3A_51 = arith.muli %mul3A_50, %while3A_49 : i32
      %mul3A_52 = arith.constant 128 : i32
      %mul3A_53 = arith.muli %mul3A_51, %mul3A_52 : i32
      %add3A_54 = arith.addi %select_n3A, %mul3A_53 : i32
      %gt3A_55 = arith.constant 0 : i32
      %gt3A_56 = arith.cmpi sgt, %while3A_49, %gt3A_55 : i32
      %convert_element_type3A_57 = arith.extui %gt3A_56 : i1 to i32
      %cond3A_58 = arith.constant 0 : i32
      %cond3A_59 = arith.cmpi ne, %convert_element_type3A_57, %cond3A_58 : i32
      scf.if %cond3A_59 {
        %dma_wait3A_85 = arith.constant 0 : i32
        %dma_wait3A_86 = arith.constant 0 : i32
        %dma_wait3A_87 = tpu.memref_slice %arg5[%dma_wait3A_85, %dma_wait3A_86] : memref<626x128xf32, #tpu.memory_space<hbm>> -> memref<128x128xf32, #tpu.memory_space<hbm>>
        %dma_wait3A_88 = arith.constant 0 : i32
        %dma_wait3A_89 = arith.constant 0 : i32
        %dma_wait3A_90 = tpu.memref_slice %arg5[%dma_wait3A_88, %dma_wait3A_89] : memref<626x128xf32, #tpu.memory_space<hbm>> -> memref<128x128xf32, #tpu.memory_space<hbm>>
        tpu.wait_dma2 semaphore(%arg16 : memref<!tpu.dma_semaphore, #tpu.memory_space<semaphore_mem>>) src(%dma_wait3A_90 : memref<128x128xf32, #tpu.memory_space<hbm>>) dst(%arg11 : memref<128x128xf32, #tpu.memory_space<vmem>>)
      } else {
      }
      "tpu.region"() ({
        %run_scoped3A = tpu.sem_alloc : memref<!tpu.dma_semaphore, #tpu.memory_space<semaphore_mem>>
        %dma_start3A_85 = tpu.memref_slice %arg3[%add3A_54] : memref<327680xi32, #tpu.memory_space<hbm>> -> memref<128xi32, #tpu.memory_space<hbm>>
        %dma_start3A_86 = tpu.memref_slice %arg3[%add3A_54] : memref<327680xi32, #tpu.memory_space<hbm>> -> memref<128xi32, #tpu.memory_space<hbm>>
        tpu.enqueue_dma source(%dma_start3A_86 : memref<128xi32, #tpu.memory_space<hbm>>) target(%arg7 : memref<128xi32, #tpu.memory_space<vmem>>) target_semaphore(%run_scoped3A : memref<!tpu.dma_semaphore, #tpu.memory_space<semaphore_mem>>)
        %dma_wait3A_87 = tpu.memref_slice %arg3[%add3A_54] : memref<327680xi32, #tpu.memory_space<hbm>> -> memref<128xi32, #tpu.memory_space<hbm>>
        %dma_wait3A_88 = tpu.memref_slice %arg3[%add3A_54] : memref<327680xi32, #tpu.memory_space<hbm>> -> memref<128xi32, #tpu.memory_space<hbm>>
        tpu.wait_dma2 semaphore(%run_scoped3A : memref<!tpu.dma_semaphore, #tpu.memory_space<semaphore_mem>>) src(%dma_wait3A_88 : memref<128xi32, #tpu.memory_space<hbm>>) dst(%arg7 : memref<128xi32, #tpu.memory_space<vmem>>)
        tpu.yield
      }) : () -> ()
      "tpu.region"() ({
        %run_scoped3A = tpu.sem_alloc : memref<!tpu.dma_semaphore, #tpu.memory_space<semaphore_mem>>
        %dma_start3A_85 = tpu.memref_slice %arg4[%add3A_54] : memref<327680xi32, #tpu.memory_space<hbm>> -> memref<128xi32, #tpu.memory_space<hbm>>
        %dma_start3A_86 = tpu.memref_slice %arg4[%add3A_54] : memref<327680xi32, #tpu.memory_space<hbm>> -> memref<128xi32, #tpu.memory_space<hbm>>
        tpu.enqueue_dma source(%dma_start3A_86 : memref<128xi32, #tpu.memory_space<hbm>>) target(%arg8 : memref<128xi32, #tpu.memory_space<vmem>>) target_semaphore(%run_scoped3A : memref<!tpu.dma_semaphore, #tpu.memory_space<semaphore_mem>>)
        %dma_wait3A_87 = tpu.memref_slice %arg4[%add3A_54] : memref<327680xi32, #tpu.memory_space<hbm>> -> memref<128xi32, #tpu.memory_space<hbm>>
        %dma_wait3A_88 = tpu.memref_slice %arg4[%add3A_54] : memref<327680xi32, #tpu.memory_space<hbm>> -> memref<128xi32, #tpu.memory_space<hbm>>
        tpu.wait_dma2 semaphore(%run_scoped3A : memref<!tpu.dma_semaphore, #tpu.memory_space<semaphore_mem>>) src(%dma_wait3A_88 : memref<128xi32, #tpu.memory_space<hbm>>) dst(%arg8 : memref<128xi32, #tpu.memory_space<vmem>>)
        tpu.yield
      }) : () -> ()
      %dma_start3A = arith.constant 0 : i32
      %dma_start3A_60 = arith.constant 0 : i32
      %dma_start3A_61 = tpu.memref_slice %arg2[%dma_start3A, %dma_start3A_60] : memref<10000x128xf32, #tpu.memory_space<hbm>> -> memref<10000x128xf32, #tpu.memory_space<hbm>>
      tpu.enqueue_indirect_dma source(%dma_start3A_61 : memref<10000x128xf32, #tpu.memory_space<hbm>>) target(%arg11 : memref<128x128xf32, #tpu.memory_space<vmem>>) offsets(%arg7 : memref<128xi32, #tpu.memory_space<vmem>>) semaphore(%arg14 : memref<!tpu.dma_semaphore, #tpu.memory_space<semaphore_mem>>)
      %gt3A_62 = arith.constant 0 : i32
      %gt3A_63 = arith.cmpi sgt, %while3A_49, %gt3A_62 : i32
      %convert_element_type3A_64 = arith.extui %gt3A_63 : i1 to i32
      %cond3A_65 = arith.constant 0 : i32
      %cond3A_66 = arith.cmpi ne, %convert_element_type3A_64, %cond3A_65 : i32
      scf.if %cond3A_66 {
        %dma_wait3A_85 = arith.constant 0 : i32
        %dma_wait3A_86 = arith.constant 0 : i32
        %dma_wait3A_87 = tpu.memref_slice %arg5[%dma_wait3A_85, %dma_wait3A_86] : memref<626x128xf32, #tpu.memory_space<hbm>> -> memref<128x128xf32, #tpu.memory_space<hbm>>
        %dma_wait3A_88 = arith.constant 0 : i32
        %dma_wait3A_89 = arith.constant 0 : i32
        %dma_wait3A_90 = tpu.memref_slice %arg5[%dma_wait3A_88, %dma_wait3A_89] : memref<626x128xf32, #tpu.memory_space<hbm>> -> memref<128x128xf32, #tpu.memory_space<hbm>>
        tpu.wait_dma2 semaphore(%arg17 : memref<!tpu.dma_semaphore, #tpu.memory_space<semaphore_mem>>) src(%dma_wait3A_90 : memref<128x128xf32, #tpu.memory_space<hbm>>) dst(%arg12 : memref<128x128xf32, #tpu.memory_space<vmem>>)
      } else {
      }
      %add3A_67 = arith.constant 128 : i32
      %add3A_68 = arith.addi %add3A_54, %add3A_67 : i32
      "tpu.region"() ({
        %run_scoped3A = tpu.sem_alloc : memref<!tpu.dma_semaphore, #tpu.memory_space<semaphore_mem>>
        %dma_start3A_85 = tpu.memref_slice %arg3[%add3A_68] : memref<327680xi32, #tpu.memory_space<hbm>> -> memref<128xi32, #tpu.memory_space<hbm>>
        %dma_start3A_86 = tpu.memref_slice %arg3[%add3A_68] : memref<327680xi32, #tpu.memory_space<hbm>> -> memref<128xi32, #tpu.memory_space<hbm>>
        tpu.enqueue_dma source(%dma_start3A_86 : memref<128xi32, #tpu.memory_space<hbm>>) target(%arg9 : memref<128xi32, #tpu.memory_space<vmem>>) target_semaphore(%run_scoped3A : memref<!tpu.dma_semaphore, #tpu.memory_space<semaphore_mem>>)
        %dma_wait3A_87 = tpu.memref_slice %arg3[%add3A_68] : memref<327680xi32, #tpu.memory_space<hbm>> -> memref<128xi32, #tpu.memory_space<hbm>>
        %dma_wait3A_88 = tpu.memref_slice %arg3[%add3A_68] : memref<327680xi32, #tpu.memory_space<hbm>> -> memref<128xi32, #tpu.memory_space<hbm>>
        tpu.wait_dma2 semaphore(%run_scoped3A : memref<!tpu.dma_semaphore, #tpu.memory_space<semaphore_mem>>) src(%dma_wait3A_88 : memref<128xi32, #tpu.memory_space<hbm>>) dst(%arg9 : memref<128xi32, #tpu.memory_space<vmem>>)
        tpu.yield
      }) : () -> ()
      %add3A_69 = arith.constant 128 : i32
      %add3A_70 = arith.addi %add3A_54, %add3A_69 : i32
      "tpu.region"() ({
        %run_scoped3A = tpu.sem_alloc : memref<!tpu.dma_semaphore, #tpu.memory_space<semaphore_mem>>
        %dma_start3A_85 = tpu.memref_slice %arg4[%add3A_70] : memref<327680xi32, #tpu.memory_space<hbm>> -> memref<128xi32, #tpu.memory_space<hbm>>
        %dma_start3A_86 = tpu.memref_slice %arg4[%add3A_70] : memref<327680xi32, #tpu.memory_space<hbm>> -> memref<128xi32, #tpu.memory_space<hbm>>
        tpu.enqueue_dma source(%dma_start3A_86 : memref<128xi32, #tpu.memory_space<hbm>>) target(%arg10 : memref<128xi32, #tpu.memory_space<vmem>>) target_semaphore(%run_scoped3A : memref<!tpu.dma_semaphore, #tpu.memory_space<semaphore_mem>>)
        %dma_wait3A_87 = tpu.memref_slice %arg4[%add3A_70] : memref<327680xi32, #tpu.memory_space<hbm>> -> memref<128xi32, #tpu.memory_space<hbm>>
        %dma_wait3A_88 = tpu.memref_slice %arg4[%add3A_70] : memref<327680xi32, #tpu.memory_space<hbm>> -> memref<128xi32, #tpu.memory_space<hbm>>
        tpu.wait_dma2 semaphore(%run_scoped3A : memref<!tpu.dma_semaphore, #tpu.memory_space<semaphore_mem>>) src(%dma_wait3A_88 : memref<128xi32, #tpu.memory_space<hbm>>) dst(%arg10 : memref<128xi32, #tpu.memory_space<vmem>>)
        tpu.yield
      }) : () -> ()
      %dma_start3A_71 = arith.constant 0 : i32
      %dma_start3A_72 = arith.constant 0 : i32
      %dma_start3A_73 = tpu.memref_slice %arg2[%dma_start3A_71, %dma_start3A_72] : memref<10000x128xf32, #tpu.memory_space<hbm>> -> memref<10000x128xf32, #tpu.memory_space<hbm>>
      tpu.enqueue_indirect_dma source(%dma_start3A_73 : memref<10000x128xf32, #tpu.memory_space<hbm>>) target(%arg12 : memref<128x128xf32, #tpu.memory_space<vmem>>) offsets(%arg9 : memref<128xi32, #tpu.memory_space<vmem>>) semaphore(%arg15 : memref<!tpu.dma_semaphore, #tpu.memory_space<semaphore_mem>>)
      %dma_wait3A = arith.constant 0 : i32
      %dma_wait3A_74 = arith.constant 0 : i32
      %dma_wait3A_75 = tpu.memref_slice %arg2[%dma_wait3A, %dma_wait3A_74] : memref<10000x128xf32, #tpu.memory_space<hbm>> -> memref<10000x128xf32, #tpu.memory_space<hbm>>
      tpu.wait_indirect_dma semaphore(%arg14 : memref<!tpu.dma_semaphore, #tpu.memory_space<semaphore_mem>>) src(%dma_wait3A_75 : memref<10000x128xf32, #tpu.memory_space<hbm>>) dst(%arg11 : memref<128x128xf32, #tpu.memory_space<vmem>>)
      %dma_start3A_76 = arith.constant 0 : i32
      %dma_start3A_77 = arith.constant 0 : i32
      %dma_start3A_78 = tpu.memref_slice %arg13[%dma_start3A_76, %dma_start3A_77] : memref<10016x128xf32, #tpu.memory_space<vmem_shared>> -> memref<10016x128xf32, #tpu.memory_space<vmem_shared>>
      tpu.enqueue_indirect_dma source(%arg11 : memref<128x128xf32, #tpu.memory_space<vmem>>) target(%dma_start3A_78 : memref<10016x128xf32, #tpu.memory_space<vmem_shared>>) offsets(%arg8 : memref<128xi32, #tpu.memory_space<vmem>>) semaphore(%arg16 : memref<!tpu.dma_semaphore, #tpu.memory_space<semaphore_mem>>) {add = true}
      %dma_wait3A_79 = arith.constant 0 : i32
      %dma_wait3A_80 = arith.constant 0 : i32
      %dma_wait3A_81 = tpu.memref_slice %arg2[%dma_wait3A_79, %dma_wait3A_80] : memref<10000x128xf32, #tpu.memory_space<hbm>> -> memref<10000x128xf32, #tpu.memory_space<hbm>>
      tpu.wait_indirect_dma semaphore(%arg15 : memref<!tpu.dma_semaphore, #tpu.memory_space<semaphore_mem>>) src(%dma_wait3A_81 : memref<10000x128xf32, #tpu.memory_space<hbm>>) dst(%arg12 : memref<128x128xf32, #tpu.memory_space<vmem>>)
      %dma_start3A_82 = arith.constant 0 : i32
      %dma_start3A_83 = arith.constant 0 : i32
      %dma_start3A_84 = tpu.memref_slice %arg13[%dma_start3A_82, %dma_start3A_83] : memref<10016x128xf32, #tpu.memory_space<vmem_shared>> -> memref<10016x128xf32, #tpu.memory_space<vmem_shared>>
      tpu.enqueue_indirect_dma source(%arg12 : memref<128x128xf32, #tpu.memory_space<vmem>>) target(%dma_start3A_84 : memref<10016x128xf32, #tpu.memory_space<vmem_shared>>) offsets(%arg10 : memref<128xi32, #tpu.memory_space<vmem>>) semaphore(%arg17 : memref<!tpu.dma_semaphore, #tpu.memory_space<semaphore_mem>>) {add = true}
    }
    %gt3A_38 = arith.constant 0 : i32
    %gt3A_39 = arith.cmpi sgt, %select_n3A_8, %gt3A_38 : i32
    %convert_element_type3A_40 = arith.extui %gt3A_39 : i1 to i32
    %cond3A_41 = arith.constant 0 : i32
    %cond3A_42 = arith.cmpi ne, %convert_element_type3A_40, %cond3A_41 : i32
    scf.if %cond3A_42 {
      %dma_wait3A = arith.constant 0 : i32
      %dma_wait3A_49 = arith.constant 0 : i32
      %dma_wait3A_50 = tpu.memref_slice %arg5[%dma_wait3A, %dma_wait3A_49] : memref<626x128xf32, #tpu.memory_space<hbm>> -> memref<128x128xf32, #tpu.memory_space<hbm>>
      %dma_wait3A_51 = arith.constant 0 : i32
      %dma_wait3A_52 = arith.constant 0 : i32
      %dma_wait3A_53 = tpu.memref_slice %arg5[%dma_wait3A_51, %dma_wait3A_52] : memref<626x128xf32, #tpu.memory_space<hbm>> -> memref<128x128xf32, #tpu.memory_space<hbm>>
      tpu.wait_dma2 semaphore(%arg16 : memref<!tpu.dma_semaphore, #tpu.memory_space<semaphore_mem>>) src(%dma_wait3A_53 : memref<128x128xf32, #tpu.memory_space<hbm>>) dst(%arg11 : memref<128x128xf32, #tpu.memory_space<vmem>>)
      %dma_wait3A_54 = arith.constant 0 : i32
      %dma_wait3A_55 = arith.constant 0 : i32
      %dma_wait3A_56 = tpu.memref_slice %arg5[%dma_wait3A_54, %dma_wait3A_55] : memref<626x128xf32, #tpu.memory_space<hbm>> -> memref<128x128xf32, #tpu.memory_space<hbm>>
      %dma_wait3A_57 = arith.constant 0 : i32
      %dma_wait3A_58 = arith.constant 0 : i32
      %dma_wait3A_59 = tpu.memref_slice %arg5[%dma_wait3A_57, %dma_wait3A_58] : memref<626x128xf32, #tpu.memory_space<hbm>> -> memref<128x128xf32, #tpu.memory_space<hbm>>
      tpu.wait_dma2 semaphore(%arg17 : memref<!tpu.dma_semaphore, #tpu.memory_space<semaphore_mem>>) src(%dma_wait3A_59 : memref<128x128xf32, #tpu.memory_space<hbm>>) dst(%arg12 : memref<128x128xf32, #tpu.memory_space<vmem>>)
    } else {
    }
    %barrier3A_43 = arith.constant 0 : index
    tpu.barrier barrier_id(%barrier3A_43)
    %gt3A_44 = arith.constant 0 : i32
    %gt3A_45 = arith.cmpi sgt, %select_n3A_8, %gt3A_44 : i32
    %convert_element_type3A_46 = arith.extui %gt3A_45 : i1 to i32
    %cond3A_47 = arith.constant 0 : i32
    %cond3A_48 = arith.cmpi ne, %convert_element_type3A_46, %cond3A_47 : i32
    scf.if %cond3A_48 {
      %mul3A_49 = arith.constant 625 : i32
      %mul3A_50 = arith.muli %arg1, %mul3A_49 : i32
      %mul3A_51 = arith.constant 625 : i32
      %mul3A_52 = arith.muli %arg1, %mul3A_51 : i32
      "tpu.region"() ({
        %run_scoped3A = tpu.sem_alloc : memref<!tpu.dma_semaphore, #tpu.memory_space<semaphore_mem>>
        %dma_start3A = arith.constant 0 : i32
        %dma_start3A_53 = tpu.memref_slice %arg6[%arg0, %mul3A_52, %dma_start3A] : memref<2x10000x128xf32, #tpu.memory_space<hbm>> -> memref<1x625x128xf32, #tpu.memory_space<hbm>>
        %dma_start3A_54 = tpu.memref_squeeze %dma_start3A_53 : memref<1x625x128xf32, #tpu.memory_space<hbm>> -> memref<625x128xf32, #tpu.memory_space<hbm>>
        %dma_start3A_55 = arith.constant 0 : i32
        %dma_start3A_56 = tpu.memref_slice %arg13[%mul3A_50, %dma_start3A_55] : memref<10016x128xf32, #tpu.memory_space<vmem_shared>> -> memref<625x128xf32, #tpu.memory_space<vmem_shared>>
        tpu.enqueue_dma source(%dma_start3A_56 : memref<625x128xf32, #tpu.memory_space<vmem_shared>>) target(%dma_start3A_54 : memref<625x128xf32, #tpu.memory_space<hbm>>) target_semaphore(%run_scoped3A : memref<!tpu.dma_semaphore, #tpu.memory_space<semaphore_mem>>)
        %dma_wait3A = arith.constant 0 : i32
        %dma_wait3A_57 = tpu.memref_slice %arg6[%arg0, %mul3A_52, %dma_wait3A] : memref<2x10000x128xf32, #tpu.memory_space<hbm>> -> memref<1x625x128xf32, #tpu.memory_space<hbm>>
        %dma_wait3A_58 = tpu.memref_squeeze %dma_wait3A_57 : memref<1x625x128xf32, #tpu.memory_space<hbm>> -> memref<625x128xf32, #tpu.memory_space<hbm>>
        %dma_wait3A_59 = arith.constant 0 : i32
        %dma_wait3A_60 = tpu.memref_slice %arg13[%mul3A_50, %dma_wait3A_59] : memref<10016x128xf32, #tpu.memory_space<vmem_shared>> -> memref<625x128xf32, #tpu.memory_space<vmem_shared>>
        tpu.wait_dma2 semaphore(%run_scoped3A : memref<!tpu.dma_semaphore, #tpu.memory_space<semaphore_mem>>) src(%dma_wait3A_60 : memref<625x128xf32, #tpu.memory_space<vmem_shared>>) dst(%dma_wait3A_58 : memref<625x128xf32, #tpu.memory_space<hbm>>)
        tpu.yield
      }) : () -> ()
    } else {
    }
    return
  }
}

#map = affine_map<(d0, d1) -> (0, 0)>
#map1 = affine_map<(d0, d1) -> (0)>
#map2 = affine_map<(d0, d1) -> (0, 0, 0)>
module attributes {stable_mosaic.version = 14 : i64} {
  func.func @_agg_body(%arg0: i32, %arg1: i32, %arg2: memref<10000x128xf32, #tpu.memory_space<hbm>>, %arg3: memref<327680xi32, #tpu.memory_space<hbm>>, %arg4: memref<327680xi32, #tpu.memory_space<hbm>>, %arg5: memref<626x128xf32, #tpu.memory_space<hbm>>, %arg6: memref<2x10000x128xf32, #tpu.memory_space<hbm>>, %arg7: memref<128xi32, #tpu.memory_space<vmem>>, %arg8: memref<128xi32, #tpu.memory_space<vmem>>, %arg9: memref<128xi32, #tpu.memory_space<vmem>>, %arg10: memref<128xi32, #tpu.memory_space<vmem>>, %arg11: memref<128x128xf32, #tpu.memory_space<vmem>>, %arg12: memref<128x128xf32, #tpu.memory_space<vmem>>, %arg13: memref<10016x128xf32, #tpu.memory_space<vmem_shared>>, %arg14: memref<!tpu.dma_semaphore, #tpu.memory_space<semaphore_mem>>, %arg15: memref<!tpu.dma_semaphore, #tpu.memory_space<semaphore_mem>>, %arg16: memref<!tpu.dma_semaphore, #tpu.memory_space<semaphore_mem>>, %arg17: memref<!tpu.dma_semaphore, #tpu.memory_space<semaphore_mem>>) attributes {dimension_semantics = [#tpu.dimension_semantics<core_parallel>, #tpu.dimension_semantics<subcore_parallel>], iteration_bounds = array<i64: 2, 16>, scalar_prefetch = 0 : i64, scratch_operands = 11 : i64, tpu.core_type = #tpu.core_type<sc_vector_subcore>, window_params = [{transform_indices = #map}, {transform_indices = #map1}, {transform_indices = #map1}, {transform_indices = #map}, {transform_indices = #map2}]} {
    %eq3A = arith.constant 0 : i32
    %eq3A_0 = arith.cmpi eq, %arg0, %eq3A : i32
    %mul3A = arith.constant 17408 : i32
    %mul3A_1 = arith.muli %arg1, %mul3A : i32
    %mul3A_2 = arith.constant 3072 : i32
    %mul3A_3 = arith.muli %arg1, %mul3A_2 : i32
    %add3A = arith.constant 278528 : i32
    %add3A_4 = arith.addi %add3A, %mul3A_3 : i32
    %select_n3A = arith.select %eq3A_0, %mul3A_1, %add3A_4 : i32
    %eq3A_5 = arith.constant 0 : i32
    %eq3A_6 = arith.cmpi eq, %arg0, %eq3A_5 : i32
    %jit3A = arith.constant 136 : i32
    %jit3A_7 = arith.constant 24 : i32
    %select_n3A_8 = arith.select %eq3A_6, %jit3A, %jit3A_7 : i32
    %gt3A = arith.constant 0 : i32
    %gt3A_9 = arith.cmpi sgt, %select_n3A_8, %gt3A : i32
    %convert_element_type3A = arith.extui %gt3A_9 : i1 to i32
    %cond3A = arith.constant 0 : i32
    %cond3A_10 = arith.cmpi ne, %convert_element_type3A, %cond3A : i32
    scf.if %cond3A_10 {
      %mul3A_49 = arith.constant 626 : i32
      %mul3A_50 = arith.muli %arg1, %mul3A_49 : i32
      "tpu.region"() ({
        %run_scoped3A = tpu.sem_alloc : memref<!tpu.dma_semaphore, #tpu.memory_space<semaphore_mem>>
        %dma_start3A = arith.constant 0 : i32
        %dma_start3A_51 = tpu.memref_slice %arg13[%mul3A_50, %dma_start3A] : memref<10016x128xf32, #tpu.memory_space<vmem_shared>> -> memref<626x128xf32, #tpu.memory_space<vmem_shared>>
        tpu.enqueue_dma source(%arg5 : memref<626x128xf32, #tpu.memory_space<hbm>>) target(%dma_start3A_51 : memref<626x128xf32, #tpu.memory_space<vmem_shared>>) target_semaphore(%run_scoped3A : memref<!tpu.dma_semaphore, #tpu.memory_space<semaphore_mem>>)
        %dma_wait3A = arith.constant 0 : i32
        %dma_wait3A_52 = tpu.memref_slice %arg13[%mul3A_50, %dma_wait3A] : memref<10016x128xf32, #tpu.memory_space<vmem_shared>> -> memref<626x128xf32, #tpu.memory_space<vmem_shared>>
        tpu.wait_dma2 semaphore(%run_scoped3A : memref<!tpu.dma_semaphore, #tpu.memory_space<semaphore_mem>>) src(%arg5 : memref<626x128xf32, #tpu.memory_space<hbm>>) dst(%dma_wait3A_52 : memref<626x128xf32, #tpu.memory_space<vmem_shared>>)
        tpu.yield
      }) : () -> ()
    } else {
    }
    %barrier3A = arith.constant 0 : index
    tpu.barrier barrier_id(%barrier3A)
    %jit3A_11 = arith.constant 2 : i32
    %div3A = arith.divsi %select_n3A_8, %jit3A_11 : i32
    %sign3A = arith.constant 0 : i32
    %sign3A_12 = arith.cmpi sgt, %select_n3A_8, %sign3A : i32
    %sign3A_13 = arith.extui %sign3A_12 : i1 to i32
    %sign3A_14 = arith.constant 0 : i32
    %sign3A_15 = arith.cmpi slt, %select_n3A_8, %sign3A_14 : i32
    %sign3A_16 = arith.extui %sign3A_15 : i1 to i32
    %sign3A_17 = arith.subi %sign3A_13, %sign3A_16 : i32
    %sign3A_18 = arith.constant 0 : i32
    %sign3A_19 = arith.cmpi sgt, %jit3A_11, %sign3A_18 : i32
    %sign3A_20 = arith.extui %sign3A_19 : i1 to i32
    %sign3A_21 = arith.constant 0 : i32
    %sign3A_22 = arith.cmpi slt, %jit3A_11, %sign3A_21 : i32
    %sign3A_23 = arith.extui %sign3A_22 : i1 to i32
    %sign3A_24 = arith.subi %sign3A_20, %sign3A_23 : i32
    %ne3A = arith.cmpi ne, %sign3A_17, %sign3A_24 : i32
    %rem3A = arith.remsi %select_n3A_8, %jit3A_11 : i32
    %ne3A_25 = arith.constant 0 : i32
    %ne3A_26 = arith.cmpi ne, %rem3A, %ne3A_25 : i32
    %and3A = arith.andi %ne3A, %ne3A_26 : i1
    %sub3A = arith.constant 1 : i32
    %sub3A_27 = arith.subi %div3A, %sub3A : i32
    %select_n3A_28 = arith.select %and3A, %sub3A_27, %div3A : i32
    %while3A = arith.constant 0 : i32
    %while3A_29 = arith.constant 0 : i32
    %while3A_30 = arith.subi %select_n3A_28, %while3A_29 : i32
    %while3A_31 = arith.addi %while3A_29, %while3A_30 : i32
    %while3A_32 = arith.constant 1 : i32
    %while3A_33 = arith.divsi %while3A_30, %while3A_32 : i32
    %while3A_34 = arith.muli %while3A_33, %while3A_32 : i32
    %while3A_35 = arith.addi %while3A_29, %while3A_34 : i32
    %while3A_36 = arith.constant 1 : i32
    scf.for %while3A_49 = %while3A_29 to %while3A_35 step %while3A_36  : i32 {
      %mul3A_50 = arith.constant 2 : i32
      %mul3A_51 = arith.muli %mul3A_50, %while3A_49 : i32
      %mul3A_52 = arith.constant 128 : i32
      %mul3A_53 = arith.muli %mul3A_51, %mul3A_52 : i32
      %add3A_54 = arith.addi %select_n3A, %mul3A_53 : i32
      %gt3A_55 = arith.constant 0 : i32
      %gt3A_56 = arith.cmpi sgt, %while3A_49, %gt3A_55 : i32
      %convert_element_type3A_57 = arith.extui %gt3A_56 : i1 to i32
      %cond3A_58 = arith.constant 0 : i32
      %cond3A_59 = arith.cmpi ne, %convert_element_type3A_57, %cond3A_58 : i32
      scf.if %cond3A_59 {
        %dma_wait3A_85 = arith.constant 0 : i32
        %dma_wait3A_86 = arith.constant 0 : i32
        %dma_wait3A_87 = tpu.memref_slice %arg5[%dma_wait3A_85, %dma_wait3A_86] : memref<626x128xf32, #tpu.memory_space<hbm>> -> memref<128x128xf32, #tpu.memory_space<hbm>>
        %dma_wait3A_88 = arith.constant 0 : i32
        %dma_wait3A_89 = arith.constant 0 : i32
        %dma_wait3A_90 = tpu.memref_slice %arg5[%dma_wait3A_88, %dma_wait3A_89] : memref<626x128xf32, #tpu.memory_space<hbm>> -> memref<128x128xf32, #tpu.memory_space<hbm>>
        tpu.wait_dma2 semaphore(%arg16 : memref<!tpu.dma_semaphore, #tpu.memory_space<semaphore_mem>>) src(%dma_wait3A_90 : memref<128x128xf32, #tpu.memory_space<hbm>>) dst(%arg11 : memref<128x128xf32, #tpu.memory_space<vmem>>)
      } else {
      }
      "tpu.region"() ({
        %run_scoped3A = tpu.sem_alloc : memref<!tpu.dma_semaphore, #tpu.memory_space<semaphore_mem>>
        %dma_start3A_85 = tpu.memref_slice %arg3[%add3A_54] : memref<327680xi32, #tpu.memory_space<hbm>> -> memref<128xi32, #tpu.memory_space<hbm>>
        %dma_start3A_86 = tpu.memref_slice %arg3[%add3A_54] : memref<327680xi32, #tpu.memory_space<hbm>> -> memref<128xi32, #tpu.memory_space<hbm>>
        tpu.enqueue_dma source(%dma_start3A_86 : memref<128xi32, #tpu.memory_space<hbm>>) target(%arg7 : memref<128xi32, #tpu.memory_space<vmem>>) target_semaphore(%run_scoped3A : memref<!tpu.dma_semaphore, #tpu.memory_space<semaphore_mem>>)
        %dma_wait3A_87 = tpu.memref_slice %arg3[%add3A_54] : memref<327680xi32, #tpu.memory_space<hbm>> -> memref<128xi32, #tpu.memory_space<hbm>>
        %dma_wait3A_88 = tpu.memref_slice %arg3[%add3A_54] : memref<327680xi32, #tpu.memory_space<hbm>> -> memref<128xi32, #tpu.memory_space<hbm>>
        tpu.wait_dma2 semaphore(%run_scoped3A : memref<!tpu.dma_semaphore, #tpu.memory_space<semaphore_mem>>) src(%dma_wait3A_88 : memref<128xi32, #tpu.memory_space<hbm>>) dst(%arg7 : memref<128xi32, #tpu.memory_space<vmem>>)
        tpu.yield
      }) : () -> ()
      "tpu.region"() ({
        %run_scoped3A = tpu.sem_alloc : memref<!tpu.dma_semaphore, #tpu.memory_space<semaphore_mem>>
        %dma_start3A_85 = tpu.memref_slice %arg4[%add3A_54] : memref<327680xi32, #tpu.memory_space<hbm>> -> memref<128xi32, #tpu.memory_space<hbm>>
        %dma_start3A_86 = tpu.memref_slice %arg4[%add3A_54] : memref<327680xi32, #tpu.memory_space<hbm>> -> memref<128xi32, #tpu.memory_space<hbm>>
        tpu.enqueue_dma source(%dma_start3A_86 : memref<128xi32, #tpu.memory_space<hbm>>) target(%arg8 : memref<128xi32, #tpu.memory_space<vmem>>) target_semaphore(%run_scoped3A : memref<!tpu.dma_semaphore, #tpu.memory_space<semaphore_mem>>)
        %dma_wait3A_87 = tpu.memref_slice %arg4[%add3A_54] : memref<327680xi32, #tpu.memory_space<hbm>> -> memref<128xi32, #tpu.memory_space<hbm>>
        %dma_wait3A_88 = tpu.memref_slice %arg4[%add3A_54] : memref<327680xi32, #tpu.memory_space<hbm>> -> memref<128xi32, #tpu.memory_space<hbm>>
        tpu.wait_dma2 semaphore(%run_scoped3A : memref<!tpu.dma_semaphore, #tpu.memory_space<semaphore_mem>>) src(%dma_wait3A_88 : memref<128xi32, #tpu.memory_space<hbm>>) dst(%arg8 : memref<128xi32, #tpu.memory_space<vmem>>)
        tpu.yield
      }) : () -> ()
      %dma_start3A = arith.constant 0 : i32
      %dma_start3A_60 = arith.constant 0 : i32
      %dma_start3A_61 = tpu.memref_slice %arg2[%dma_start3A, %dma_start3A_60] : memref<10000x128xf32, #tpu.memory_space<hbm>> -> memref<10000x128xf32, #tpu.memory_space<hbm>>
      tpu.enqueue_indirect_dma source(%dma_start3A_61 : memref<10000x128xf32, #tpu.memory_space<hbm>>) target(%arg11 : memref<128x128xf32, #tpu.memory_space<vmem>>) offsets(%arg7 : memref<128xi32, #tpu.memory_space<vmem>>) semaphore(%arg14 : memref<!tpu.dma_semaphore, #tpu.memory_space<semaphore_mem>>)
      %gt3A_62 = arith.constant 0 : i32
      %gt3A_63 = arith.cmpi sgt, %while3A_49, %gt3A_62 : i32
      %convert_element_type3A_64 = arith.extui %gt3A_63 : i1 to i32
      %cond3A_65 = arith.constant 0 : i32
      %cond3A_66 = arith.cmpi ne, %convert_element_type3A_64, %cond3A_65 : i32
      scf.if %cond3A_66 {
        %dma_wait3A_85 = arith.constant 0 : i32
        %dma_wait3A_86 = arith.constant 0 : i32
        %dma_wait3A_87 = tpu.memref_slice %arg5[%dma_wait3A_85, %dma_wait3A_86] : memref<626x128xf32, #tpu.memory_space<hbm>> -> memref<128x128xf32, #tpu.memory_space<hbm>>
        %dma_wait3A_88 = arith.constant 0 : i32
        %dma_wait3A_89 = arith.constant 0 : i32
        %dma_wait3A_90 = tpu.memref_slice %arg5[%dma_wait3A_88, %dma_wait3A_89] : memref<626x128xf32, #tpu.memory_space<hbm>> -> memref<128x128xf32, #tpu.memory_space<hbm>>
        tpu.wait_dma2 semaphore(%arg17 : memref<!tpu.dma_semaphore, #tpu.memory_space<semaphore_mem>>) src(%dma_wait3A_90 : memref<128x128xf32, #tpu.memory_space<hbm>>) dst(%arg12 : memref<128x128xf32, #tpu.memory_space<vmem>>)
      } else {
      }
      %add3A_67 = arith.constant 128 : i32
      %add3A_68 = arith.addi %add3A_54, %add3A_67 : i32
      "tpu.region"() ({
        %run_scoped3A = tpu.sem_alloc : memref<!tpu.dma_semaphore, #tpu.memory_space<semaphore_mem>>
        %dma_start3A_85 = tpu.memref_slice %arg3[%add3A_68] : memref<327680xi32, #tpu.memory_space<hbm>> -> memref<128xi32, #tpu.memory_space<hbm>>
        %dma_start3A_86 = tpu.memref_slice %arg3[%add3A_68] : memref<327680xi32, #tpu.memory_space<hbm>> -> memref<128xi32, #tpu.memory_space<hbm>>
        tpu.enqueue_dma source(%dma_start3A_86 : memref<128xi32, #tpu.memory_space<hbm>>) target(%arg9 : memref<128xi32, #tpu.memory_space<vmem>>) target_semaphore(%run_scoped3A : memref<!tpu.dma_semaphore, #tpu.memory_space<semaphore_mem>>)
        %dma_wait3A_87 = tpu.memref_slice %arg3[%add3A_68] : memref<327680xi32, #tpu.memory_space<hbm>> -> memref<128xi32, #tpu.memory_space<hbm>>
        %dma_wait3A_88 = tpu.memref_slice %arg3[%add3A_68] : memref<327680xi32, #tpu.memory_space<hbm>> -> memref<128xi32, #tpu.memory_space<hbm>>
        tpu.wait_dma2 semaphore(%run_scoped3A : memref<!tpu.dma_semaphore, #tpu.memory_space<semaphore_mem>>) src(%dma_wait3A_88 : memref<128xi32, #tpu.memory_space<hbm>>) dst(%arg9 : memref<128xi32, #tpu.memory_space<vmem>>)
        tpu.yield
      }) : () -> ()
      %add3A_69 = arith.constant 128 : i32
      %add3A_70 = arith.addi %add3A_54, %add3A_69 : i32
      "tpu.region"() ({
        %run_scoped3A = tpu.sem_alloc : memref<!tpu.dma_semaphore, #tpu.memory_space<semaphore_mem>>
        %dma_start3A_85 = tpu.memref_slice %arg4[%add3A_70] : memref<327680xi32, #tpu.memory_space<hbm>> -> memref<128xi32, #tpu.memory_space<hbm>>
        %dma_start3A_86 = tpu.memref_slice %arg4[%add3A_70] : memref<327680xi32, #tpu.memory_space<hbm>> -> memref<128xi32, #tpu.memory_space<hbm>>
        tpu.enqueue_dma source(%dma_start3A_86 : memref<128xi32, #tpu.memory_space<hbm>>) target(%arg10 : memref<128xi32, #tpu.memory_space<vmem>>) target_semaphore(%run_scoped3A : memref<!tpu.dma_semaphore, #tpu.memory_space<semaphore_mem>>)
        %dma_wait3A_87 = tpu.memref_slice %arg4[%add3A_70] : memref<327680xi32, #tpu.memory_space<hbm>> -> memref<128xi32, #tpu.memory_space<hbm>>
        %dma_wait3A_88 = tpu.memref_slice %arg4[%add3A_70] : memref<327680xi32, #tpu.memory_space<hbm>> -> memref<128xi32, #tpu.memory_space<hbm>>
        tpu.wait_dma2 semaphore(%run_scoped3A : memref<!tpu.dma_semaphore, #tpu.memory_space<semaphore_mem>>) src(%dma_wait3A_88 : memref<128xi32, #tpu.memory_space<hbm>>) dst(%arg10 : memref<128xi32, #tpu.memory_space<vmem>>)
        tpu.yield
      }) : () -> ()
      %dma_start3A_71 = arith.constant 0 : i32
      %dma_start3A_72 = arith.constant 0 : i32
      %dma_start3A_73 = tpu.memref_slice %arg2[%dma_start3A_71, %dma_start3A_72] : memref<10000x128xf32, #tpu.memory_space<hbm>> -> memref<10000x128xf32, #tpu.memory_space<hbm>>
      tpu.enqueue_indirect_dma source(%dma_start3A_73 : memref<10000x128xf32, #tpu.memory_space<hbm>>) target(%arg12 : memref<128x128xf32, #tpu.memory_space<vmem>>) offsets(%arg9 : memref<128xi32, #tpu.memory_space<vmem>>) semaphore(%arg15 : memref<!tpu.dma_semaphore, #tpu.memory_space<semaphore_mem>>)
      %dma_wait3A = arith.constant 0 : i32
      %dma_wait3A_74 = arith.constant 0 : i32
      %dma_wait3A_75 = tpu.memref_slice %arg2[%dma_wait3A, %dma_wait3A_74] : memref<10000x128xf32, #tpu.memory_space<hbm>> -> memref<10000x128xf32, #tpu.memory_space<hbm>>
      tpu.wait_indirect_dma semaphore(%arg14 : memref<!tpu.dma_semaphore, #tpu.memory_space<semaphore_mem>>) src(%dma_wait3A_75 : memref<10000x128xf32, #tpu.memory_space<hbm>>) dst(%arg11 : memref<128x128xf32, #tpu.memory_space<vmem>>)
      %dma_start3A_76 = arith.constant 0 : i32
      %dma_start3A_77 = arith.constant 0 : i32
      %dma_start3A_78 = tpu.memref_slice %arg13[%dma_start3A_76, %dma_start3A_77] : memref<10016x128xf32, #tpu.memory_space<vmem_shared>> -> memref<10016x128xf32, #tpu.memory_space<vmem_shared>>
      tpu.enqueue_indirect_dma source(%arg11 : memref<128x128xf32, #tpu.memory_space<vmem>>) target(%dma_start3A_78 : memref<10016x128xf32, #tpu.memory_space<vmem_shared>>) offsets(%arg8 : memref<128xi32, #tpu.memory_space<vmem>>) semaphore(%arg16 : memref<!tpu.dma_semaphore, #tpu.memory_space<semaphore_mem>>) {add = true}
      %dma_wait3A_79 = arith.constant 0 : i32
      %dma_wait3A_80 = arith.constant 0 : i32
      %dma_wait3A_81 = tpu.memref_slice %arg2[%dma_wait3A_79, %dma_wait3A_80] : memref<10000x128xf32, #tpu.memory_space<hbm>> -> memref<10000x128xf32, #tpu.memory_space<hbm>>
      tpu.wait_indirect_dma semaphore(%arg15 : memref<!tpu.dma_semaphore, #tpu.memory_space<semaphore_mem>>) src(%dma_wait3A_81 : memref<10000x128xf32, #tpu.memory_space<hbm>>) dst(%arg12 : memref<128x128xf32, #tpu.memory_space<vmem>>)
      %dma_start3A_82 = arith.constant 0 : i32
      %dma_start3A_83 = arith.constant 0 : i32
      %dma_start3A_84 = tpu.memref_slice %arg13[%dma_start3A_82, %dma_start3A_83] : memref<10016x128xf32, #tpu.memory_space<vmem_shared>> -> memref<10016x128xf32, #tpu.memory_space<vmem_shared>>
      tpu.enqueue_indirect_dma source(%arg12 : memref<128x128xf32, #tpu.memory_space<vmem>>) target(%dma_start3A_84 : memref<10016x128xf32, #tpu.memory_space<vmem_shared>>) offsets(%arg10 : memref<128xi32, #tpu.memory_space<vmem>>) semaphore(%arg17 : memref<!tpu.dma_semaphore, #tpu.memory_space<semaphore_mem>>) {add = true}
    }
    %while3A_37 = arith.constant 1 : i32
    scf.for %while3A_49 = %while3A_35 to %while3A_31 step %while3A_37  : i32 {
      %mul3A_50 = arith.constant 2 : i32
      %mul3A_51 = arith.muli %mul3A_50, %while3A_49 : i32
      %mul3A_52 = arith.constant 128 : i32
      %mul3A_53 = arith.muli %mul3A_51, %mul3A_52 : i32
      %add3A_54 = arith.addi %select_n3A, %mul3A_53 : i32
      %gt3A_55 = arith.constant 0 : i32
      %gt3A_56 = arith.cmpi sgt, %while3A_49, %gt3A_55 : i32
      %convert_element_type3A_57 = arith.extui %gt3A_56 : i1 to i32
      %cond3A_58 = arith.constant 0 : i32
      %cond3A_59 = arith.cmpi ne, %convert_element_type3A_57, %cond3A_58 : i32
      scf.if %cond3A_59 {
        %dma_wait3A_85 = arith.constant 0 : i32
        %dma_wait3A_86 = arith.constant 0 : i32
        %dma_wait3A_87 = tpu.memref_slice %arg5[%dma_wait3A_85, %dma_wait3A_86] : memref<626x128xf32, #tpu.memory_space<hbm>> -> memref<128x128xf32, #tpu.memory_space<hbm>>
        %dma_wait3A_88 = arith.constant 0 : i32
        %dma_wait3A_89 = arith.constant 0 : i32
        %dma_wait3A_90 = tpu.memref_slice %arg5[%dma_wait3A_88, %dma_wait3A_89] : memref<626x128xf32, #tpu.memory_space<hbm>> -> memref<128x128xf32, #tpu.memory_space<hbm>>
        tpu.wait_dma2 semaphore(%arg16 : memref<!tpu.dma_semaphore, #tpu.memory_space<semaphore_mem>>) src(%dma_wait3A_90 : memref<128x128xf32, #tpu.memory_space<hbm>>) dst(%arg11 : memref<128x128xf32, #tpu.memory_space<vmem>>)
      } else {
      }
      "tpu.region"() ({
        %run_scoped3A = tpu.sem_alloc : memref<!tpu.dma_semaphore, #tpu.memory_space<semaphore_mem>>
        %dma_start3A_85 = tpu.memref_slice %arg3[%add3A_54] : memref<327680xi32, #tpu.memory_space<hbm>> -> memref<128xi32, #tpu.memory_space<hbm>>
        %dma_start3A_86 = tpu.memref_slice %arg3[%add3A_54] : memref<327680xi32, #tpu.memory_space<hbm>> -> memref<128xi32, #tpu.memory_space<hbm>>
        tpu.enqueue_dma source(%dma_start3A_86 : memref<128xi32, #tpu.memory_space<hbm>>) target(%arg7 : memref<128xi32, #tpu.memory_space<vmem>>) target_semaphore(%run_scoped3A : memref<!tpu.dma_semaphore, #tpu.memory_space<semaphore_mem>>)
        %dma_wait3A_87 = tpu.memref_slice %arg3[%add3A_54] : memref<327680xi32, #tpu.memory_space<hbm>> -> memref<128xi32, #tpu.memory_space<hbm>>
        %dma_wait3A_88 = tpu.memref_slice %arg3[%add3A_54] : memref<327680xi32, #tpu.memory_space<hbm>> -> memref<128xi32, #tpu.memory_space<hbm>>
        tpu.wait_dma2 semaphore(%run_scoped3A : memref<!tpu.dma_semaphore, #tpu.memory_space<semaphore_mem>>) src(%dma_wait3A_88 : memref<128xi32, #tpu.memory_space<hbm>>) dst(%arg7 : memref<128xi32, #tpu.memory_space<vmem>>)
        tpu.yield
      }) : () -> ()
      "tpu.region"() ({
        %run_scoped3A = tpu.sem_alloc : memref<!tpu.dma_semaphore, #tpu.memory_space<semaphore_mem>>
        %dma_start3A_85 = tpu.memref_slice %arg4[%add3A_54] : memref<327680xi32, #tpu.memory_space<hbm>> -> memref<128xi32, #tpu.memory_space<hbm>>
        %dma_start3A_86 = tpu.memref_slice %arg4[%add3A_54] : memref<327680xi32, #tpu.memory_space<hbm>> -> memref<128xi32, #tpu.memory_space<hbm>>
        tpu.enqueue_dma source(%dma_start3A_86 : memref<128xi32, #tpu.memory_space<hbm>>) target(%arg8 : memref<128xi32, #tpu.memory_space<vmem>>) target_semaphore(%run_scoped3A : memref<!tpu.dma_semaphore, #tpu.memory_space<semaphore_mem>>)
        %dma_wait3A_87 = tpu.memref_slice %arg4[%add3A_54] : memref<327680xi32, #tpu.memory_space<hbm>> -> memref<128xi32, #tpu.memory_space<hbm>>
        %dma_wait3A_88 = tpu.memref_slice %arg4[%add3A_54] : memref<327680xi32, #tpu.memory_space<hbm>> -> memref<128xi32, #tpu.memory_space<hbm>>
        tpu.wait_dma2 semaphore(%run_scoped3A : memref<!tpu.dma_semaphore, #tpu.memory_space<semaphore_mem>>) src(%dma_wait3A_88 : memref<128xi32, #tpu.memory_space<hbm>>) dst(%arg8 : memref<128xi32, #tpu.memory_space<vmem>>)
        tpu.yield
      }) : () -> ()
      %dma_start3A = arith.constant 0 : i32
      %dma_start3A_60 = arith.constant 0 : i32
      %dma_start3A_61 = tpu.memref_slice %arg2[%dma_start3A, %dma_start3A_60] : memref<10000x128xf32, #tpu.memory_space<hbm>> -> memref<10000x128xf32, #tpu.memory_space<hbm>>
      tpu.enqueue_indirect_dma source(%dma_start3A_61 : memref<10000x128xf32, #tpu.memory_space<hbm>>) target(%arg11 : memref<128x128xf32, #tpu.memory_space<vmem>>) offsets(%arg7 : memref<128xi32, #tpu.memory_space<vmem>>) semaphore(%arg14 : memref<!tpu.dma_semaphore, #tpu.memory_space<semaphore_mem>>)
      %gt3A_62 = arith.constant 0 : i32
      %gt3A_63 = arith.cmpi sgt, %while3A_49, %gt3A_62 : i32
      %convert_element_type3A_64 = arith.extui %gt3A_63 : i1 to i32
      %cond3A_65 = arith.constant 0 : i32
      %cond3A_66 = arith.cmpi ne, %convert_element_type3A_64, %cond3A_65 : i32
      scf.if %cond3A_66 {
        %dma_wait3A_85 = arith.constant 0 : i32
        %dma_wait3A_86 = arith.constant 0 : i32
        %dma_wait3A_87 = tpu.memref_slice %arg5[%dma_wait3A_85, %dma_wait3A_86] : memref<626x128xf32, #tpu.memory_space<hbm>> -> memref<128x128xf32, #tpu.memory_space<hbm>>
        %dma_wait3A_88 = arith.constant 0 : i32
        %dma_wait3A_89 = arith.constant 0 : i32
        %dma_wait3A_90 = tpu.memref_slice %arg5[%dma_wait3A_88, %dma_wait3A_89] : memref<626x128xf32, #tpu.memory_space<hbm>> -> memref<128x128xf32, #tpu.memory_space<hbm>>
        tpu.wait_dma2 semaphore(%arg17 : memref<!tpu.dma_semaphore, #tpu.memory_space<semaphore_mem>>) src(%dma_wait3A_90 : memref<128x128xf32, #tpu.memory_space<hbm>>) dst(%arg12 : memref<128x128xf32, #tpu.memory_space<vmem>>)
      } else {
      }
      %add3A_67 = arith.constant 128 : i32
      %add3A_68 = arith.addi %add3A_54, %add3A_67 : i32
      "tpu.region"() ({
        %run_scoped3A = tpu.sem_alloc : memref<!tpu.dma_semaphore, #tpu.memory_space<semaphore_mem>>
        %dma_start3A_85 = tpu.memref_slice %arg3[%add3A_68] : memref<327680xi32, #tpu.memory_space<hbm>> -> memref<128xi32, #tpu.memory_space<hbm>>
        %dma_start3A_86 = tpu.memref_slice %arg3[%add3A_68] : memref<327680xi32, #tpu.memory_space<hbm>> -> memref<128xi32, #tpu.memory_space<hbm>>
        tpu.enqueue_dma source(%dma_start3A_86 : memref<128xi32, #tpu.memory_space<hbm>>) target(%arg9 : memref<128xi32, #tpu.memory_space<vmem>>) target_semaphore(%run_scoped3A : memref<!tpu.dma_semaphore, #tpu.memory_space<semaphore_mem>>)
        %dma_wait3A_87 = tpu.memref_slice %arg3[%add3A_68] : memref<327680xi32, #tpu.memory_space<hbm>> -> memref<128xi32, #tpu.memory_space<hbm>>
        %dma_wait3A_88 = tpu.memref_slice %arg3[%add3A_68] : memref<327680xi32, #tpu.memory_space<hbm>> -> memref<128xi32, #tpu.memory_space<hbm>>
        tpu.wait_dma2 semaphore(%run_scoped3A : memref<!tpu.dma_semaphore, #tpu.memory_space<semaphore_mem>>) src(%dma_wait3A_88 : memref<128xi32, #tpu.memory_space<hbm>>) dst(%arg9 : memref<128xi32, #tpu.memory_space<vmem>>)
        tpu.yield
      }) : () -> ()
      %add3A_69 = arith.constant 128 : i32
      %add3A_70 = arith.addi %add3A_54, %add3A_69 : i32
      "tpu.region"() ({
        %run_scoped3A = tpu.sem_alloc : memref<!tpu.dma_semaphore, #tpu.memory_space<semaphore_mem>>
        %dma_start3A_85 = tpu.memref_slice %arg4[%add3A_70] : memref<327680xi32, #tpu.memory_space<hbm>> -> memref<128xi32, #tpu.memory_space<hbm>>
        %dma_start3A_86 = tpu.memref_slice %arg4[%add3A_70] : memref<327680xi32, #tpu.memory_space<hbm>> -> memref<128xi32, #tpu.memory_space<hbm>>
        tpu.enqueue_dma source(%dma_start3A_86 : memref<128xi32, #tpu.memory_space<hbm>>) target(%arg10 : memref<128xi32, #tpu.memory_space<vmem>>) target_semaphore(%run_scoped3A : memref<!tpu.dma_semaphore, #tpu.memory_space<semaphore_mem>>)
        %dma_wait3A_87 = tpu.memref_slice %arg4[%add3A_70] : memref<327680xi32, #tpu.memory_space<hbm>> -> memref<128xi32, #tpu.memory_space<hbm>>
        %dma_wait3A_88 = tpu.memref_slice %arg4[%add3A_70] : memref<327680xi32, #tpu.memory_space<hbm>> -> memref<128xi32, #tpu.memory_space<hbm>>
        tpu.wait_dma2 semaphore(%run_scoped3A : memref<!tpu.dma_semaphore, #tpu.memory_space<semaphore_mem>>) src(%dma_wait3A_88 : memref<128xi32, #tpu.memory_space<hbm>>) dst(%arg10 : memref<128xi32, #tpu.memory_space<vmem>>)
        tpu.yield
      }) : () -> ()
      %dma_start3A_71 = arith.constant 0 : i32
      %dma_start3A_72 = arith.constant 0 : i32
      %dma_start3A_73 = tpu.memref_slice %arg2[%dma_start3A_71, %dma_start3A_72] : memref<10000x128xf32, #tpu.memory_space<hbm>> -> memref<10000x128xf32, #tpu.memory_space<hbm>>
      tpu.enqueue_indirect_dma source(%dma_start3A_73 : memref<10000x128xf32, #tpu.memory_space<hbm>>) target(%arg12 : memref<128x128xf32, #tpu.memory_space<vmem>>) offsets(%arg9 : memref<128xi32, #tpu.memory_space<vmem>>) semaphore(%arg15 : memref<!tpu.dma_semaphore, #tpu.memory_space<semaphore_mem>>)
      %dma_wait3A = arith.constant 0 : i32
      %dma_wait3A_74 = arith.constant 0 : i32
      %dma_wait3A_75 = tpu.memref_slice %arg2[%dma_wait3A, %dma_wait3A_74] : memref<10000x128xf32, #tpu.memory_space<hbm>> -> memref<10000x128xf32, #tpu.memory_space<hbm>>
      tpu.wait_indirect_dma semaphore(%arg14 : memref<!tpu.dma_semaphore, #tpu.memory_space<semaphore_mem>>) src(%dma_wait3A_75 : memref<10000x128xf32, #tpu.memory_space<hbm>>) dst(%arg11 : memref<128x128xf32, #tpu.memory_space<vmem>>)
      %dma_start3A_76 = arith.constant 0 : i32
      %dma_start3A_77 = arith.constant 0 : i32
      %dma_start3A_78 = tpu.memref_slice %arg13[%dma_start3A_76, %dma_start3A_77] : memref<10016x128xf32, #tpu.memory_space<vmem_shared>> -> memref<10016x128xf32, #tpu.memory_space<vmem_shared>>
      tpu.enqueue_indirect_dma source(%arg11 : memref<128x128xf32, #tpu.memory_space<vmem>>) target(%dma_start3A_78 : memref<10016x128xf32, #tpu.memory_space<vmem_shared>>) offsets(%arg8 : memref<128xi32, #tpu.memory_space<vmem>>) semaphore(%arg16 : memref<!tpu.dma_semaphore, #tpu.memory_space<semaphore_mem>>) {add = true}
      %dma_wait3A_79 = arith.constant 0 : i32
      %dma_wait3A_80 = arith.constant 0 : i32
      %dma_wait3A_81 = tpu.memref_slice %arg2[%dma_wait3A_79, %dma_wait3A_80] : memref<10000x128xf32, #tpu.memory_space<hbm>> -> memref<10000x128xf32, #tpu.memory_space<hbm>>
      tpu.wait_indirect_dma semaphore(%arg15 : memref<!tpu.dma_semaphore, #tpu.memory_space<semaphore_mem>>) src(%dma_wait3A_81 : memref<10000x128xf32, #tpu.memory_space<hbm>>) dst(%arg12 : memref<128x128xf32, #tpu.memory_space<vmem>>)
      %dma_start3A_82 = arith.constant 0 : i32
      %dma_start3A_83 = arith.constant 0 : i32
      %dma_start3A_84 = tpu.memref_slice %arg13[%dma_start3A_82, %dma_start3A_83] : memref<10016x128xf32, #tpu.memory_space<vmem_shared>> -> memref<10016x128xf32, #tpu.memory_space<vmem_shared>>
      tpu.enqueue_indirect_dma source(%arg12 : memref<128x128xf32, #tpu.memory_space<vmem>>) target(%dma_start3A_84 : memref<10016x128xf32, #tpu.memory_space<vmem_shared>>) offsets(%arg10 : memref<128xi32, #tpu.memory_space<vmem>>) semaphore(%arg17 : memref<!tpu.dma_semaphore, #tpu.memory_space<semaphore_mem>>) {add = true}
    }
    %gt3A_38 = arith.constant 0 : i32
    %gt3A_39 = arith.cmpi sgt, %select_n3A_8, %gt3A_38 : i32
    %convert_element_type3A_40 = arith.extui %gt3A_39 : i1 to i32
    %cond3A_41 = arith.constant 0 : i32
    %cond3A_42 = arith.cmpi ne, %convert_element_type3A_40, %cond3A_41 : i32
    scf.if %cond3A_42 {
      %dma_wait3A = arith.constant 0 : i32
      %dma_wait3A_49 = arith.constant 0 : i32
      %dma_wait3A_50 = tpu.memref_slice %arg5[%dma_wait3A, %dma_wait3A_49] : memref<626x128xf32, #tpu.memory_space<hbm>> -> memref<128x128xf32, #tpu.memory_space<hbm>>
      %dma_wait3A_51 = arith.constant 0 : i32
      %dma_wait3A_52 = arith.constant 0 : i32
      %dma_wait3A_53 = tpu.memref_slice %arg5[%dma_wait3A_51, %dma_wait3A_52] : memref<626x128xf32, #tpu.memory_space<hbm>> -> memref<128x128xf32, #tpu.memory_space<hbm>>
      tpu.wait_dma2 semaphore(%arg16 : memref<!tpu.dma_semaphore, #tpu.memory_space<semaphore_mem>>) src(%dma_wait3A_53 : memref<128x128xf32, #tpu.memory_space<hbm>>) dst(%arg11 : memref<128x128xf32, #tpu.memory_space<vmem>>)
      %dma_wait3A_54 = arith.constant 0 : i32
      %dma_wait3A_55 = arith.constant 0 : i32
      %dma_wait3A_56 = tpu.memref_slice %arg5[%dma_wait3A_54, %dma_wait3A_55] : memref<626x128xf32, #tpu.memory_space<hbm>> -> memref<128x128xf32, #tpu.memory_space<hbm>>
      %dma_wait3A_57 = arith.constant 0 : i32
      %dma_wait3A_58 = arith.constant 0 : i32
      %dma_wait3A_59 = tpu.memref_slice %arg5[%dma_wait3A_57, %dma_wait3A_58] : memref<626x128xf32, #tpu.memory_space<hbm>> -> memref<128x128xf32, #tpu.memory_space<hbm>>
      tpu.wait_dma2 semaphore(%arg17 : memref<!tpu.dma_semaphore, #tpu.memory_space<semaphore_mem>>) src(%dma_wait3A_59 : memref<128x128xf32, #tpu.memory_space<hbm>>) dst(%arg12 : memref<128x128xf32, #tpu.memory_space<vmem>>)
    } else {
    }
    %barrier3A_43 = arith.constant 0 : index
    tpu.barrier barrier_id(%barrier3A_43)
    %gt3A_44 = arith.constant 0 : i32
    %gt3A_45 = arith.cmpi sgt, %select_n3A_8, %gt3A_44 : i32
    %convert_element_type3A_46 = arith.extui %gt3A_45 : i1 to i32
    %cond3A_47 = arith.constant 0 : i32
    %cond3A_48 = arith.cmpi ne, %convert_element_type3A_46, %cond3A_47 : i32
    scf.if %cond3A_48 {
      %mul3A_49 = arith.constant 625 : i32
      %mul3A_50 = arith.muli %arg1, %mul3A_49 : i32
      %mul3A_51 = arith.constant 625 : i32
      %mul3A_52 = arith.muli %arg1, %mul3A_51 : i32
      "tpu.region"() ({
        %run_scoped3A = tpu.sem_alloc : memref<!tpu.dma_semaphore, #tpu.memory_space<semaphore_mem>>
        %dma_start3A = arith.constant 0 : i32
        %dma_start3A_53 = tpu.memref_slice %arg6[%arg0, %mul3A_52, %dma_start3A] : memref<2x10000x128xf32, #tpu.memory_space<hbm>> -> memref<1x625x128xf32, #tpu.memory_space<hbm>>
        %dma_start3A_54 = tpu.memref_squeeze %dma_start3A_53 : memref<1x625x128xf32, #tpu.memory_space<hbm>> -> memref<625x128xf32, #tpu.memory_space<hbm>>
        %dma_start3A_55 = arith.constant 0 : i32
        %dma_start3A_56 = tpu.memref_slice %arg13[%mul3A_50, %dma_start3A_55] : memref<10016x128xf32, #tpu.memory_space<vmem_shared>> -> memref<625x128xf32, #tpu.memory_space<vmem_shared>>
        tpu.enqueue_dma source(%dma_start3A_56 : memref<625x128xf32, #tpu.memory_space<vmem_shared>>) target(%dma_start3A_54 : memref<625x128xf32, #tpu.memory_space<hbm>>) target_semaphore(%run_scoped3A : memref<!tpu.dma_semaphore, #tpu.memory_space<semaphore_mem>>)
        %dma_wait3A = arith.constant 0 : i32
        %dma_wait3A_57 = tpu.memref_slice %arg6[%arg0, %mul3A_52, %dma_wait3A] : memref<2x10000x128xf32, #tpu.memory_space<hbm>> -> memref<1x625x128xf32, #tpu.memory_space<hbm>>
        %dma_wait3A_58 = tpu.memref_squeeze %dma_wait3A_57 : memref<1x625x128xf32, #tpu.memory_space<hbm>> -> memref<625x128xf32, #tpu.memory_space<hbm>>
        %dma_wait3A_59 = arith.constant 0 : i32
        %dma_wait3A_60 = tpu.memref_slice %arg13[%mul3A_50, %dma_wait3A_59] : memref<10016x128xf32, #tpu.memory_space<vmem_shared>> -> memref<625x128xf32, #tpu.memory_space<vmem_shared>>
        tpu.wait_dma2 semaphore(%run_scoped3A : memref<!tpu.dma_semaphore, #tpu.memory_space<semaphore_mem>>) src(%dma_wait3A_60 : memref<625x128xf32, #tpu.memory_space<vmem_shared>>) dst(%dma_wait3A_58 : memref<625x128xf32, #tpu.memory_space<hbm>>)
        tpu.yield
      }) : () -> ()
    } else {
    }
    return
  }
}

#map = affine_map<(d0, d1) -> (0, 0)>
#map1 = affine_map<(d0, d1) -> (0)>
#map2 = affine_map<(d0, d1) -> (0, 0, 0)>
module attributes {stable_mosaic.version = 14 : i64} {
  func.func @_agg_body(%arg0: i32, %arg1: i32, %arg2: memref<10000x128xf32, #tpu.memory_space<hbm>>, %arg3: memref<327680xi32, #tpu.memory_space<hbm>>, %arg4: memref<327680xi32, #tpu.memory_space<hbm>>, %arg5: memref<626x128xf32, #tpu.memory_space<hbm>>, %arg6: memref<2x10000x128xf32, #tpu.memory_space<hbm>>, %arg7: memref<128xi32, #tpu.memory_space<vmem>>, %arg8: memref<128xi32, #tpu.memory_space<vmem>>, %arg9: memref<128xi32, #tpu.memory_space<vmem>>, %arg10: memref<128xi32, #tpu.memory_space<vmem>>, %arg11: memref<128x128xf32, #tpu.memory_space<vmem>>, %arg12: memref<128x128xf32, #tpu.memory_space<vmem>>, %arg13: memref<10016x128xf32, #tpu.memory_space<vmem_shared>>, %arg14: memref<!tpu.dma_semaphore, #tpu.memory_space<semaphore_mem>>, %arg15: memref<!tpu.dma_semaphore, #tpu.memory_space<semaphore_mem>>, %arg16: memref<!tpu.dma_semaphore, #tpu.memory_space<semaphore_mem>>, %arg17: memref<!tpu.dma_semaphore, #tpu.memory_space<semaphore_mem>>) attributes {dimension_semantics = [#tpu.dimension_semantics<core_parallel>, #tpu.dimension_semantics<subcore_parallel>], iteration_bounds = array<i64: 2, 16>, scalar_prefetch = 0 : i64, scratch_operands = 11 : i64, tpu.core_type = #tpu.core_type<sc_vector_subcore>, window_params = [{transform_indices = #map}, {transform_indices = #map1}, {transform_indices = #map1}, {transform_indices = #map}, {transform_indices = #map2}]} {
    %eq3A = arith.constant 0 : i32
    %eq3A_0 = arith.cmpi eq, %arg0, %eq3A : i32
    %mul3A = arith.constant 17408 : i32
    %mul3A_1 = arith.muli %arg1, %mul3A : i32
    %mul3A_2 = arith.constant 3072 : i32
    %mul3A_3 = arith.muli %arg1, %mul3A_2 : i32
    %add3A = arith.constant 278528 : i32
    %add3A_4 = arith.addi %add3A, %mul3A_3 : i32
    %select_n3A = arith.select %eq3A_0, %mul3A_1, %add3A_4 : i32
    %eq3A_5 = arith.constant 0 : i32
    %eq3A_6 = arith.cmpi eq, %arg0, %eq3A_5 : i32
    %jit3A = arith.constant 136 : i32
    %jit3A_7 = arith.constant 24 : i32
    %select_n3A_8 = arith.select %eq3A_6, %jit3A, %jit3A_7 : i32
    %gt3A = arith.constant 0 : i32
    %gt3A_9 = arith.cmpi sgt, %select_n3A_8, %gt3A : i32
    %convert_element_type3A = arith.extui %gt3A_9 : i1 to i32
    %cond3A = arith.constant 0 : i32
    %cond3A_10 = arith.cmpi ne, %convert_element_type3A, %cond3A : i32
    scf.if %cond3A_10 {
      %mul3A_49 = arith.constant 626 : i32
      %mul3A_50 = arith.muli %arg1, %mul3A_49 : i32
      "tpu.region"() ({
        %run_scoped3A = tpu.sem_alloc : memref<!tpu.dma_semaphore, #tpu.memory_space<semaphore_mem>>
        %dma_start3A = arith.constant 0 : i32
        %dma_start3A_51 = tpu.memref_slice %arg13[%mul3A_50, %dma_start3A] : memref<10016x128xf32, #tpu.memory_space<vmem_shared>> -> memref<626x128xf32, #tpu.memory_space<vmem_shared>>
        tpu.enqueue_dma source(%arg5 : memref<626x128xf32, #tpu.memory_space<hbm>>) target(%dma_start3A_51 : memref<626x128xf32, #tpu.memory_space<vmem_shared>>) target_semaphore(%run_scoped3A : memref<!tpu.dma_semaphore, #tpu.memory_space<semaphore_mem>>)
        %dma_wait3A = arith.constant 0 : i32
        %dma_wait3A_52 = tpu.memref_slice %arg13[%mul3A_50, %dma_wait3A] : memref<10016x128xf32, #tpu.memory_space<vmem_shared>> -> memref<626x128xf32, #tpu.memory_space<vmem_shared>>
        tpu.wait_dma2 semaphore(%run_scoped3A : memref<!tpu.dma_semaphore, #tpu.memory_space<semaphore_mem>>) src(%arg5 : memref<626x128xf32, #tpu.memory_space<hbm>>) dst(%dma_wait3A_52 : memref<626x128xf32, #tpu.memory_space<vmem_shared>>)
        tpu.yield
      }) : () -> ()
    } else {
    }
    %barrier3A = arith.constant 0 : index
    tpu.barrier barrier_id(%barrier3A)
    %jit3A_11 = arith.constant 2 : i32
    %div3A = arith.divsi %select_n3A_8, %jit3A_11 : i32
    %sign3A = arith.constant 0 : i32
    %sign3A_12 = arith.cmpi sgt, %select_n3A_8, %sign3A : i32
    %sign3A_13 = arith.extui %sign3A_12 : i1 to i32
    %sign3A_14 = arith.constant 0 : i32
    %sign3A_15 = arith.cmpi slt, %select_n3A_8, %sign3A_14 : i32
    %sign3A_16 = arith.extui %sign3A_15 : i1 to i32
    %sign3A_17 = arith.subi %sign3A_13, %sign3A_16 : i32
    %sign3A_18 = arith.constant 0 : i32
    %sign3A_19 = arith.cmpi sgt, %jit3A_11, %sign3A_18 : i32
    %sign3A_20 = arith.extui %sign3A_19 : i1 to i32
    %sign3A_21 = arith.constant 0 : i32
    %sign3A_22 = arith.cmpi slt, %jit3A_11, %sign3A_21 : i32
    %sign3A_23 = arith.extui %sign3A_22 : i1 to i32
    %sign3A_24 = arith.subi %sign3A_20, %sign3A_23 : i32
    %ne3A = arith.cmpi ne, %sign3A_17, %sign3A_24 : i32
    %rem3A = arith.remsi %select_n3A_8, %jit3A_11 : i32
    %ne3A_25 = arith.constant 0 : i32
    %ne3A_26 = arith.cmpi ne, %rem3A, %ne3A_25 : i32
    %and3A = arith.andi %ne3A, %ne3A_26 : i1
    %sub3A = arith.constant 1 : i32
    %sub3A_27 = arith.subi %div3A, %sub3A : i32
    %select_n3A_28 = arith.select %and3A, %sub3A_27, %div3A : i32
    %while3A = arith.constant 0 : i32
    %while3A_29 = arith.constant 0 : i32
    %while3A_30 = arith.subi %select_n3A_28, %while3A_29 : i32
    %while3A_31 = arith.addi %while3A_29, %while3A_30 : i32
    %while3A_32 = arith.constant 1 : i32
    %while3A_33 = arith.divsi %while3A_30, %while3A_32 : i32
    %while3A_34 = arith.muli %while3A_33, %while3A_32 : i32
    %while3A_35 = arith.addi %while3A_29, %while3A_34 : i32
    %while3A_36 = arith.constant 1 : i32
    scf.for %while3A_49 = %while3A_29 to %while3A_35 step %while3A_36  : i32 {
      %mul3A_50 = arith.constant 2 : i32
      %mul3A_51 = arith.muli %mul3A_50, %while3A_49 : i32
      %mul3A_52 = arith.constant 128 : i32
      %mul3A_53 = arith.muli %mul3A_51, %mul3A_52 : i32
      %add3A_54 = arith.addi %select_n3A, %mul3A_53 : i32
      %gt3A_55 = arith.constant 0 : i32
      %gt3A_56 = arith.cmpi sgt, %while3A_49, %gt3A_55 : i32
      %convert_element_type3A_57 = arith.extui %gt3A_56 : i1 to i32
      %cond3A_58 = arith.constant 0 : i32
      %cond3A_59 = arith.cmpi ne, %convert_element_type3A_57, %cond3A_58 : i32
      scf.if %cond3A_59 {
        %dma_wait3A_85 = arith.constant 0 : i32
        %dma_wait3A_86 = arith.constant 0 : i32
        %dma_wait3A_87 = tpu.memref_slice %arg5[%dma_wait3A_85, %dma_wait3A_86] : memref<626x128xf32, #tpu.memory_space<hbm>> -> memref<128x128xf32, #tpu.memory_space<hbm>>
        %dma_wait3A_88 = arith.constant 0 : i32
        %dma_wait3A_89 = arith.constant 0 : i32
        %dma_wait3A_90 = tpu.memref_slice %arg5[%dma_wait3A_88, %dma_wait3A_89] : memref<626x128xf32, #tpu.memory_space<hbm>> -> memref<128x128xf32, #tpu.memory_space<hbm>>
        tpu.wait_dma2 semaphore(%arg16 : memref<!tpu.dma_semaphore, #tpu.memory_space<semaphore_mem>>) src(%dma_wait3A_90 : memref<128x128xf32, #tpu.memory_space<hbm>>) dst(%arg11 : memref<128x128xf32, #tpu.memory_space<vmem>>)
      } else {
      }
      "tpu.region"() ({
        %run_scoped3A = tpu.sem_alloc : memref<!tpu.dma_semaphore, #tpu.memory_space<semaphore_mem>>
        %dma_start3A_85 = tpu.memref_slice %arg3[%add3A_54] : memref<327680xi32, #tpu.memory_space<hbm>> -> memref<128xi32, #tpu.memory_space<hbm>>
        %dma_start3A_86 = tpu.memref_slice %arg3[%add3A_54] : memref<327680xi32, #tpu.memory_space<hbm>> -> memref<128xi32, #tpu.memory_space<hbm>>
        tpu.enqueue_dma source(%dma_start3A_86 : memref<128xi32, #tpu.memory_space<hbm>>) target(%arg7 : memref<128xi32, #tpu.memory_space<vmem>>) target_semaphore(%run_scoped3A : memref<!tpu.dma_semaphore, #tpu.memory_space<semaphore_mem>>)
        %dma_wait3A_87 = tpu.memref_slice %arg3[%add3A_54] : memref<327680xi32, #tpu.memory_space<hbm>> -> memref<128xi32, #tpu.memory_space<hbm>>
        %dma_wait3A_88 = tpu.memref_slice %arg3[%add3A_54] : memref<327680xi32, #tpu.memory_space<hbm>> -> memref<128xi32, #tpu.memory_space<hbm>>
        tpu.wait_dma2 semaphore(%run_scoped3A : memref<!tpu.dma_semaphore, #tpu.memory_space<semaphore_mem>>) src(%dma_wait3A_88 : memref<128xi32, #tpu.memory_space<hbm>>) dst(%arg7 : memref<128xi32, #tpu.memory_space<vmem>>)
        tpu.yield
      }) : () -> ()
      "tpu.region"() ({
        %run_scoped3A = tpu.sem_alloc : memref<!tpu.dma_semaphore, #tpu.memory_space<semaphore_mem>>
        %dma_start3A_85 = tpu.memref_slice %arg4[%add3A_54] : memref<327680xi32, #tpu.memory_space<hbm>> -> memref<128xi32, #tpu.memory_space<hbm>>
        %dma_start3A_86 = tpu.memref_slice %arg4[%add3A_54] : memref<327680xi32, #tpu.memory_space<hbm>> -> memref<128xi32, #tpu.memory_space<hbm>>
        tpu.enqueue_dma source(%dma_start3A_86 : memref<128xi32, #tpu.memory_space<hbm>>) target(%arg8 : memref<128xi32, #tpu.memory_space<vmem>>) target_semaphore(%run_scoped3A : memref<!tpu.dma_semaphore, #tpu.memory_space<semaphore_mem>>)
        %dma_wait3A_87 = tpu.memref_slice %arg4[%add3A_54] : memref<327680xi32, #tpu.memory_space<hbm>> -> memref<128xi32, #tpu.memory_space<hbm>>
        %dma_wait3A_88 = tpu.memref_slice %arg4[%add3A_54] : memref<327680xi32, #tpu.memory_space<hbm>> -> memref<128xi32, #tpu.memory_space<hbm>>
        tpu.wait_dma2 semaphore(%run_scoped3A : memref<!tpu.dma_semaphore, #tpu.memory_space<semaphore_mem>>) src(%dma_wait3A_88 : memref<128xi32, #tpu.memory_space<hbm>>) dst(%arg8 : memref<128xi32, #tpu.memory_space<vmem>>)
        tpu.yield
      }) : () -> ()
      %dma_start3A = arith.constant 0 : i32
      %dma_start3A_60 = arith.constant 0 : i32
      %dma_start3A_61 = tpu.memref_slice %arg2[%dma_start3A, %dma_start3A_60] : memref<10000x128xf32, #tpu.memory_space<hbm>> -> memref<10000x128xf32, #tpu.memory_space<hbm>>
      tpu.enqueue_indirect_dma source(%dma_start3A_61 : memref<10000x128xf32, #tpu.memory_space<hbm>>) target(%arg11 : memref<128x128xf32, #tpu.memory_space<vmem>>) offsets(%arg7 : memref<128xi32, #tpu.memory_space<vmem>>) semaphore(%arg14 : memref<!tpu.dma_semaphore, #tpu.memory_space<semaphore_mem>>)
      %gt3A_62 = arith.constant 0 : i32
      %gt3A_63 = arith.cmpi sgt, %while3A_49, %gt3A_62 : i32
      %convert_element_type3A_64 = arith.extui %gt3A_63 : i1 to i32
      %cond3A_65 = arith.constant 0 : i32
      %cond3A_66 = arith.cmpi ne, %convert_element_type3A_64, %cond3A_65 : i32
      scf.if %cond3A_66 {
        %dma_wait3A_85 = arith.constant 0 : i32
        %dma_wait3A_86 = arith.constant 0 : i32
        %dma_wait3A_87 = tpu.memref_slice %arg5[%dma_wait3A_85, %dma_wait3A_86] : memref<626x128xf32, #tpu.memory_space<hbm>> -> memref<128x128xf32, #tpu.memory_space<hbm>>
        %dma_wait3A_88 = arith.constant 0 : i32
        %dma_wait3A_89 = arith.constant 0 : i32
        %dma_wait3A_90 = tpu.memref_slice %arg5[%dma_wait3A_88, %dma_wait3A_89] : memref<626x128xf32, #tpu.memory_space<hbm>> -> memref<128x128xf32, #tpu.memory_space<hbm>>
        tpu.wait_dma2 semaphore(%arg17 : memref<!tpu.dma_semaphore, #tpu.memory_space<semaphore_mem>>) src(%dma_wait3A_90 : memref<128x128xf32, #tpu.memory_space<hbm>>) dst(%arg12 : memref<128x128xf32, #tpu.memory_space<vmem>>)
      } else {
      }
      %add3A_67 = arith.constant 128 : i32
      %add3A_68 = arith.addi %add3A_54, %add3A_67 : i32
      "tpu.region"() ({
        %run_scoped3A = tpu.sem_alloc : memref<!tpu.dma_semaphore, #tpu.memory_space<semaphore_mem>>
        %dma_start3A_85 = tpu.memref_slice %arg3[%add3A_68] : memref<327680xi32, #tpu.memory_space<hbm>> -> memref<128xi32, #tpu.memory_space<hbm>>
        %dma_start3A_86 = tpu.memref_slice %arg3[%add3A_68] : memref<327680xi32, #tpu.memory_space<hbm>> -> memref<128xi32, #tpu.memory_space<hbm>>
        tpu.enqueue_dma source(%dma_start3A_86 : memref<128xi32, #tpu.memory_space<hbm>>) target(%arg9 : memref<128xi32, #tpu.memory_space<vmem>>) target_semaphore(%run_scoped3A : memref<!tpu.dma_semaphore, #tpu.memory_space<semaphore_mem>>)
        %dma_wait3A_87 = tpu.memref_slice %arg3[%add3A_68] : memref<327680xi32, #tpu.memory_space<hbm>> -> memref<128xi32, #tpu.memory_space<hbm>>
        %dma_wait3A_88 = tpu.memref_slice %arg3[%add3A_68] : memref<327680xi32, #tpu.memory_space<hbm>> -> memref<128xi32, #tpu.memory_space<hbm>>
        tpu.wait_dma2 semaphore(%run_scoped3A : memref<!tpu.dma_semaphore, #tpu.memory_space<semaphore_mem>>) src(%dma_wait3A_88 : memref<128xi32, #tpu.memory_space<hbm>>) dst(%arg9 : memref<128xi32, #tpu.memory_space<vmem>>)
        tpu.yield
      }) : () -> ()
      %add3A_69 = arith.constant 128 : i32
      %add3A_70 = arith.addi %add3A_54, %add3A_69 : i32
      "tpu.region"() ({
        %run_scoped3A = tpu.sem_alloc : memref<!tpu.dma_semaphore, #tpu.memory_space<semaphore_mem>>
        %dma_start3A_85 = tpu.memref_slice %arg4[%add3A_70] : memref<327680xi32, #tpu.memory_space<hbm>> -> memref<128xi32, #tpu.memory_space<hbm>>
        %dma_start3A_86 = tpu.memref_slice %arg4[%add3A_70] : memref<327680xi32, #tpu.memory_space<hbm>> -> memref<128xi32, #tpu.memory_space<hbm>>
        tpu.enqueue_dma source(%dma_start3A_86 : memref<128xi32, #tpu.memory_space<hbm>>) target(%arg10 : memref<128xi32, #tpu.memory_space<vmem>>) target_semaphore(%run_scoped3A : memref<!tpu.dma_semaphore, #tpu.memory_space<semaphore_mem>>)
        %dma_wait3A_87 = tpu.memref_slice %arg4[%add3A_70] : memref<327680xi32, #tpu.memory_space<hbm>> -> memref<128xi32, #tpu.memory_space<hbm>>
        %dma_wait3A_88 = tpu.memref_slice %arg4[%add3A_70] : memref<327680xi32, #tpu.memory_space<hbm>> -> memref<128xi32, #tpu.memory_space<hbm>>
        tpu.wait_dma2 semaphore(%run_scoped3A : memref<!tpu.dma_semaphore, #tpu.memory_space<semaphore_mem>>) src(%dma_wait3A_88 : memref<128xi32, #tpu.memory_space<hbm>>) dst(%arg10 : memref<128xi32, #tpu.memory_space<vmem>>)
        tpu.yield
      }) : () -> ()
      %dma_start3A_71 = arith.constant 0 : i32
      %dma_start3A_72 = arith.constant 0 : i32
      %dma_start3A_73 = tpu.memref_slice %arg2[%dma_start3A_71, %dma_start3A_72] : memref<10000x128xf32, #tpu.memory_space<hbm>> -> memref<10000x128xf32, #tpu.memory_space<hbm>>
      tpu.enqueue_indirect_dma source(%dma_start3A_73 : memref<10000x128xf32, #tpu.memory_space<hbm>>) target(%arg12 : memref<128x128xf32, #tpu.memory_space<vmem>>) offsets(%arg9 : memref<128xi32, #tpu.memory_space<vmem>>) semaphore(%arg15 : memref<!tpu.dma_semaphore, #tpu.memory_space<semaphore_mem>>)
      %dma_wait3A = arith.constant 0 : i32
      %dma_wait3A_74 = arith.constant 0 : i32
      %dma_wait3A_75 = tpu.memref_slice %arg2[%dma_wait3A, %dma_wait3A_74] : memref<10000x128xf32, #tpu.memory_space<hbm>> -> memref<10000x128xf32, #tpu.memory_space<hbm>>
      tpu.wait_indirect_dma semaphore(%arg14 : memref<!tpu.dma_semaphore, #tpu.memory_space<semaphore_mem>>) src(%dma_wait3A_75 : memref<10000x128xf32, #tpu.memory_space<hbm>>) dst(%arg11 : memref<128x128xf32, #tpu.memory_space<vmem>>)
      %dma_start3A_76 = arith.constant 0 : i32
      %dma_start3A_77 = arith.constant 0 : i32
      %dma_start3A_78 = tpu.memref_slice %arg13[%dma_start3A_76, %dma_start3A_77] : memref<10016x128xf32, #tpu.memory_space<vmem_shared>> -> memref<10016x128xf32, #tpu.memory_space<vmem_shared>>
      tpu.enqueue_indirect_dma source(%arg11 : memref<128x128xf32, #tpu.memory_space<vmem>>) target(%dma_start3A_78 : memref<10016x128xf32, #tpu.memory_space<vmem_shared>>) offsets(%arg8 : memref<128xi32, #tpu.memory_space<vmem>>) semaphore(%arg16 : memref<!tpu.dma_semaphore, #tpu.memory_space<semaphore_mem>>) {add = true}
      %dma_wait3A_79 = arith.constant 0 : i32
      %dma_wait3A_80 = arith.constant 0 : i32
      %dma_wait3A_81 = tpu.memref_slice %arg2[%dma_wait3A_79, %dma_wait3A_80] : memref<10000x128xf32, #tpu.memory_space<hbm>> -> memref<10000x128xf32, #tpu.memory_space<hbm>>
      tpu.wait_indirect_dma semaphore(%arg15 : memref<!tpu.dma_semaphore, #tpu.memory_space<semaphore_mem>>) src(%dma_wait3A_81 : memref<10000x128xf32, #tpu.memory_space<hbm>>) dst(%arg12 : memref<128x128xf32, #tpu.memory_space<vmem>>)
      %dma_start3A_82 = arith.constant 0 : i32
      %dma_start3A_83 = arith.constant 0 : i32
      %dma_start3A_84 = tpu.memref_slice %arg13[%dma_start3A_82, %dma_start3A_83] : memref<10016x128xf32, #tpu.memory_space<vmem_shared>> -> memref<10016x128xf32, #tpu.memory_space<vmem_shared>>
      tpu.enqueue_indirect_dma source(%arg12 : memref<128x128xf32, #tpu.memory_space<vmem>>) target(%dma_start3A_84 : memref<10016x128xf32, #tpu.memory_space<vmem_shared>>) offsets(%arg10 : memref<128xi32, #tpu.memory_space<vmem>>) semaphore(%arg17 : memref<!tpu.dma_semaphore, #tpu.memory_space<semaphore_mem>>) {add = true}
    }
    %while3A_37 = arith.constant 1 : i32
    scf.for %while3A_49 = %while3A_35 to %while3A_31 step %while3A_37  : i32 {
      %mul3A_50 = arith.constant 2 : i32
      %mul3A_51 = arith.muli %mul3A_50, %while3A_49 : i32
      %mul3A_52 = arith.constant 128 : i32
      %mul3A_53 = arith.muli %mul3A_51, %mul3A_52 : i32
      %add3A_54 = arith.addi %select_n3A, %mul3A_53 : i32
      %gt3A_55 = arith.constant 0 : i32
      %gt3A_56 = arith.cmpi sgt, %while3A_49, %gt3A_55 : i32
      %convert_element_type3A_57 = arith.extui %gt3A_56 : i1 to i32
      %cond3A_58 = arith.constant 0 : i32
      %cond3A_59 = arith.cmpi ne, %convert_element_type3A_57, %cond3A_58 : i32
      scf.if %cond3A_59 {
        %dma_wait3A_85 = arith.constant 0 : i32
        %dma_wait3A_86 = arith.constant 0 : i32
        %dma_wait3A_87 = tpu.memref_slice %arg5[%dma_wait3A_85, %dma_wait3A_86] : memref<626x128xf32, #tpu.memory_space<hbm>> -> memref<128x128xf32, #tpu.memory_space<hbm>>
        %dma_wait3A_88 = arith.constant 0 : i32
        %dma_wait3A_89 = arith.constant 0 : i32
        %dma_wait3A_90 = tpu.memref_slice %arg5[%dma_wait3A_88, %dma_wait3A_89] : memref<626x128xf32, #tpu.memory_space<hbm>> -> memref<128x128xf32, #tpu.memory_space<hbm>>
        tpu.wait_dma2 semaphore(%arg16 : memref<!tpu.dma_semaphore, #tpu.memory_space<semaphore_mem>>) src(%dma_wait3A_90 : memref<128x128xf32, #tpu.memory_space<hbm>>) dst(%arg11 : memref<128x128xf32, #tpu.memory_space<vmem>>)
      } else {
      }
      "tpu.region"() ({
        %run_scoped3A = tpu.sem_alloc : memref<!tpu.dma_semaphore, #tpu.memory_space<semaphore_mem>>
        %dma_start3A_85 = tpu.memref_slice %arg3[%add3A_54] : memref<327680xi32, #tpu.memory_space<hbm>> -> memref<128xi32, #tpu.memory_space<hbm>>
        %dma_start3A_86 = tpu.memref_slice %arg3[%add3A_54] : memref<327680xi32, #tpu.memory_space<hbm>> -> memref<128xi32, #tpu.memory_space<hbm>>
        tpu.enqueue_dma source(%dma_start3A_86 : memref<128xi32, #tpu.memory_space<hbm>>) target(%arg7 : memref<128xi32, #tpu.memory_space<vmem>>) target_semaphore(%run_scoped3A : memref<!tpu.dma_semaphore, #tpu.memory_space<semaphore_mem>>)
        %dma_wait3A_87 = tpu.memref_slice %arg3[%add3A_54] : memref<327680xi32, #tpu.memory_space<hbm>> -> memref<128xi32, #tpu.memory_space<hbm>>
        %dma_wait3A_88 = tpu.memref_slice %arg3[%add3A_54] : memref<327680xi32, #tpu.memory_space<hbm>> -> memref<128xi32, #tpu.memory_space<hbm>>
        tpu.wait_dma2 semaphore(%run_scoped3A : memref<!tpu.dma_semaphore, #tpu.memory_space<semaphore_mem>>) src(%dma_wait3A_88 : memref<128xi32, #tpu.memory_space<hbm>>) dst(%arg7 : memref<128xi32, #tpu.memory_space<vmem>>)
        tpu.yield
      }) : () -> ()
      "tpu.region"() ({
        %run_scoped3A = tpu.sem_alloc : memref<!tpu.dma_semaphore, #tpu.memory_space<semaphore_mem>>
        %dma_start3A_85 = tpu.memref_slice %arg4[%add3A_54] : memref<327680xi32, #tpu.memory_space<hbm>> -> memref<128xi32, #tpu.memory_space<hbm>>
        %dma_start3A_86 = tpu.memref_slice %arg4[%add3A_54] : memref<327680xi32, #tpu.memory_space<hbm>> -> memref<128xi32, #tpu.memory_space<hbm>>
        tpu.enqueue_dma source(%dma_start3A_86 : memref<128xi32, #tpu.memory_space<hbm>>) target(%arg8 : memref<128xi32, #tpu.memory_space<vmem>>) target_semaphore(%run_scoped3A : memref<!tpu.dma_semaphore, #tpu.memory_space<semaphore_mem>>)
        %dma_wait3A_87 = tpu.memref_slice %arg4[%add3A_54] : memref<327680xi32, #tpu.memory_space<hbm>> -> memref<128xi32, #tpu.memory_space<hbm>>
        %dma_wait3A_88 = tpu.memref_slice %arg4[%add3A_54] : memref<327680xi32, #tpu.memory_space<hbm>> -> memref<128xi32, #tpu.memory_space<hbm>>
        tpu.wait_dma2 semaphore(%run_scoped3A : memref<!tpu.dma_semaphore, #tpu.memory_space<semaphore_mem>>) src(%dma_wait3A_88 : memref<128xi32, #tpu.memory_space<hbm>>) dst(%arg8 : memref<128xi32, #tpu.memory_space<vmem>>)
        tpu.yield
      }) : () -> ()
      %dma_start3A = arith.constant 0 : i32
      %dma_start3A_60 = arith.constant 0 : i32
      %dma_start3A_61 = tpu.memref_slice %arg2[%dma_start3A, %dma_start3A_60] : memref<10000x128xf32, #tpu.memory_space<hbm>> -> memref<10000x128xf32, #tpu.memory_space<hbm>>
      tpu.enqueue_indirect_dma source(%dma_start3A_61 : memref<10000x128xf32, #tpu.memory_space<hbm>>) target(%arg11 : memref<128x128xf32, #tpu.memory_space<vmem>>) offsets(%arg7 : memref<128xi32, #tpu.memory_space<vmem>>) semaphore(%arg14 : memref<!tpu.dma_semaphore, #tpu.memory_space<semaphore_mem>>)
      %gt3A_62 = arith.constant 0 : i32
      %gt3A_63 = arith.cmpi sgt, %while3A_49, %gt3A_62 : i32
      %convert_element_type3A_64 = arith.extui %gt3A_63 : i1 to i32
      %cond3A_65 = arith.constant 0 : i32
      %cond3A_66 = arith.cmpi ne, %convert_element_type3A_64, %cond3A_65 : i32
      scf.if %cond3A_66 {
        %dma_wait3A_85 = arith.constant 0 : i32
        %dma_wait3A_86 = arith.constant 0 : i32
        %dma_wait3A_87 = tpu.memref_slice %arg5[%dma_wait3A_85, %dma_wait3A_86] : memref<626x128xf32, #tpu.memory_space<hbm>> -> memref<128x128xf32, #tpu.memory_space<hbm>>
        %dma_wait3A_88 = arith.constant 0 : i32
        %dma_wait3A_89 = arith.constant 0 : i32
        %dma_wait3A_90 = tpu.memref_slice %arg5[%dma_wait3A_88, %dma_wait3A_89] : memref<626x128xf32, #tpu.memory_space<hbm>> -> memref<128x128xf32, #tpu.memory_space<hbm>>
        tpu.wait_dma2 semaphore(%arg17 : memref<!tpu.dma_semaphore, #tpu.memory_space<semaphore_mem>>) src(%dma_wait3A_90 : memref<128x128xf32, #tpu.memory_space<hbm>>) dst(%arg12 : memref<128x128xf32, #tpu.memory_space<vmem>>)
      } else {
      }
      %add3A_67 = arith.constant 128 : i32
      %add3A_68 = arith.addi %add3A_54, %add3A_67 : i32
      "tpu.region"() ({
        %run_scoped3A = tpu.sem_alloc : memref<!tpu.dma_semaphore, #tpu.memory_space<semaphore_mem>>
        %dma_start3A_85 = tpu.memref_slice %arg3[%add3A_68] : memref<327680xi32, #tpu.memory_space<hbm>> -> memref<128xi32, #tpu.memory_space<hbm>>
        %dma_start3A_86 = tpu.memref_slice %arg3[%add3A_68] : memref<327680xi32, #tpu.memory_space<hbm>> -> memref<128xi32, #tpu.memory_space<hbm>>
        tpu.enqueue_dma source(%dma_start3A_86 : memref<128xi32, #tpu.memory_space<hbm>>) target(%arg9 : memref<128xi32, #tpu.memory_space<vmem>>) target_semaphore(%run_scoped3A : memref<!tpu.dma_semaphore, #tpu.memory_space<semaphore_mem>>)
        %dma_wait3A_87 = tpu.memref_slice %arg3[%add3A_68] : memref<327680xi32, #tpu.memory_space<hbm>> -> memref<128xi32, #tpu.memory_space<hbm>>
        %dma_wait3A_88 = tpu.memref_slice %arg3[%add3A_68] : memref<327680xi32, #tpu.memory_space<hbm>> -> memref<128xi32, #tpu.memory_space<hbm>>
        tpu.wait_dma2 semaphore(%run_scoped3A : memref<!tpu.dma_semaphore, #tpu.memory_space<semaphore_mem>>) src(%dma_wait3A_88 : memref<128xi32, #tpu.memory_space<hbm>>) dst(%arg9 : memref<128xi32, #tpu.memory_space<vmem>>)
        tpu.yield
      }) : () -> ()
      %add3A_69 = arith.constant 128 : i32
      %add3A_70 = arith.addi %add3A_54, %add3A_69 : i32
      "tpu.region"() ({
        %run_scoped3A = tpu.sem_alloc : memref<!tpu.dma_semaphore, #tpu.memory_space<semaphore_mem>>
        %dma_start3A_85 = tpu.memref_slice %arg4[%add3A_70] : memref<327680xi32, #tpu.memory_space<hbm>> -> memref<128xi32, #tpu.memory_space<hbm>>
        %dma_start3A_86 = tpu.memref_slice %arg4[%add3A_70] : memref<327680xi32, #tpu.memory_space<hbm>> -> memref<128xi32, #tpu.memory_space<hbm>>
        tpu.enqueue_dma source(%dma_start3A_86 : memref<128xi32, #tpu.memory_space<hbm>>) target(%arg10 : memref<128xi32, #tpu.memory_space<vmem>>) target_semaphore(%run_scoped3A : memref<!tpu.dma_semaphore, #tpu.memory_space<semaphore_mem>>)
        %dma_wait3A_87 = tpu.memref_slice %arg4[%add3A_70] : memref<327680xi32, #tpu.memory_space<hbm>> -> memref<128xi32, #tpu.memory_space<hbm>>
        %dma_wait3A_88 = tpu.memref_slice %arg4[%add3A_70] : memref<327680xi32, #tpu.memory_space<hbm>> -> memref<128xi32, #tpu.memory_space<hbm>>
        tpu.wait_dma2 semaphore(%run_scoped3A : memref<!tpu.dma_semaphore, #tpu.memory_space<semaphore_mem>>) src(%dma_wait3A_88 : memref<128xi32, #tpu.memory_space<hbm>>) dst(%arg10 : memref<128xi32, #tpu.memory_space<vmem>>)
        tpu.yield
      }) : () -> ()
      %dma_start3A_71 = arith.constant 0 : i32
      %dma_start3A_72 = arith.constant 0 : i32
      %dma_start3A_73 = tpu.memref_slice %arg2[%dma_start3A_71, %dma_start3A_72] : memref<10000x128xf32, #tpu.memory_space<hbm>> -> memref<10000x128xf32, #tpu.memory_space<hbm>>
      tpu.enqueue_indirect_dma source(%dma_start3A_73 : memref<10000x128xf32, #tpu.memory_space<hbm>>) target(%arg12 : memref<128x128xf32, #tpu.memory_space<vmem>>) offsets(%arg9 : memref<128xi32, #tpu.memory_space<vmem>>) semaphore(%arg15 : memref<!tpu.dma_semaphore, #tpu.memory_space<semaphore_mem>>)
      %dma_wait3A = arith.constant 0 : i32
      %dma_wait3A_74 = arith.constant 0 : i32
      %dma_wait3A_75 = tpu.memref_slice %arg2[%dma_wait3A, %dma_wait3A_74] : memref<10000x128xf32, #tpu.memory_space<hbm>> -> memref<10000x128xf32, #tpu.memory_space<hbm>>
      tpu.wait_indirect_dma semaphore(%arg14 : memref<!tpu.dma_semaphore, #tpu.memory_space<semaphore_mem>>) src(%dma_wait3A_75 : memref<10000x128xf32, #tpu.memory_space<hbm>>) dst(%arg11 : memref<128x128xf32, #tpu.memory_space<vmem>>)
      %dma_start3A_76 = arith.constant 0 : i32
      %dma_start3A_77 = arith.constant 0 : i32
      %dma_start3A_78 = tpu.memref_slice %arg13[%dma_start3A_76, %dma_start3A_77] : memref<10016x128xf32, #tpu.memory_space<vmem_shared>> -> memref<10016x128xf32, #tpu.memory_space<vmem_shared>>
      tpu.enqueue_indirect_dma source(%arg11 : memref<128x128xf32, #tpu.memory_space<vmem>>) target(%dma_start3A_78 : memref<10016x128xf32, #tpu.memory_space<vmem_shared>>) offsets(%arg8 : memref<128xi32, #tpu.memory_space<vmem>>) semaphore(%arg16 : memref<!tpu.dma_semaphore, #tpu.memory_space<semaphore_mem>>) {add = true}
      %dma_wait3A_79 = arith.constant 0 : i32
      %dma_wait3A_80 = arith.constant 0 : i32
      %dma_wait3A_81 = tpu.memref_slice %arg2[%dma_wait3A_79, %dma_wait3A_80] : memref<10000x128xf32, #tpu.memory_space<hbm>> -> memref<10000x128xf32, #tpu.memory_space<hbm>>
      tpu.wait_indirect_dma semaphore(%arg15 : memref<!tpu.dma_semaphore, #tpu.memory_space<semaphore_mem>>) src(%dma_wait3A_81 : memref<10000x128xf32, #tpu.memory_space<hbm>>) dst(%arg12 : memref<128x128xf32, #tpu.memory_space<vmem>>)
      %dma_start3A_82 = arith.constant 0 : i32
      %dma_start3A_83 = arith.constant 0 : i32
      %dma_start3A_84 = tpu.memref_slice %arg13[%dma_start3A_82, %dma_start3A_83] : memref<10016x128xf32, #tpu.memory_space<vmem_shared>> -> memref<10016x128xf32, #tpu.memory_space<vmem_shared>>
      tpu.enqueue_indirect_dma source(%arg12 : memref<128x128xf32, #tpu.memory_space<vmem>>) target(%dma_start3A_84 : memref<10016x128xf32, #tpu.memory_space<vmem_shared>>) offsets(%arg10 : memref<128xi32, #tpu.memory_space<vmem>>) semaphore(%arg17 : memref<!tpu.dma_semaphore, #tpu.memory_space<semaphore_mem>>) {add = true}
    }
    %gt3A_38 = arith.constant 0 : i32
    %gt3A_39 = arith.cmpi sgt, %select_n3A_8, %gt3A_38 : i32
    %convert_element_type3A_40 = arith.extui %gt3A_39 : i1 to i32
    %cond3A_41 = arith.constant 0 : i32
    %cond3A_42 = arith.cmpi ne, %convert_element_type3A_40, %cond3A_41 : i32
    scf.if %cond3A_42 {
      %dma_wait3A = arith.constant 0 : i32
      %dma_wait3A_49 = arith.constant 0 : i32
      %dma_wait3A_50 = tpu.memref_slice %arg5[%dma_wait3A, %dma_wait3A_49] : memref<626x128xf32, #tpu.memory_space<hbm>> -> memref<128x128xf32, #tpu.memory_space<hbm>>
      %dma_wait3A_51 = arith.constant 0 : i32
      %dma_wait3A_52 = arith.constant 0 : i32
      %dma_wait3A_53 = tpu.memref_slice %arg5[%dma_wait3A_51, %dma_wait3A_52] : memref<626x128xf32, #tpu.memory_space<hbm>> -> memref<128x128xf32, #tpu.memory_space<hbm>>
      tpu.wait_dma2 semaphore(%arg16 : memref<!tpu.dma_semaphore, #tpu.memory_space<semaphore_mem>>) src(%dma_wait3A_53 : memref<128x128xf32, #tpu.memory_space<hbm>>) dst(%arg11 : memref<128x128xf32, #tpu.memory_space<vmem>>)
      %dma_wait3A_54 = arith.constant 0 : i32
      %dma_wait3A_55 = arith.constant 0 : i32
      %dma_wait3A_56 = tpu.memref_slice %arg5[%dma_wait3A_54, %dma_wait3A_55] : memref<626x128xf32, #tpu.memory_space<hbm>> -> memref<128x128xf32, #tpu.memory_space<hbm>>
      %dma_wait3A_57 = arith.constant 0 : i32
      %dma_wait3A_58 = arith.constant 0 : i32
      %dma_wait3A_59 = tpu.memref_slice %arg5[%dma_wait3A_57, %dma_wait3A_58] : memref<626x128xf32, #tpu.memory_space<hbm>> -> memref<128x128xf32, #tpu.memory_space<hbm>>
      tpu.wait_dma2 semaphore(%arg17 : memref<!tpu.dma_semaphore, #tpu.memory_space<semaphore_mem>>) src(%dma_wait3A_59 : memref<128x128xf32, #tpu.memory_space<hbm>>) dst(%arg12 : memref<128x128xf32, #tpu.memory_space<vmem>>)
    } else {
    }
    %barrier3A_43 = arith.constant 0 : index
    tpu.barrier barrier_id(%barrier3A_43)
    %gt3A_44 = arith.constant 0 : i32
    %gt3A_45 = arith.cmpi sgt, %select_n3A_8, %gt3A_44 : i32
    %convert_element_type3A_46 = arith.extui %gt3A_45 : i1 to i32
    %cond3A_47 = arith.constant 0 : i32
    %cond3A_48 = arith.cmpi ne, %convert_element_type3A_46, %cond3A_47 : i32
    scf.if %cond3A_48 {
      %mul3A_49 = arith.constant 625 : i32
      %mul3A_50 = arith.muli %arg1, %mul3A_49 : i32
      %mul3A_51 = arith.constant 625 : i32
      %mul3A_52 = arith.muli %arg1, %mul3A_51 : i32
      "tpu.region"() ({
        %run_scoped3A = tpu.sem_alloc : memref<!tpu.dma_semaphore, #tpu.memory_space<semaphore_mem>>
        %dma_start3A = arith.constant 0 : i32
        %dma_start3A_53 = tpu.memref_slice %arg6[%arg0, %mul3A_52, %dma_start3A] : memref<2x10000x128xf32, #tpu.memory_space<hbm>> -> memref<1x625x128xf32, #tpu.memory_space<hbm>>
        %dma_start3A_54 = tpu.memref_squeeze %dma_start3A_53 : memref<1x625x128xf32, #tpu.memory_space<hbm>> -> memref<625x128xf32, #tpu.memory_space<hbm>>
        %dma_start3A_55 = arith.constant 0 : i32
        %dma_start3A_56 = tpu.memref_slice %arg13[%mul3A_50, %dma_start3A_55] : memref<10016x128xf32, #tpu.memory_space<vmem_shared>> -> memref<625x128xf32, #tpu.memory_space<vmem_shared>>
        tpu.enqueue_dma source(%dma_start3A_56 : memref<625x128xf32, #tpu.memory_space<vmem_shared>>) target(%dma_start3A_54 : memref<625x128xf32, #tpu.memory_space<hbm>>) target_semaphore(%run_scoped3A : memref<!tpu.dma_semaphore, #tpu.memory_space<semaphore_mem>>)
        %dma_wait3A = arith.constant 0 : i32
        %dma_wait3A_57 = tpu.memref_slice %arg6[%arg0, %mul3A_52, %dma_wait3A] : memref<2x10000x128xf32, #tpu.memory_space<hbm>> -> memref<1x625x128xf32, #tpu.memory_space<hbm>>
        %dma_wait3A_58 = tpu.memref_squeeze %dma_wait3A_57 : memref<1x625x128xf32, #tpu.memory_space<hbm>> -> memref<625x128xf32, #tpu.memory_space<hbm>>
        %dma_wait3A_59 = arith.constant 0 : i32
        %dma_wait3A_60 = tpu.memref_slice %arg13[%mul3A_50, %dma_wait3A_59] : memref<10016x128xf32, #tpu.memory_space<vmem_shared>> -> memref<625x128xf32, #tpu.memory_space<vmem_shared>>
        tpu.wait_dma2 semaphore(%run_scoped3A : memref<!tpu.dma_semaphore, #tpu.memory_space<semaphore_mem>>) src(%dma_wait3A_60 : memref<625x128xf32, #tpu.memory_space<vmem_shared>>) dst(%dma_wait3A_58 : memref<625x128xf32, #tpu.memory_space<hbm>>)
        tpu.yield
      }) : () -> ()
    } else {
    }
    return
  }
}

module attributes {stable_mosaic.version = 14 : i64} {
  func.func @_dinv_body(%arg0: memref<32x10000xf32, #tpu.memory_space<vmem>>, %arg1: memref<1x10000xf32, #tpu.memory_space<vmem>>) attributes {dimension_semantics = [], scalar_prefetch = 0 : i64, scratch_operands = 0 : i64, tpu.core_type = #tpu.core_type<tc>} {
    %get3A = arith.constant 0 : index
    %get3A_0 = arith.constant 0 : index
    %get3A_1 = vector.load %arg0[%get3A, %get3A_0] : memref<32x10000xf32, #tpu.memory_space<vmem>>, vector<32x10000xf32>
    %reduce_sum3A = arith.constant dense<0.000000e+00> : vector<10000xf32>
    %reduce_sum3A_2 = vector.multi_reduction <add>, %get3A_1, %reduce_sum3A [0] : vector<32x10000xf32> to vector<10000xf32>
    %broadcast_in_dim3A = vector.shape_cast %reduce_sum3A_2 : vector<10000xf32> to vector<1x10000xf32>
    %add3A = arith.constant 1.000000e+00 : f32
    %add3A_3 = vector.broadcast %add3A : f32 to vector<1x10000xf32>
    %add3A_4 = arith.addf %add3A_3, %broadcast_in_dim3A : vector<1x10000xf32>
    %rsqrt3A = math.rsqrt %add3A_4 : vector<1x10000xf32>
    %swap3A = arith.constant 0 : index
    %swap3A_5 = arith.constant 0 : index
    %swap3A_6 = vector.load %arg1[%swap3A, %swap3A_5] : memref<1x10000xf32, #tpu.memory_space<vmem>>, vector<1x10000xf32>
    tpu.vector_store %arg1[%swap3A, %swap3A_5], %rsqrt3A {strides = array<i32>} : memref<1x10000xf32, #tpu.memory_space<vmem>>, vector<1x10000xf32>,
    return
  }
}

module attributes {stable_mosaic.version = 14 : i64} {
  func.func @_q1_body(%arg0: memref<10000x128xf32, #tpu.memory_space<vmem>>, %arg1: memref<128x128xf32, #tpu.memory_space<vmem>>, %arg2: memref<10000x1xf32, #tpu.memory_space<vmem>>, %arg3: memref<10000x128xf32, #tpu.memory_space<vmem>>) attributes {dimension_semantics = [], scalar_prefetch = 0 : i64, scratch_operands = 0 : i64, tpu.core_type = #tpu.core_type<tc>} {
    %get3A = arith.constant 0 : index
    %get3A_0 = arith.constant 0 : index
    %get3A_1 = vector.load %arg2[%get3A, %get3A_0] : memref<10000x1xf32, #tpu.memory_space<vmem>>, vector<10000x1xf32>
    %get3A_2 = arith.constant 0 : index
    %get3A_3 = arith.constant 0 : index
    %get3A_4 = vector.load %arg0[%get3A_2, %get3A_3] : memref<10000x128xf32, #tpu.memory_space<vmem>>, vector<10000x128xf32>
    %get3A_5 = arith.constant 0 : index
    %get3A_6 = arith.constant 0 : index
    %get3A_7 = vector.load %arg1[%get3A_5, %get3A_6] : memref<128x128xf32, #tpu.memory_space<vmem>>, vector<128x128xf32>
    %dot_general3A = arith.constant dense<0.000000e+00> : vector<10000x128xf32>
    %dot_general3A_8 = tpu.matmul %get3A_4, %get3A_7, %dot_general3A {dimension_numbers = #tpu.dot_dimension_numbers<[1], [0], [0], [1], [0, 0, 1, 1], [], []>, transpose_lhs_hint = false} : vector<10000x128xf32>, vector<128x128xf32>, vector<10000x128xf32> -> vector<10000x128xf32>
    %mul3A = vector.broadcast %get3A_1 : vector<10000x1xf32> to vector<10000x128xf32>
    %mul3A_9 = arith.mulf %mul3A, %dot_general3A_8 : vector<10000x128xf32>
    %swap3A = arith.constant 0 : index
    %swap3A_10 = arith.constant 0 : index
    %swap3A_11 = vector.load %arg3[%swap3A, %swap3A_10] : memref<10000x128xf32, #tpu.memory_space<vmem>>, vector<10000x128xf32>
    tpu.vector_store %arg3[%swap3A, %swap3A_10], %mul3A_9 {strides = array<i32>} : memref<10000x128xf32, #tpu.memory_space<vmem>>, vector<10000x128xf32>,
    return
  }
}

module attributes {stable_mosaic.version = 14 : i64} {
  func.func @_bnq_body(%arg0: memref<2x10000x128xf32, #tpu.memory_space<vmem>>, %arg1: memref<10000x128xf32, #tpu.memory_space<vmem>>, %arg2: memref<10000x1xf32, #tpu.memory_space<vmem>>, %arg3: memref<1x128xf32, #tpu.memory_space<vmem>>, %arg4: memref<1x128xf32, #tpu.memory_space<vmem>>, %arg5: memref<1x128xf32, #tpu.memory_space<vmem>>, %arg6: memref<128x128xf32, #tpu.memory_space<vmem>>, %arg7: memref<10000x128xf32, #tpu.memory_space<vmem>>) attributes {dimension_semantics = [], scalar_prefetch = 0 : i64, scratch_operands = 0 : i64, tpu.core_type = #tpu.core_type<tc>} {
    %get3A = arith.constant 0 : index
    %get3A_0 = arith.constant 0 : index
    %get3A_1 = vector.load %arg2[%get3A, %get3A_0] : memref<10000x1xf32, #tpu.memory_space<vmem>>, vector<10000x1xf32>
    %get3A_2 = arith.constant 0 : index
    %get3A_3 = arith.constant 0 : index
    %get3A_4 = arith.constant 0 : index
    %get3A_5 = vector.load %arg0[%get3A_2, %get3A_3, %get3A_4] : memref<2x10000x128xf32, #tpu.memory_space<vmem>>, vector<1x10000x128xf32>
    %get3A_6 = vector.shape_cast %get3A_5 : vector<1x10000x128xf32> to vector<10000x128xf32>
    %get3A_7 = arith.constant 1 : index
    %get3A_8 = arith.constant 0 : index
    %get3A_9 = arith.constant 0 : index
    %get3A_10 = vector.load %arg0[%get3A_7, %get3A_8, %get3A_9] : memref<2x10000x128xf32, #tpu.memory_space<vmem>>, vector<1x10000x128xf32>
    %get3A_11 = vector.shape_cast %get3A_10 : vector<1x10000x128xf32> to vector<10000x128xf32>
    %add3A = arith.addf %get3A_6, %get3A_11 : vector<10000x128xf32>
    %get3A_12 = arith.constant 0 : index
    %get3A_13 = arith.constant 0 : index
    %get3A_14 = vector.load %arg1[%get3A_12, %get3A_13] : memref<10000x128xf32, #tpu.memory_space<vmem>>, vector<10000x128xf32>
    %add3A_15 = arith.addf %add3A, %get3A_14 : vector<10000x128xf32>
    %mul3A = vector.broadcast %get3A_1 : vector<10000x1xf32> to vector<10000x128xf32>
    %mul3A_16 = arith.mulf %mul3A, %add3A_15 : vector<10000x128xf32>
    %get3A_17 = arith.constant 0 : index
    %get3A_18 = arith.constant 0 : index
    %get3A_19 = vector.load %arg3[%get3A_17, %get3A_18] : memref<1x128xf32, #tpu.memory_space<vmem>>, vector<1x128xf32>
    %add3A_20 = vector.broadcast %get3A_19 : vector<1x128xf32> to vector<10000x128xf32>
    %add3A_21 = arith.addf %mul3A_16, %add3A_20 : vector<10000x128xf32>
    %reduce_sum3A = arith.constant dense<0.000000e+00> : vector<128xf32>
    %reduce_sum3A_22 = vector.multi_reduction <add>, %add3A_21, %reduce_sum3A [0] : vector<10000x128xf32> to vector<128xf32>
    %broadcast_in_dim3A = vector.shape_cast %reduce_sum3A_22 : vector<128xf32> to vector<1x128xf32>
    %div3A = arith.constant 1.000000e+04 : f32
    %div3A_23 = vector.broadcast %div3A : f32 to vector<1x128xf32>
    %div3A_24 = arith.divf %broadcast_in_dim3A, %div3A_23 : vector<1x128xf32>
    %sub3A = vector.broadcast %div3A_24 : vector<1x128xf32> to vector<10000x128xf32>
    %sub3A_25 = arith.subf %add3A_21, %sub3A : vector<10000x128xf32>
    %sub3A_26 = vector.broadcast %div3A_24 : vector<1x128xf32> to vector<10000x128xf32>
    %sub3A_27 = arith.subf %add3A_21, %sub3A_26 : vector<10000x128xf32>
    %mul3A_28 = arith.mulf %sub3A_25, %sub3A_27 : vector<10000x128xf32>
    %reduce_sum3A_29 = arith.constant dense<0.000000e+00> : vector<128xf32>
    %reduce_sum3A_30 = vector.multi_reduction <add>, %mul3A_28, %reduce_sum3A_29 [0] : vector<10000x128xf32> to vector<128xf32>
    %broadcast_in_dim3A_31 = vector.shape_cast %reduce_sum3A_30 : vector<128xf32> to vector<1x128xf32>
    %div3A_32 = arith.constant 1.000000e+04 : f32
    %div3A_33 = vector.broadcast %div3A_32 : f32 to vector<1x128xf32>
    %div3A_34 = arith.divf %broadcast_in_dim3A_31, %div3A_33 : vector<1x128xf32>
    %get3A_35 = arith.constant 0 : index
    %get3A_36 = arith.constant 0 : index
    %get3A_37 = vector.load %arg4[%get3A_35, %get3A_36] : memref<1x128xf32, #tpu.memory_space<vmem>>, vector<1x128xf32>
    %sub3A_38 = vector.broadcast %div3A_24 : vector<1x128xf32> to vector<10000x128xf32>
    %sub3A_39 = arith.subf %add3A_21, %sub3A_38 : vector<10000x128xf32>
    %mul3A_40 = vector.broadcast %get3A_37 : vector<1x128xf32> to vector<10000x128xf32>
    %mul3A_41 = arith.mulf %mul3A_40, %sub3A_39 : vector<10000x128xf32>
    %add3A_42 = arith.constant 9.99999974E-6 : f32
    %add3A_43 = vector.broadcast %add3A_42 : f32 to vector<1x128xf32>
    %add3A_44 = arith.addf %div3A_34, %add3A_43 : vector<1x128xf32>
    %rsqrt3A = math.rsqrt %add3A_44 : vector<1x128xf32>
    %mul3A_45 = vector.broadcast %rsqrt3A : vector<1x128xf32> to vector<10000x128xf32>
    %mul3A_46 = arith.mulf %mul3A_41, %mul3A_45 : vector<10000x128xf32>
    %get3A_47 = arith.constant 0 : index
    %get3A_48 = arith.constant 0 : index
    %get3A_49 = vector.load %arg5[%get3A_47, %get3A_48] : memref<1x128xf32, #tpu.memory_space<vmem>>, vector<1x128xf32>
    %add3A_50 = vector.broadcast %get3A_49 : vector<1x128xf32> to vector<10000x128xf32>
    %add3A_51 = arith.addf %mul3A_46, %add3A_50 : vector<10000x128xf32>
    %max3A = arith.constant 0.000000e+00 : f32
    %max3A_52 = vector.broadcast %max3A : f32 to vector<10000x128xf32>
    %max3A_53 = arith.maximumf %add3A_51, %max3A_52 : vector<10000x128xf32>
    %get3A_54 = arith.constant 0 : index
    %get3A_55 = arith.constant 0 : index
    %get3A_56 = vector.load %arg2[%get3A_54, %get3A_55] : memref<10000x1xf32, #tpu.memory_space<vmem>>, vector<10000x1xf32>
    %get3A_57 = arith.constant 0 : index
    %get3A_58 = arith.constant 0 : index
    %get3A_59 = vector.load %arg6[%get3A_57, %get3A_58] : memref<128x128xf32, #tpu.memory_space<vmem>>, vector<128x128xf32>
    %dot_general3A = arith.constant dense<0.000000e+00> : vector<10000x128xf32>
    %dot_general3A_60 = tpu.matmul %max3A_53, %get3A_59, %dot_general3A {dimension_numbers = #tpu.dot_dimension_numbers<[1], [0], [0], [1], [0, 0, 1, 1], [], []>, transpose_lhs_hint = false} : vector<10000x128xf32>, vector<128x128xf32>, vector<10000x128xf32> -> vector<10000x128xf32>
    %mul3A_61 = vector.broadcast %get3A_56 : vector<10000x1xf32> to vector<10000x128xf32>
    %mul3A_62 = arith.mulf %mul3A_61, %dot_general3A_60 : vector<10000x128xf32>
    %swap3A = arith.constant 0 : index
    %swap3A_63 = arith.constant 0 : index
    %swap3A_64 = vector.load %arg7[%swap3A, %swap3A_63] : memref<10000x128xf32, #tpu.memory_space<vmem>>, vector<10000x128xf32>
    tpu.vector_store %arg7[%swap3A, %swap3A_63], %mul3A_62 {strides = array<i32>} : memref<10000x128xf32, #tpu.memory_space<vmem>>, vector<10000x128xf32>,
    return
  }
}

module attributes {stable_mosaic.version = 14 : i64} {
  func.func @_final_body(%arg0: memref<2x10000x128xf32, #tpu.memory_space<vmem>>, %arg1: memref<10000x128xf32, #tpu.memory_space<vmem>>, %arg2: memref<10000x1xf32, #tpu.memory_space<vmem>>, %arg3: memref<1x128xf32, #tpu.memory_space<vmem>>, %arg4: memref<1x128xf32, #tpu.memory_space<vmem>>, %arg5: memref<1x128xf32, #tpu.memory_space<vmem>>, %arg6: memref<1x10000xi32, #tpu.memory_space<vmem>>, %arg7: memref<128x128xf32, #tpu.memory_space<vmem>>, %arg8: memref<1x128xf32, #tpu.memory_space<vmem>>, %arg9: memref<128x64xf32, #tpu.memory_space<vmem>>, %arg10: memref<1x64xf32, #tpu.memory_space<vmem>>, %arg11: memref<64x32xf32, #tpu.memory_space<vmem>>, %arg12: memref<1x32xf32, #tpu.memory_space<vmem>>, %arg13: memref<32x2xf32, #tpu.memory_space<vmem>>, %arg14: memref<1x2xf32, #tpu.memory_space<vmem>>, %arg15: memref<64x2xf32, #tpu.memory_space<vmem>>) attributes {dimension_semantics = [], scalar_prefetch = 0 : i64, scratch_operands = 0 : i64, tpu.core_type = #tpu.core_type<tc>} {
    %get3A = arith.constant 0 : index
    %get3A_0 = arith.constant 0 : index
    %get3A_1 = vector.load %arg2[%get3A, %get3A_0] : memref<10000x1xf32, #tpu.memory_space<vmem>>, vector<10000x1xf32>
    %get3A_2 = arith.constant 0 : index
    %get3A_3 = arith.constant 0 : index
    %get3A_4 = arith.constant 0 : index
    %get3A_5 = vector.load %arg0[%get3A_2, %get3A_3, %get3A_4] : memref<2x10000x128xf32, #tpu.memory_space<vmem>>, vector<1x10000x128xf32>
    %get3A_6 = vector.shape_cast %get3A_5 : vector<1x10000x128xf32> to vector<10000x128xf32>
    %get3A_7 = arith.constant 1 : index
    %get3A_8 = arith.constant 0 : index
    %get3A_9 = arith.constant 0 : index
    %get3A_10 = vector.load %arg0[%get3A_7, %get3A_8, %get3A_9] : memref<2x10000x128xf32, #tpu.memory_space<vmem>>, vector<1x10000x128xf32>
    %get3A_11 = vector.shape_cast %get3A_10 : vector<1x10000x128xf32> to vector<10000x128xf32>
    %add3A = arith.addf %get3A_6, %get3A_11 : vector<10000x128xf32>
    %get3A_12 = arith.constant 0 : index
    %get3A_13 = arith.constant 0 : index
    %get3A_14 = vector.load %arg1[%get3A_12, %get3A_13] : memref<10000x128xf32, #tpu.memory_space<vmem>>, vector<10000x128xf32>
    %add3A_15 = arith.addf %add3A, %get3A_14 : vector<10000x128xf32>
    %mul3A = vector.broadcast %get3A_1 : vector<10000x1xf32> to vector<10000x128xf32>
    %mul3A_16 = arith.mulf %mul3A, %add3A_15 : vector<10000x128xf32>
    %get3A_17 = arith.constant 0 : index
    %get3A_18 = arith.constant 0 : index
    %get3A_19 = vector.load %arg3[%get3A_17, %get3A_18] : memref<1x128xf32, #tpu.memory_space<vmem>>, vector<1x128xf32>
    %add3A_20 = vector.broadcast %get3A_19 : vector<1x128xf32> to vector<10000x128xf32>
    %add3A_21 = arith.addf %mul3A_16, %add3A_20 : vector<10000x128xf32>
    %reduce_sum3A = arith.constant dense<0.000000e+00> : vector<128xf32>
    %reduce_sum3A_22 = vector.multi_reduction <add>, %add3A_21, %reduce_sum3A [0] : vector<10000x128xf32> to vector<128xf32>
    %broadcast_in_dim3A = vector.shape_cast %reduce_sum3A_22 : vector<128xf32> to vector<1x128xf32>
    %div3A = arith.constant 1.000000e+04 : f32
    %div3A_23 = vector.broadcast %div3A : f32 to vector<1x128xf32>
    %div3A_24 = arith.divf %broadcast_in_dim3A, %div3A_23 : vector<1x128xf32>
    %sub3A = vector.broadcast %div3A_24 : vector<1x128xf32> to vector<10000x128xf32>
    %sub3A_25 = arith.subf %add3A_21, %sub3A : vector<10000x128xf32>
    %sub3A_26 = vector.broadcast %div3A_24 : vector<1x128xf32> to vector<10000x128xf32>
    %sub3A_27 = arith.subf %add3A_21, %sub3A_26 : vector<10000x128xf32>
    %mul3A_28 = arith.mulf %sub3A_25, %sub3A_27 : vector<10000x128xf32>
    %reduce_sum3A_29 = arith.constant dense<0.000000e+00> : vector<128xf32>
    %reduce_sum3A_30 = vector.multi_reduction <add>, %mul3A_28, %reduce_sum3A_29 [0] : vector<10000x128xf32> to vector<128xf32>
    %broadcast_in_dim3A_31 = vector.shape_cast %reduce_sum3A_30 : vector<128xf32> to vector<1x128xf32>
    %div3A_32 = arith.constant 1.000000e+04 : f32
    %div3A_33 = vector.broadcast %div3A_32 : f32 to vector<1x128xf32>
    %div3A_34 = arith.divf %broadcast_in_dim3A_31, %div3A_33 : vector<1x128xf32>
    %get3A_35 = arith.constant 0 : index
    %get3A_36 = arith.constant 0 : index
    %get3A_37 = vector.load %arg4[%get3A_35, %get3A_36] : memref<1x128xf32, #tpu.memory_space<vmem>>, vector<1x128xf32>
    %sub3A_38 = vector.broadcast %div3A_24 : vector<1x128xf32> to vector<10000x128xf32>
    %sub3A_39 = arith.subf %add3A_21, %sub3A_38 : vector<10000x128xf32>
    %mul3A_40 = vector.broadcast %get3A_37 : vector<1x128xf32> to vector<10000x128xf32>
    %mul3A_41 = arith.mulf %mul3A_40, %sub3A_39 : vector<10000x128xf32>
    %add3A_42 = arith.constant 9.99999974E-6 : f32
    %add3A_43 = vector.broadcast %add3A_42 : f32 to vector<1x128xf32>
    %add3A_44 = arith.addf %div3A_34, %add3A_43 : vector<1x128xf32>
    %rsqrt3A = math.rsqrt %add3A_44 : vector<1x128xf32>
    %mul3A_45 = vector.broadcast %rsqrt3A : vector<1x128xf32> to vector<10000x128xf32>
    %mul3A_46 = arith.mulf %mul3A_41, %mul3A_45 : vector<10000x128xf32>
    %get3A_47 = arith.constant 0 : index
    %get3A_48 = arith.constant 0 : index
    %get3A_49 = vector.load %arg5[%get3A_47, %get3A_48] : memref<1x128xf32, #tpu.memory_space<vmem>>, vector<1x128xf32>
    %add3A_50 = vector.broadcast %get3A_49 : vector<1x128xf32> to vector<10000x128xf32>
    %add3A_51 = arith.addf %mul3A_46, %add3A_50 : vector<10000x128xf32>
    %max3A = arith.constant 0.000000e+00 : f32
    %max3A_52 = vector.broadcast %max3A : f32 to vector<10000x128xf32>
    %max3A_53 = arith.maximumf %add3A_51, %max3A_52 : vector<10000x128xf32>
    %iota3A = tpu.iota {dimensions = array<i32: 0>} : vector<64x1xi32>
    %get3A_54 = arith.constant 0 : index
    %get3A_55 = arith.constant 0 : index
    %get3A_56 = vector.load %arg6[%get3A_54, %get3A_55] : memref<1x10000xi32, #tpu.memory_space<vmem>>, vector<1x10000xi32>
    %eq3A = vector.broadcast %iota3A : vector<64x1xi32> to vector<64x10000xi32>
    %eq3A_57 = vector.broadcast %get3A_56 : vector<1x10000xi32> to vector<64x10000xi32>
    %eq3A_58 = arith.cmpi eq, %eq3A, %eq3A_57 : vector<64x10000xi32>
    %convert_element_type3A = arith.extui %eq3A_58 : vector<64x10000xi1> to vector<64x10000xi32>
    %convert_element_type3A_59 = arith.sitofp %convert_element_type3A : vector<64x10000xi32> to vector<64x10000xf32>
    %dot_general3A = arith.constant dense<0.000000e+00> : vector<64x128xf32>
    %dot_general3A_60 = tpu.matmul %convert_element_type3A_59, %max3A_53, %dot_general3A {dimension_numbers = #tpu.dot_dimension_numbers<[1], [0], [0], [1], [0, 0, 1, 1], [], []>, transpose_lhs_hint = false} : vector<64x10000xf32>, vector<10000x128xf32>, vector<64x128xf32> -> vector<64x128xf32>
    %broadcast_in_dim3A_61 = arith.constant 1.000000e+00 : f32
    %broadcast_in_dim3A_62 = vector.broadcast %broadcast_in_dim3A_61 : f32 to vector<10000x1xf32>
    %dot_general3A_63 = arith.constant dense<0.000000e+00> : vector<64x1xf32>
    %dot_general3A_64 = tpu.matmul %convert_element_type3A_59, %broadcast_in_dim3A_62, %dot_general3A_63 {dimension_numbers = #tpu.dot_dimension_numbers<[1], [0], [0], [1], [0, 0, 1, 1], [], []>, transpose_lhs_hint = false} : vector<64x10000xf32>, vector<10000x1xf32>, vector<64x1xf32> -> vector<64x1xf32>
    %max3A_65 = arith.constant 1.000000e+00 : f32
    %max3A_66 = vector.broadcast %max3A_65 : f32 to vector<64x1xf32>
    %max3A_67 = arith.maximumf %dot_general3A_64, %max3A_66 : vector<64x1xf32>
    %div3A_68 = vector.broadcast %max3A_67 : vector<64x1xf32> to vector<64x128xf32>
    %div3A_69 = arith.divf %dot_general3A_60, %div3A_68 : vector<64x128xf32>
    %get3A_70 = arith.constant 0 : index
    %get3A_71 = arith.constant 0 : index
    %get3A_72 = vector.load %arg7[%get3A_70, %get3A_71] : memref<128x128xf32, #tpu.memory_space<vmem>>, vector<128x128xf32>
    %dot_general3A_73 = arith.constant dense<0.000000e+00> : vector<64x128xf32>
    %dot_general3A_74 = tpu.matmul %div3A_69, %get3A_72, %dot_general3A_73 {dimension_numbers = #tpu.dot_dimension_numbers<[1], [0], [0], [1], [0, 0, 1, 1], [], []>, transpose_lhs_hint = false} : vector<64x128xf32>, vector<128x128xf32>, vector<64x128xf32> -> vector<64x128xf32>
    %get3A_75 = arith.constant 0 : index
    %get3A_76 = arith.constant 0 : index
    %get3A_77 = vector.load %arg8[%get3A_75, %get3A_76] : memref<1x128xf32, #tpu.memory_space<vmem>>, vector<1x128xf32>
    %add3A_78 = vector.broadcast %get3A_77 : vector<1x128xf32> to vector<64x128xf32>
    %add3A_79 = arith.addf %dot_general3A_74, %add3A_78 : vector<64x128xf32>
    %max3A_80 = arith.constant 0.000000e+00 : f32
    %max3A_81 = vector.broadcast %max3A_80 : f32 to vector<64x128xf32>
    %max3A_82 = arith.maximumf %add3A_79, %max3A_81 : vector<64x128xf32>
    %get3A_83 = arith.constant 0 : index
    %get3A_84 = arith.constant 0 : index
    %get3A_85 = vector.load %arg9[%get3A_83, %get3A_84] : memref<128x64xf32, #tpu.memory_space<vmem>>, vector<128x64xf32>
    %dot_general3A_86 = arith.constant dense<0.000000e+00> : vector<64x64xf32>
    %dot_general3A_87 = tpu.matmul %max3A_82, %get3A_85, %dot_general3A_86 {dimension_numbers = #tpu.dot_dimension_numbers<[1], [0], [0], [1], [0, 0, 1, 1], [], []>, transpose_lhs_hint = false} : vector<64x128xf32>, vector<128x64xf32>, vector<64x64xf32> -> vector<64x64xf32>
    %get3A_88 = arith.constant 0 : index
    %get3A_89 = arith.constant 0 : index
    %get3A_90 = vector.load %arg10[%get3A_88, %get3A_89] : memref<1x64xf32, #tpu.memory_space<vmem>>, vector<1x64xf32>
    %add3A_91 = vector.broadcast %get3A_90 : vector<1x64xf32> to vector<64x64xf32>
    %add3A_92 = arith.addf %dot_general3A_87, %add3A_91 : vector<64x64xf32>
    %max3A_93 = arith.constant 0.000000e+00 : f32
    %max3A_94 = vector.broadcast %max3A_93 : f32 to vector<64x64xf32>
    %max3A_95 = arith.maximumf %add3A_92, %max3A_94 : vector<64x64xf32>
    %get3A_96 = arith.constant 0 : index
    %get3A_97 = arith.constant 0 : index
    %get3A_98 = vector.load %arg11[%get3A_96, %get3A_97] : memref<64x32xf32, #tpu.memory_space<vmem>>, vector<64x32xf32>
    %dot_general3A_99 = arith.constant dense<0.000000e+00> : vector<64x32xf32>
    %dot_general3A_100 = tpu.matmul %max3A_95, %get3A_98, %dot_general3A_99 {dimension_numbers = #tpu.dot_dimension_numbers<[1], [0], [0], [1], [0, 0, 1, 1], [], []>, transpose_lhs_hint = false} : vector<64x64xf32>, vector<64x32xf32>, vector<64x32xf32> -> vector<64x32xf32>
    %get3A_101 = arith.constant 0 : index
    %get3A_102 = arith.constant 0 : index
    %get3A_103 = vector.load %arg12[%get3A_101, %get3A_102] : memref<1x32xf32, #tpu.memory_space<vmem>>, vector<1x32xf32>
    %add3A_104 = vector.broadcast %get3A_103 : vector<1x32xf32> to vector<64x32xf32>
    %add3A_105 = arith.addf %dot_general3A_100, %add3A_104 : vector<64x32xf32>
    %max3A_106 = arith.constant 0.000000e+00 : f32
    %max3A_107 = vector.broadcast %max3A_106 : f32 to vector<64x32xf32>
    %max3A_108 = arith.maximumf %add3A_105, %max3A_107 : vector<64x32xf32>
    %get3A_109 = arith.constant 0 : index
    %get3A_110 = arith.constant 0 : index
    %get3A_111 = vector.load %arg13[%get3A_109, %get3A_110] : memref<32x2xf32, #tpu.memory_space<vmem>>, vector<32x2xf32>
    %dot_general3A_112 = arith.constant dense<0.000000e+00> : vector<64x2xf32>
    %dot_general3A_113 = tpu.matmul %max3A_108, %get3A_111, %dot_general3A_112 {dimension_numbers = #tpu.dot_dimension_numbers<[1], [0], [0], [1], [0, 0, 1, 1], [], []>, transpose_lhs_hint = false} : vector<64x32xf32>, vector<32x2xf32>, vector<64x2xf32> -> vector<64x2xf32>
    %get3A_114 = arith.constant 0 : index
    %get3A_115 = arith.constant 0 : index
    %get3A_116 = vector.load %arg14[%get3A_114, %get3A_115] : memref<1x2xf32, #tpu.memory_space<vmem>>, vector<1x2xf32>
    %add3A_117 = vector.broadcast %get3A_116 : vector<1x2xf32> to vector<64x2xf32>
    %add3A_118 = arith.addf %dot_general3A_113, %add3A_117 : vector<64x2xf32>
    %swap3A = arith.constant 0 : index
    %swap3A_119 = arith.constant 0 : index
    %swap3A_120 = vector.load %arg15[%swap3A, %swap3A_119] : memref<64x2xf32, #tpu.memory_space<vmem>>, vector<64x2xf32>
    tpu.vector_store %arg15[%swap3A, %swap3A_119], %add3A_118 {strides = array<i32>} : memref<64x2xf32, #tpu.memory_space<vmem>>, vector<64x2xf32>,
    return
  }
}

</mosaic_0001>

<sc_bundles>
// kernel: kernel.11.cloned.1.call-start
scs
__scs_entry_jumppad:
0x0: {  	(pc) =	sbr.rel $0x88, $3  }
0x1: {  	(tag) =	ssettag $0x0;
	lr =	simm.s32 $0x1  }
0x2: {  	[smem:$0x3F8A] =	sst lr;
	_ =	strace $0xD0000000  }
0x3: {  	_ = 	snop  }
0x4: {  	_ = 	snop  }
0x5: {  	_ = 	snop  }
0x6: {  	_ = 	snop  }
0x7: {  	_ = 	snop  }
__scs_overlays_trampoline_lowered:
0x8: {  	[smem:$0x3F99] =	sst s0  }
0x9: {  	[smem:$0x3F9A] =	sst s1  }
0xa: {  	[smem:$0x3F9B] =	sst s2  }
0xb: {  	[smem:$0x3F9C] =	sst s3  }
0xc: {  	[smem:$0x3F9D] =	sst s4  }
0xd: {  	[smem:$0x3F9E] =	sst s5  }
0xe: {  	[smem:$0x3F9F] =	sst s6  }
0xf: {  	[smem:$0x3FA0] =	sst s7  }
0x10: {  	[smem:$0x3FA1] =	sst s8  }
0x11: {  	[smem:$0x3FA2] =	sst s9;
	s0 =	simm.s32 @!p0 $0x0  }
0x12: {  	s1 =	sld [smem:$0x3F88];
	s0 =	simm.s32 @p0 $0x1  }
0x13: {  	[smem:$0x3FA3] =	sst s0;
	s0 =	simm.s32 @!p1 $0x0  }
0x14: {  	s2 =	sld [smem:$0x3F87];
	s0 =	simm.s32 @p1 $0x1  }
0x15: {  	[smem:$0x3FA4] =	sst s0;
	s0 =	simm.s32 @!p2 $0x0  }
0x16: {  	s3 =	sld [smem:$0x3FDB];
	s0 =	simm.s32 @p2 $0x1  }
0x17: {  	s4 =	simm.s32 $0x1BF5;
	[smem:$0x3FA6] =	sst s0  }
0x18: {  	s0 =	sld [smem:$0x3F89];
	_ =	swait.ge [sflag:s4], $0x0  }
0x19: {  	s7 =	sld [smem:$0x3F8A]  }
0x1a: {  	s8 =	sadd.s32 $0xFFFFE003, lr  }
0x1b: {  	s9 =	sadd.s32 $0xFFFFFEF7, lr;
	s5 =	simm.s32 $0xFFFFFFFF;
	p2 =	slt.u32 s8, $0xFFFFF086  }
0x1c: {  	p1 =	slt.u32 s9, $0xF7A;
	s5 =	simm.s32 @!p2 $0x0  }
0x1d: {  	s5 =	simm.s32 @p1 $0x1;
	p0 =	seq.s32 s7, s2  }
0x1e: {  	s7 =	smul.u32 @!p0 $0xF7A, s2;
	p2 =	seq.s32 @!p0 s5, $0x0  }
0x1f: {  	s9 =	smul.u32 $0xF7A, s1;
	s8 =	simm.s32 @!p0 $0x1BF5;
	p2 =	por !p2, p0  }
0x20: {  	[sflag:s8] =	ssyncset.s32 @!p0 $0xFFFFF086;
	s6 =	sadd.s32 @!p0 s3, s7;
	s7 =	simm.s32 @!p0 $0x108  }
0x21: {  	s3 =	sadd.s32 s3, s9;
	s6 =	sadd.s32 @!p0 $0x88, s6;
	s7 =	simm.s32 @p2 $0x1082  }
0x22: {  	[simem:s7], [sflag:s8] =	dma.local @!p0 [hbm:s6], $0xF7A  }
0x23: {  	s9 =	sor.u32 $0xD0000000, s2;
	s6 =	simm.s32 $0x108;
	_ =	swait.ge @!p0 [sflag:s8], $0x0  }
0x24: {  	s3 =	sadd.s32 $0x88, s3;
	s6 =	simm.s32 @!p1 $0x1082;
	[sflag:s4] =	ssyncset.s32 $0xFFFFF086  }
0x25: {  	[simem:s6], [sflag:s4] =	dma.local [hbm:s3], $0xF7A  }
0x26: {  	[smem:$0x3F8A] =	sst s1;
	(tag) =	ssettag s2;
	_ =	strace s9  }
0x27: {  	s1 =	sld [smem:$0x3F9A]  }
0x28: {  	s2 =	sld [smem:$0x3F9B]  }
0x29: {  	s4 =	sld [smem:$0x3F9D]  }
0x2a: {  	p0 =	seq.s32 s5, $0x0;
	s5 =	sld [smem:$0x3F9E]  }
0x2b: {  	s6 =	sld [smem:$0x3F9F]  }
0x2c: {  	s7 =	sld [smem:$0x3FA0]  }
0x2d: {  	s3 =	simm.s32 $0x108;
	s8 =	sld [smem:$0x3FA1]  }
0x2e: {  	s3 =	simm.s32 @!p0 $0x1082;
	s9 =	sld [smem:$0x3FA2]  }
0x2f: {  	lr =	sadd.s32 s0, s3;
	s0 =	sld [smem:$0x3F99]  }
0x30: {  	s3 =	sld [smem:$0x3F9C]  }
0x31: {  	[smem:$0x3FA5] =	sst s10  }
0x32: {  	s10 =	sld [smem:$0x3FA3];
	_ =	sdelay $0x3  }
0x33: {  	p0 =	seq.s32 s10, $0x1;
	s10 =	sld [smem:$0x3FA5];
	_ =	sdelay $0x3  }
0x34: {  	[smem:$0x3FA5] =	sst s10  }
0x35: {  	s10 =	sld [smem:$0x3FA4];
	_ =	sdelay $0x3  }
0x36: {  	p1 =	seq.s32 s10, $0x1;
	s10 =	sld [smem:$0x3FA5];
	_ =	sdelay $0x3  }
0x37: {  	[smem:$0x3FA5] =	sst s10  }
0x38: {  	s10 =	sld [smem:$0x3FA6]  }
0x39: {  	_ = 	snop;
	(pc) =	sbr.ind lr, $3  }
0x3a: {  	_ = 	snop  }
0x3b: {  	_ = 	snop  }
0x3c: {  	p2 =	seq.s32 s10, $0x1;
	s10 =	sld [smem:$0x3FA5]  }
0x3d: {  	_ =	shalt  }
0x3e: {  	_ =	shalt  }
0x3f: {  	_ =	shalt  }
0x40: {  	_ =	shalt  }
0x41: {  	_ =	shalt  }
0x42: {  	_ =	shalt  }
0x43: {  	_ =	shalt  }
0x44: {  	_ =	shalt  }
0x45: {  	_ =	shalt  }
0x46: {  	_ =	shalt  }
0x47: {  	_ =	shalt  }
0x48: {  	_ =	shalt  }
0x49: {  	_ =	shalt  }
0x4a: {  	_ =	shalt  }
0x4b: {  	_ =	shalt  }
0x4c: {  	_ =	shalt  }
0x4d: {  	_ =	shalt  }
0x4e: {  	_ =	shalt  }
0x4f: {  	_ =	shalt  }
0x50: {  	_ =	shalt  }
0x51: {  	_ =	shalt  }
0x52: {  	_ =	shalt  }
0x53: {  	_ =	shalt  }
0x54: {  	_ =	shalt  }
0x55: {  	_ =	shalt  }
0x56: {  	_ =	shalt  }
0x57: {  	_ =	shalt  }
0x58: {  	_ =	shalt  }
0x59: {  	_ =	shalt  }
0x5a: {  	_ =	shalt  }
0x5b: {  	_ =	shalt  }
0x5c: {  	_ =	shalt  }
0x5d: {  	_ =	shalt  }
0x5e: {  	_ =	shalt  }
0x5f: {  	_ =	shalt  }
0x60: {  	_ =	shalt  }
0x61: {  	_ =	shalt  }
0x62: {  	_ =	shalt  }
0x63: {  	_ =	shalt  }
0x64: {  	_ =	shalt  }
0x65: {  	_ =	shalt  }
0x66: {  	_ =	shalt  }
0x67: {  	_ =	shalt  }
0x68: {  	_ =	shalt  }
0x69: {  	_ =	shalt  }
0x6a: {  	_ =	shalt  }
0x6b: {  	_ =	shalt  }
0x6c: {  	_ =	shalt  }
0x6d: {  	_ =	shalt  }
0x6e: {  	_ =	shalt  }
0x6f: {  	_ =	shalt  }
0x70: {  	_ =	shalt  }
0x71: {  	_ =	shalt  }
0x72: {  	_ =	shalt  }
0x73: {  	_ =	shalt  }
0x74: {  	_ =	shalt  }
0x75: {  	_ =	shalt  }
0x76: {  	_ =	shalt  }
0x77: {  	_ =	shalt  }
0x78: {  	_ =	shalt  }
0x79: {  	_ =	shalt  }
0x7a: {  	_ =	shalt  }
0x7b: {  	_ =	shalt  }
0x7c: {  	_ =	shalt  }
0x7d: {  	_ =	shalt  }
0x7e: {  	_ =	shalt  }
0x7f: {  	_ =	shalt  }
0x80: {  	_ =	shalt  }
0x81: {  	_ =	shalt  }
0x82: {  	_ =	shalt  }
0x83: {  	_ =	shalt  }
0x84: {  	_ =	shalt  }
0x85: {  	_ =	shalt  }
0x86: {  	_ =	shalt  }
0x87: {  	_ =	shalt  }
.Lfunc_end0:
.L_simem_size_0:
called_computation_lowered:
.L_overlay_start_0:
0x88: {  	s2 =	sld [smem:$0x3FD9]  }
0x89: {  	s3 =	sld [smem:$0x3FFE];
	_ =	sdelay $0x1  }
0x8a: {  	s1 =	srdreg.scid  }
0x8b: {  	s0 =	sand.u32 $0x1, s1  }
0x8c: {  	s16 =	sshll.u32 s0, $0xA;
	s2 =	sadd.s32 s3, s2  }
0x8d: {  	s2 =	sadd.s32 s2, s16  }
0x8e: {  	[smem:$0x3FB1] =	sst s2  }
0x8f: {  	_ = 	snop  }
0x90: {  	(tm) =	ssettm $0x1  }
0x91: {  	s17 =	sld [smem:$0x3FFB];
	_ =	sdelay $0x3  }
0x92: {  	_ =	strace s17  }
0x93: {  	s2 =	sld [smem:$0x3FFC];
	_ =	sdelay $0x3  }
0x94: {  	_ =	strace s2  }
0x95: {  	s2 =	sld [smem:$0x3FFD];
	_ =	sdelay $0x3  }
0x96: {  	_ =	strace s2  }
0x97: {  	_ =	strace $0x8FFFFFFF  }
0x98: {  	s18 =	sld [smem:$0x3FDB];
	_ =	sdelay $0x1  }
0x99: {  	s19 =	simm.s32 $_scs_section_size  }
0x9a: {  	s4 =	simm.s32 $_size__tile_overlayer_lowered;
	s5 =	simm.s32 $_tile_overlayer_lowered  }
0x9b: {  	s22 =	simm.s32 $0x1BFF;
	s21 =	sshll.u32 s5, $0x1;
	s2 =	sadd.s32 s19, s18  }
0x9c: {  	s6 =	simm.s32 $0x0;
	s20 =	sshll.u32 s4, $0x1;
	s4 =	sadd.s32 s21, s2  }
0x9d: {  	[timem:s6], [sflag:s22] =	dma.local [hbm:s4], s20  }
0x9e: {  	_ =	swait.ge [sflag:s22], s20  }
0x9f: {  	s3 =	ssub.s32 $0x0, s20;
	[sflag:s22] =	ssyncset.done $0x0  }
0xa0: {  	[sflag:s22] =	ssyncadd.s32 s3;
	_ =	sdelay $0x1  }
0xa1: {  	s23 =	simm.s32 $0x1B8B  }
0xa2: {  	_ =	swait.ge [sflag:s23], $0x1  }
0xa3: {  	[sflag:s23] =	ssyncset.done $0x0  }
0xa4: {  	s25 =	simm.s32 $0x1B8E;
	s24 =	sld [smem:$0x3FFE];
	[sflag:s23] =	ssyncadd.s32 $0xFFFFFFFF  }
0xa5: {  	s26 =	simm.s32 $execute0_lowered;
	[smem:$0x3FD2] =	sst s25  }
0xa6: {  	s4 =	sshll.u32 s26, $0x1;
	_ =	strace $0x80000046;
	[dreg:$0x1] =	wrdreg $0xFFFFFFFF  }
0xa7: {  	s28 =	simm.s32 $_size_execute0_lowered;
	s2 =	sadd.s32 s2, s4;
	[dreg:$0x0] =	wrdreg $0x0  }
0xa8: {  	s4 =	sshll.u32 s28, $0x1;
	[dreg:$0x2] =	wrdreg s2  }
0xa9: {  	[dreg:$0x3] =	wrdreg s4  }
0xaa: {  	[dreg:$0x4] =	wrdreg $0xC0  }
0xab: {  	_ =	task [dreg:s6], $0x5FFFF  }
0xac: {  	[dreg:$0x1] =	wrdreg $0xFFFFFFFF  }
0xad: {  	[dreg:$0x0] =	wrdreg $0x60  }
0xae: {  	[dreg:$0x2] =	wrdreg s24  }
0xaf: {  	[dreg:$0x3] =	wrdreg $0x9  }
0xb0: {  	_ =	task.clear_ibuf [dreg:s6], $0x4FFFF;
	_ =	strace $0x90000046  }
0xb1: {  	s29 =	simm.s32 $0x9;
	_ =	strace $0x80000048  }
0xb2: {  	_ =	swait.ge [sflag:s29], $0x1  }
0xb3: {  	[sflag:s29] =	ssyncadd.s32 $0xFFFFFFFF  }
0xb4: {  	_ =	strace $0x90000048  }
0xb5: {  	_ =	sfence  }
0xb6: {  	s30 =	sld [smem:$0x0];
	_ =	sdelay $0x2  }
0xb7: {  	s31 =	sshll.u32 s1, $0xD;
	s1 =	sshrl.u32 s1, $0x2  }
0xb8: {  	s3 =	sand.u32 $0x4000, s31;
	s1 =	sadd.s32 s1, s30  }
0xb9: {  	s0 =	sor.u32 s3, s0;
	s1 =	sshll.u32 s1, $0x11  }
0xba: {  	s0 =	sor.u32 s1, s0  }
0xbb: {  	s0 =	sadd.s32 $0x8F2B, s0  }
0xbc: {  	[sflag:s0] =	ssyncadd.remote.s32 $0x1  }
0xbd: {  	_ =	sfence.sel $0xFFFF  }
0xbe: {  	[dreg:$0x0] =	wrdreg $0xFFFFFFFF;
	(pc) =	sbr.abs _section_cstart, $3  }
0xbf: {  	[dreg:$0x1] =	wrdreg $0xFFFFFFFF  }
0xc0: {  	_ =	task.clear_ibuf [dreg:s6], $0x2FFFF;
	_ =	strace $0x9FFFFFFF  }
0xc1: {  	(tm) =	ssettm $0x7FFFFFFF  }
tec
execute0_lowered:
.L_overlay_start_1:
0x0: {  	(tag) =	ssettag $0x1  }
0x1: {  	s1 =	srdreg.scid;
	s0 =	stileid.u32  }
0x2: {  	s4 =	rddreg [dreg:$0x0];
	s3 =	sand.u32 $0x1, s1;
	s30 =	sshll.u32 s0, $0x1  }
0x3: {  	s2 =	simm.s32 $0x0;
	s8 =	simm.s32 $0x0;
	s5 =	sor.u32 s3, s30  }
0x4: {  	s1 =	rddreg [dreg:$0x1];
	s3 =	ssub.s32 $0x2, s3;
	s6 =	smul.u32 $0x500, s5  }
0x5: {  	[smem:$0x7FF] =	sst s2;
	s5 =	smul.u32 $0x4E2, s5;
	s7 =	sshrl.u32 s3, $0x1  }
0x6: {  	_ =	strace $0x80000047;
	s31 =	ssub.s32 s3, s7;
	s7 =	simm.s32 $0x2800  }
0x7: {  	s6 =	sadd.s32 s6, s4;
	s4 =	sadd.s32 s5, s4;
	s5 =	smax.u32 s31, $0x1  }
0x8: {  	v0 =	vimm.f32 $0.0e+00;
	v1 =	vimm.f32 $1.000000000e+00;
	s3 =	sadd.s32 $0x5A00, s6;
	s4 =	sadd.s32 $0xFA00, s4;
	s6 =	simm.s32 $0x1  }
.LBB2_1:
0x9: {  	s9 =	simm.s32 $0x40;
	s10 =	simm.s32 $0x0  }
.LBB2_2:
0xa: {  	p0 =	sne.s32 s9, $0x9C40;
	[tilespmem:s10+$0x2800] =	vst v0;
	s10 =	smov.u32 s9;
	s9 =	sadd.s32 $0x40, s9  }
.Ltmp0:
0xb: {  	(pc) =	sbr.rel @p0 .LBB2_2-.Ltmp0, $2  }
0xc: {  	_ =	sdelay $0x2  }
0xd: {  	s10 =	sshra.s32 s10, $0x2  }
0xe: {  	[tilespmem:s10+$0x2800] =	vst v0;
	s9 =	simm.s32 $0x0  }
0xf: {  	[tilespmem:s9], [sflag:$0x1] =	stream.linear.gather [hbm4b:s3+s9], $0x2800, $0x38;
	[tilespmem:$0x4F20] =	vst v63  }
0x10: {  	_ =	swait.ge [sflag:s6], $0x2800  }
0x11: {  	[sflag:s6] =	ssyncset.done $0x0  }
0x12: {  	s10 =	simm.s32 $0x0;
	s9 =	simm.s32 $0x40;
	[sflag:s6] =	ssyncadd.s32 $0xFFFFD800  }
.LBB2_4:
0x13: {  	p0 =	sne.s32 s9, $0x9FC0;
	v2 =	vld [tilespmem:s10+$0x0];
	_ =	sdelay $0x3  }
.Ltmp1:
0x14: {  	(pc) =	sbr.rel @p0 .LBB2_4-.Ltmp1, $2  }
0x15: {  	_ =	sdelay $0x2  }
0x16: {  	s10 =	sshra.s32 s9, $0x2;
	s9 =	sadd.s32 $0x40, s9;
	[tilespmem:v2+s7+$0x0] =	vst.idx.add.f32.msk $0xffff, v1  }
0x17: {  	v2 =	vld [tilespmem:s10+$0x0];
	_ =	sdelay $0x5  }
0x18: {  	s8 =	sadd.s32 $0x1, s8  }
0x19: {  	p0 =	sne.s32 s8, s5  }
.Ltmp2:
0x1a: {  	[tilespmem:v2+s7+$0x0] =	vst.idx.add.f32.msk $0xffff, v1;
	(pc) =	sbr.rel @p0 .LBB2_1-.Ltmp2, $4  }
0x1b: {  	[hbm4b:s4+s2] =	stream.linear.scatter [tilespmem:s7], [sflag:$0x1], $0x2710, $0x38;
	[tilespmem:$0x4F20] =	vst v63  }
0x1c: {  	_ =	swait.ge [sflag:s6], $0x2710  }
0x1d: {  	[sflag:s6] =	ssyncset.done $0x0  }
0x1e: {  	[sflag:s6] =	ssyncadd.s32 $0xFFFFD8F0  }
0x1f: {  	_ =	sfence.sel $0x180000  }
0x20: {  	[bflag:$0x0] =	sbarrier.arrive $0xFFFF  }
0x21: {  	p0 =	sne.s32 s0, $0x0;
	_ =	strace $0x90000047  }
0x22: {  	s0 =	sadd.s32 @!p0 $0x100000, s1;
	[bflag:$0x2] =	sbarrier.arrive $0xFFFF  }
0x23: {  	[sflag:s0] =	ssyncadd.tile.s32 @!p0 $0x1;
	_ =	shalt  }
.Lfunc_end2:
_tile_overlayer_lowered:
.L_overlay_start_2:
0x24: {  	(tag) =	ssettag $0x2  }
0x25: {  	s0 =	rddreg [dreg:$0x0];
	s2 =	stileid.u32  }
0x26: {  	s1 =	rddreg [dreg:$0x1];
	p0 =	sne.s32 s2, $0x0  }
0x27: {  	s3 =	rddreg [dreg:$0x2];
	[bflag:$0x3] =	sbarrier.arrive $0xFFFF;
	s2 =	simm.s32 @!p0 $0x1C01  }
0x28: {  	[timem:s3], [sflag:s2] =	dma.local @!p0 [hbm:s0], s1  }
0x29: {  	s0 =	simm.s32 @!p0 $0x1  }
0x2a: {  	_ =	swait.ge @!p0 [sflag:s0], s1  }
0x2b: {  	s1 =	ssub.s32 @!p0 $0x0, s1;
	[sflag:s0] =	ssyncset.done @!p0 $0x0  }
0x2c: {  	[sflag:s0] =	ssyncadd.s32 @!p0 s1  }
0x2d: {  	[bflag:$0x3] =	sbarrier.arrive $0xFFFF  }
0x2e: {  	_ =	shalt  }

// kernel: kernel.14.cloned.1.call-start
scs
__scs_entry_jumppad:
0x0: {  	(pc) =	sbr.rel $0x88, $3  }
0x1: {  	(tag) =	ssettag $0x0;
	lr =	simm.s32 $0x1  }
0x2: {  	[smem:$0x3F8A] =	sst lr;
	_ =	strace $0xD0000000  }
0x3: {  	_ = 	snop  }
0x4: {  	_ = 	snop  }
0x5: {  	_ = 	snop  }
0x6: {  	_ = 	snop  }
0x7: {  	_ = 	snop  }
__scs_overlays_trampoline_lowered:
0x8: {  	[smem:$0x3F99] =	sst s0  }
0x9: {  	[smem:$0x3F9A] =	sst s1  }
0xa: {  	[smem:$0x3F9B] =	sst s2  }
0xb: {  	[smem:$0x3F9C] =	sst s3  }
0xc: {  	[smem:$0x3F9D] =	sst s4  }
0xd: {  	[smem:$0x3F9E] =	sst s5  }
0xe: {  	[smem:$0x3F9F] =	sst s6  }
0xf: {  	[smem:$0x3FA0] =	sst s7  }
0x10: {  	[smem:$0x3FA1] =	sst s8  }
0x11: {  	[smem:$0x3FA2] =	sst s9;
	s0 =	simm.s32 @!p0 $0x0  }
0x12: {  	s1 =	sld [smem:$0x3F88];
	s0 =	simm.s32 @p0 $0x1  }
0x13: {  	[smem:$0x3FA3] =	sst s0;
	s0 =	simm.s32 @!p1 $0x0  }
0x14: {  	s2 =	sld [smem:$0x3F87];
	s0 =	simm.s32 @p1 $0x1  }
0x15: {  	[smem:$0x3FA4] =	sst s0;
	s0 =	simm.s32 @!p2 $0x0  }
0x16: {  	s3 =	sld [smem:$0x3FDB];
	s0 =	simm.s32 @p2 $0x1  }
0x17: {  	s4 =	simm.s32 $0x1BF5;
	[smem:$0x3FA6] =	sst s0  }
0x18: {  	s0 =	sld [smem:$0x3F89];
	_ =	swait.ge [sflag:s4], $0x0  }
0x19: {  	s7 =	sld [smem:$0x3F8A]  }
0x1a: {  	s8 =	sadd.s32 $0xFFFFE003, lr  }
0x1b: {  	s9 =	sadd.s32 $0xFFFFFEF7, lr;
	s5 =	simm.s32 $0xFFFFFFFF;
	p2 =	slt.u32 s8, $0xFFFFF086  }
0x1c: {  	p1 =	slt.u32 s9, $0xF7A;
	s5 =	simm.s32 @!p2 $0x0  }
0x1d: {  	s5 =	simm.s32 @p1 $0x1;
	p0 =	seq.s32 s7, s2  }
0x1e: {  	s7 =	smul.u32 @!p0 $0xF7A, s2;
	p2 =	seq.s32 @!p0 s5, $0x0  }
0x1f: {  	s9 =	smul.u32 $0xF7A, s1;
	s8 =	simm.s32 @!p0 $0x1BF5;
	p2 =	por !p2, p0  }
0x20: {  	[sflag:s8] =	ssyncset.s32 @!p0 $0xFFFFF086;
	s6 =	sadd.s32 @!p0 s3, s7;
	s7 =	simm.s32 @!p0 $0x108  }
0x21: {  	s3 =	sadd.s32 s3, s9;
	s6 =	sadd.s32 @!p0 $0x88, s6;
	s7 =	simm.s32 @p2 $0x1082  }
0x22: {  	[simem:s7], [sflag:s8] =	dma.local @!p0 [hbm:s6], $0xF7A  }
0x23: {  	s9 =	sor.u32 $0xD0000000, s2;
	s6 =	simm.s32 $0x108;
	_ =	swait.ge @!p0 [sflag:s8], $0x0  }
0x24: {  	s3 =	sadd.s32 $0x88, s3;
	s6 =	simm.s32 @!p1 $0x1082;
	[sflag:s4] =	ssyncset.s32 $0xFFFFF086  }
0x25: {  	[simem:s6], [sflag:s4] =	dma.local [hbm:s3], $0xF7A  }
0x26: {  	[smem:$0x3F8A] =	sst s1;
	(tag) =	ssettag s2;
	_ =	strace s9  }
0x27: {  	s1 =	sld [smem:$0x3F9A]  }
0x28: {  	s2 =	sld [smem:$0x3F9B]  }
0x29: {  	s4 =	sld [smem:$0x3F9D]  }
0x2a: {  	p0 =	seq.s32 s5, $0x0;
	s5 =	sld [smem:$0x3F9E]  }
0x2b: {  	s6 =	sld [smem:$0x3F9F]  }
0x2c: {  	s7 =	sld [smem:$0x3FA0]  }
0x2d: {  	s3 =	simm.s32 $0x108;
	s8 =	sld [smem:$0x3FA1]  }
0x2e: {  	s3 =	simm.s32 @!p0 $0x1082;
	s9 =	sld [smem:$0x3FA2]  }
0x2f: {  	lr =	sadd.s32 s0, s3;
	s0 =	sld [smem:$0x3F99]  }
0x30: {  	s3 =	sld [smem:$0x3F9C]  }
0x31: {  	[smem:$0x3FA5] =	sst s10  }
0x32: {  	s10 =	sld [smem:$0x3FA3];
	_ =	sdelay $0x3  }
0x33: {  	p0 =	seq.s32 s10, $0x1;
	s10 =	sld [smem:$0x3FA5];
	_ =	sdelay $0x3  }
0x34: {  	[smem:$0x3FA5] =	sst s10  }
0x35: {  	s10 =	sld [smem:$0x3FA4];
	_ =	sdelay $0x3  }
0x36: {  	p1 =	seq.s32 s10, $0x1;
	s10 =	sld [smem:$0x3FA5];
	_ =	sdelay $0x3  }
0x37: {  	[smem:$0x3FA5] =	sst s10  }
0x38: {  	s10 =	sld [smem:$0x3FA6]  }
0x39: {  	_ = 	snop;
	(pc) =	sbr.ind lr, $3  }
0x3a: {  	_ = 	snop  }
0x3b: {  	_ = 	snop  }
0x3c: {  	p2 =	seq.s32 s10, $0x1;
	s10 =	sld [smem:$0x3FA5]  }
0x3d: {  	_ =	shalt  }
0x3e: {  	_ =	shalt  }
0x3f: {  	_ =	shalt  }
0x40: {  	_ =	shalt  }
0x41: {  	_ =	shalt  }
0x42: {  	_ =	shalt  }
0x43: {  	_ =	shalt  }
0x44: {  	_ =	shalt  }
0x45: {  	_ =	shalt  }
0x46: {  	_ =	shalt  }
0x47: {  	_ =	shalt  }
0x48: {  	_ =	shalt  }
0x49: {  	_ =	shalt  }
0x4a: {  	_ =	shalt  }
0x4b: {  	_ =	shalt  }
0x4c: {  	_ =	shalt  }
0x4d: {  	_ =	shalt  }
0x4e: {  	_ =	shalt  }
0x4f: {  	_ =	shalt  }
0x50: {  	_ =	shalt  }
0x51: {  	_ =	shalt  }
0x52: {  	_ =	shalt  }
0x53: {  	_ =	shalt  }
0x54: {  	_ =	shalt  }
0x55: {  	_ =	shalt  }
0x56: {  	_ =	shalt  }
0x57: {  	_ =	shalt  }
0x58: {  	_ =	shalt  }
0x59: {  	_ =	shalt  }
0x5a: {  	_ =	shalt  }
0x5b: {  	_ =	shalt  }
0x5c: {  	_ =	shalt  }
0x5d: {  	_ =	shalt  }
0x5e: {  	_ =	shalt  }
0x5f: {  	_ =	shalt  }
0x60: {  	_ =	shalt  }
0x61: {  	_ =	shalt  }
0x62: {  	_ =	shalt  }
0x63: {  	_ =	shalt  }
0x64: {  	_ =	shalt  }
0x65: {  	_ =	shalt  }
0x66: {  	_ =	shalt  }
0x67: {  	_ =	shalt  }
0x68: {  	_ =	shalt  }
0x69: {  	_ =	shalt  }
0x6a: {  	_ =	shalt  }
0x6b: {  	_ =	shalt  }
0x6c: {  	_ =	shalt  }
0x6d: {  	_ =	shalt  }
0x6e: {  	_ =	shalt  }
0x6f: {  	_ =	shalt  }
0x70: {  	_ =	shalt  }
0x71: {  	_ =	shalt  }
0x72: {  	_ =	shalt  }
0x73: {  	_ =	shalt  }
0x74: {  	_ =	shalt  }
0x75: {  	_ =	shalt  }
0x76: {  	_ =	shalt  }
0x77: {  	_ =	shalt  }
0x78: {  	_ =	shalt  }
0x79: {  	_ =	shalt  }
0x7a: {  	_ =	shalt  }
0x7b: {  	_ =	shalt  }
0x7c: {  	_ =	shalt  }
0x7d: {  	_ =	shalt  }
0x7e: {  	_ =	shalt  }
0x7f: {  	_ =	shalt  }
0x80: {  	_ =	shalt  }
0x81: {  	_ =	shalt  }
0x82: {  	_ =	shalt  }
0x83: {  	_ =	shalt  }
0x84: {  	_ =	shalt  }
0x85: {  	_ =	shalt  }
0x86: {  	_ =	shalt  }
0x87: {  	_ =	shalt  }
.Lfunc_end0:
.L_simem_size_0:
called_computation.1_lowered:
.L_overlay_start_0:
0x88: {  	s2 =	sld [smem:$0x3FD9]  }
0x89: {  	s3 =	sld [smem:$0x3FFE];
	_ =	sdelay $0x1  }
0x8a: {  	s1 =	srdreg.scid  }
0x8b: {  	s0 =	sand.u32 $0x1, s1  }
0x8c: {  	s16 =	sshll.u32 s0, $0xA;
	s2 =	sadd.s32 s3, s2  }
0x8d: {  	s2 =	sadd.s32 s2, s16  }
0x8e: {  	[smem:$0x3FB1] =	sst s2  }
0x8f: {  	_ = 	snop  }
0x90: {  	(tm) =	ssettm $0x1  }
0x91: {  	s17 =	sld [smem:$0x3FFB];
	_ =	sdelay $0x3  }
0x92: {  	_ =	strace s17  }
0x93: {  	s2 =	sld [smem:$0x3FFC];
	_ =	sdelay $0x3  }
0x94: {  	_ =	strace s2  }
0x95: {  	s2 =	sld [smem:$0x3FFD];
	_ =	sdelay $0x3  }
0x96: {  	_ =	strace s2  }
0x97: {  	_ =	strace $0x8FFFFFFF  }
0x98: {  	s18 =	sld [smem:$0x3FDB];
	_ =	sdelay $0x1  }
0x99: {  	s19 =	simm.s32 $_scs_section_size  }
0x9a: {  	s4 =	simm.s32 $_size__tile_overlayer_lowered;
	s5 =	simm.s32 $_tile_overlayer_lowered  }
0x9b: {  	s22 =	simm.s32 $0x1BFF;
	s21 =	sshll.u32 s5, $0x1;
	s2 =	sadd.s32 s19, s18  }
0x9c: {  	s6 =	simm.s32 $0x0;
	s20 =	sshll.u32 s4, $0x1;
	s4 =	sadd.s32 s21, s2  }
0x9d: {  	[timem:s6], [sflag:s22] =	dma.local [hbm:s4], s20  }
0x9e: {  	_ =	swait.ge [sflag:s22], s20  }
0x9f: {  	s3 =	ssub.s32 $0x0, s20;
	[sflag:s22] =	ssyncset.done $0x0  }
0xa0: {  	[sflag:s22] =	ssyncadd.s32 s3;
	_ =	sdelay $0x1  }
0xa1: {  	s23 =	simm.s32 $0x1B8B  }
0xa2: {  	_ =	swait.ge [sflag:s23], $0x1  }
0xa3: {  	[sflag:s23] =	ssyncset.done $0x0  }
0xa4: {  	s25 =	simm.s32 $0x1B8E;
	s24 =	sld [smem:$0x3FFE];
	[sflag:s23] =	ssyncadd.s32 $0xFFFFFFFF  }
0xa5: {  	s26 =	simm.s32 $execute0_lowered;
	[smem:$0x3FD2] =	sst s25  }
0xa6: {  	s4 =	sshll.u32 s26, $0x1;
	_ =	strace $0x80000049;
	[dreg:$0x1] =	wrdreg $0xFFFFFFFF  }
0xa7: {  	s28 =	simm.s32 $_size_execute0_lowered;
	s2 =	sadd.s32 s2, s4;
	[dreg:$0x0] =	wrdreg $0x0  }
0xa8: {  	s4 =	sshll.u32 s28, $0x1;
	[dreg:$0x2] =	wrdreg s2  }
0xa9: {  	[dreg:$0x3] =	wrdreg s4  }
0xaa: {  	[dreg:$0x4] =	wrdreg $0xC0  }
0xab: {  	_ =	task [dreg:s6], $0x5FFFF  }
0xac: {  	[dreg:$0x1] =	wrdreg $0xFFFFFFFF  }
0xad: {  	[dreg:$0x0] =	wrdreg $0x60  }
0xae: {  	[dreg:$0x2] =	wrdreg s24  }
0xaf: {  	[dreg:$0x3] =	wrdreg $0x82000  }
0xb0: {  	[dreg:$0x4] =	wrdreg $0x9  }
0xb1: {  	_ =	task.clear_ibuf [dreg:s6], $0x5FFFF;
	_ =	strace $0x90000049  }
0xb2: {  	s29 =	simm.s32 $0x9;
	_ =	strace $0x8000004B  }
0xb3: {  	_ =	swait.ge [sflag:s29], $0x1  }
0xb4: {  	[sflag:s29] =	ssyncadd.s32 $0xFFFFFFFF  }
0xb5: {  	_ =	strace $0x9000004B  }
0xb6: {  	_ =	sfence  }
0xb7: {  	s30 =	sld [smem:$0x0];
	_ =	sdelay $0x2  }
0xb8: {  	s31 =	sshll.u32 s1, $0xD;
	s1 =	sshrl.u32 s1, $0x2  }
0xb9: {  	s3 =	sand.u32 $0x4000, s31;
	s1 =	sadd.s32 s1, s30  }
0xba: {  	s0 =	sor.u32 s3, s0;
	s1 =	sshll.u32 s1, $0x11  }
0xbb: {  	s0 =	sor.u32 s1, s0  }
0xbc: {  	s0 =	sadd.s32 $0x8F2B, s0  }
0xbd: {  	[sflag:s0] =	ssyncadd.remote.s32 $0x1  }
0xbe: {  	_ =	sfence.sel $0xFFFF  }
0xbf: {  	[dreg:$0x0] =	wrdreg $0xFFFFFFFF;
	(pc) =	sbr.abs _section_cstart, $3  }
0xc0: {  	[dreg:$0x1] =	wrdreg $0xFFFFFFFF  }
0xc1: {  	_ =	task.clear_ibuf [dreg:s6], $0x2FFFF;
	_ =	strace $0x9FFFFFFF  }
0xc2: {  	(tm) =	ssettm $0x7FFFFFFF  }
0xc3: {  	_ =	shalt  }
tec
execute0_lowered:
.L_overlay_start_1:
0x0: {  	(tag) =	ssettag $0x1  }
0x1: {  	s0 =	rddreg [dreg:$0x0]  }
0x2: {  	s1 =	rddreg [dreg:$0x1]  }
0x3: {  	s3 =	simm.s32 $0x0;
	s2 =	srdreg.scid;
	s24 =	stileid.u32  }
0x4: {  	s19 =	simm.s32 $0x200;
	s20 =	simm.s32 $0x100;
	s21 =	simm.s32 $0x180  }
0x5: {  	s22 =	simm.s32 $0x4200;
	s23 =	simm.s32 $0x1;
	s28 =	simm.s32 $0x4  }
0x6: {  	s29 =	simm.s32 $0x0;
	[smem:$0x7FF] =	sst s3;
	s9 =	smul.u32 $0x13880, s24  }
0x7: {  	s6 =	sand.u32 $0x1, s2;
	s4 =	sadd.s32 $0x23800, s0;
	s10 =	smul.u32 $0xC00, s24  }
0x8: {  	s14 =	sadd.s32 $0x19800, s0;
	s15 =	sadd.s32 $0x5A00, s0;
	s12 =	smul.u32 $0x4400, s24  }
0x9: {  	s5 =	sadd.s32 $0xFA00, s0;
	s25 =	smul.u32 $0x4E400, s24;
	s30 =	sshll.u32 s24, $0x6  }
0xa: {  	s24 =	simm.s32 $0x2;
	s7 =	smul.u32 $0x138800, s6;
	_ =	strace $0x8000004A  }
0xb: {  	s8 =	ssub.s32 $0x2, s6;
	p0 =	seq.s32 s6, $0x0;
	s6 =	simm.s32 $0x43  }
0xc: {  	s11 =	sshrl.u32 s8, $0x1;
	s10 =	sadd.s32 $0x44000, s10;
	s26 =	sshrl.u32 s25, $0x2  }
0xd: {  	s6 =	simm.s32 @!p0 $0xB;
	s31 =	sadd.s32 s9, s1;
	s7 =	sadd.s32 s9, s7  }
0xe: {  	s11 =	ssub.s32 s8, s11;
	s10 =	smov.u32 @p0 s12;
	s16 =	sadd.s32 s26, s1  }
0xf: {  	s25 =	sshrl.u32 s31, $0x3;
	s26 =	simm.s32 $0x3;
	s7 =	sshrl.u32 s7, $0x3  }
0x10: {  	s13 =	sshrl.u32 s10, $0x3;
	s9 =	smax.u32 s11, $0x1;
	s16 =	sshrl.u32 s16, $0x3  }
0x11: {  	s0 =	sadd.s32 s7, s0;
	s7 =	sor.u32 $0x1C05, s30;
	s10 =	sadd.s32 s14, s13  }
0x12: {  	s17 =	sor.u32 $0x10, s13;
	s11 =	sadd.s32 s15, s13;
	s18 =	sor.u32 $0x20, s13  }
0x13: {  	s8 =	sadd.s32 $0x4AA00, s0;
	s12 =	sadd.s32 s14, s17;
	s13 =	sadd.s32 s15, s17  }
0x14: {  	s14 =	sadd.s32 s18, s14;
	s15 =	sadd.s32 s18, s15;
	s17 =	simm.s32 $0x5  }
0x15: {  	s18 =	simm.s32 $0x80;
	s14 =	sadd.s32 $0x10, s14;
	s15 =	sadd.s32 $0x10, s15  }
.LBB2_1:
0x16: {  	[spmem:s16], [sflag:s7] =	dma.local [hbm:s5], $0x2720  }
0x17: {  	_ =	swait.ge [sflag:s17], $0x2720  }
0x18: {  	[sflag:s17] =	ssyncset.done $0x0  }
0x19: {  	[sflag:s17] =	ssyncadd.s32 $0xFFFFD8E0  }
0x1a: {  	[bflag:$0x0] =	sbarrier.arrive $0xFFFF  }
0x1b: {  	[tilespmem:s3], [sflag:$0x5] =	stream.linear.gather [hbm4b:s10+s3], $0x80, $0x38;
	[tilespmem:$0x1BB00] =	vst v63  }
0x1c: {  	_ =	swait.ge [sflag:s17], $0x80  }
0x1d: {  	[sflag:s17] =	ssyncset.done $0x0  }
0x1e: {  	[sflag:s17] =	ssyncadd.s32 $0xFFFFFF80  }
0x1f: {  	[tilespmem:s18], [sflag:$0x5] =	stream.linear.gather [hbm4b:s11+s3], $0x80, $0x38;
	[tilespmem:$0x1BB00] =	vst v63  }
0x20: {  	_ =	swait.ge [sflag:s17], $0x80  }
0x21: {  	[sflag:s17] =	ssyncset.done $0x0  }
0x22: {  	[sflag:s17] =	ssyncadd.s32 $0xFFFFFF80  }
0x23: {  	[tilespmem:s19], [sflag:$0x1] =	stream.indirect.gather [hbm4b:s4+s18], $0x80, s3, s18, $0xb8;
	[tilespmem:$0x1BB00] =	vst v63  }
0x24: {  	_ = 	snop  }
0x25: {  	[tilespmem:s20], [sflag:$0x5] =	stream.linear.gather [hbm4b:s12+s3], $0x80, $0x38;
	[tilespmem:$0x1BB00] =	vst v63  }
0x26: {  	_ =	swait.ge [sflag:s17], $0x80  }
0x27: {  	[sflag:s17] =	ssyncset.done $0x0  }
0x28: {  	[sflag:s17] =	ssyncadd.s32 $0xFFFFFF80  }
0x29: {  	[tilespmem:s21], [sflag:$0x5] =	stream.linear.gather [hbm4b:s13+s3], $0x80, $0x38;
	[tilespmem:$0x1BB00] =	vst v63  }
0x2a: {  	_ =	swait.ge [sflag:s17], $0x80  }
0x2b: {  	[sflag:s17] =	ssyncset.done $0x0  }
0x2c: {  	[sflag:s17] =	ssyncadd.s32 $0xFFFFFF80  }
0x2d: {  	[tilespmem:s22], [sflag:$0x2] =	stream.indirect.gather [hbm4b:s4+s18], $0x80, s20, s18, $0xb8;
	[tilespmem:$0x1BB00] =	vst v63  }
0x2e: {  	_ =	swait.ge [sflag:s23], $0x4000  }
0x2f: {  	[sflag:s23] =	ssyncset.done $0x0  }
0x30: {  	[sflag:s23] =	ssyncadd.s32 $0xFFFFC000  }
0x31: {  	[spmem:s1] =	stream.indirect.scatter.add.f32 [tilespmem:s19], [sflag:$0x3], $0x80, s18, s18, $0xb8;
	[tilespmem:$0x1BB00] =	vst v63  }
0x32: {  	_ =	swait.ge [sflag:s24], $0x4000  }
0x33: {  	[sflag:s24] =	ssyncset.done $0x0  }
0x34: {  	[sflag:s24] =	ssyncadd.s32 $0xFFFFC000  }
0x35: {  	[spmem:s1] =	stream.indirect.scatter.add.f32 [tilespmem:s22], [sflag:$0x4], $0x80, s21, s18, $0xb8;
	[tilespmem:$0x1BB00] =	vst v63  }
0x36: {  	_ =	swait.ge [sflag:s26], $0x4000  }
0x37: {  	[sflag:s26] =	ssyncset.done $0x0  }
0x38: {  	s0 =	sadd.s32 $0xFFFFFFF0, s14;
	[sflag:s26] =	ssyncadd.s32 $0xFFFFC000  }
0x39: {  	[tilespmem:s3], [sflag:$0x5] =	stream.linear.gather [hbm4b:s0+s3], $0x80, $0x38;
	[tilespmem:$0x1BB00] =	vst v63  }
0x3a: {  	_ =	swait.ge [sflag:s17], $0x80  }
0x3b: {  	[sflag:s17] =	ssyncset.done $0x0  }
0x3c: {  	s2 =	sadd.s32 $0xFFFFFFF0, s15;
	[sflag:s17] =	ssyncadd.s32 $0xFFFFFF80  }
0x3d: {  	[tilespmem:s18], [sflag:$0x5] =	stream.linear.gather [hbm4b:s2+s3], $0x80, $0x38;
	[tilespmem:$0x1BB00] =	vst v63  }
0x3e: {  	_ =	swait.ge [sflag:s17], $0x80  }
0x3f: {  	[sflag:s17] =	ssyncset.done $0x0  }
0x40: {  	[sflag:s17] =	ssyncadd.s32 $0xFFFFFF80  }
0x41: {  	[tilespmem:s19], [sflag:$0x1] =	stream.indirect.gather [hbm4b:s4+s18], $0x80, s3, s18, $0xb8;
	[tilespmem:$0x1BB00] =	vst v63  }
0x42: {  	_ =	swait.ge [sflag:s28], $0x4000  }
0x43: {  	[sflag:s28] =	ssyncset.done $0x0  }
0x44: {  	[sflag:s28] =	ssyncadd.s32 $0xFFFFC000  }
0x45: {  	[tilespmem:s20], [sflag:$0x5] =	stream.linear.gather [hbm4b:s14+s3], $0x80, $0x38;
	[tilespmem:$0x1BB00] =	vst v63  }
0x46: {  	_ =	swait.ge [sflag:s17], $0x80  }
0x47: {  	[sflag:s17] =	ssyncset.done $0x0  }
0x48: {  	[sflag:s17] =	ssyncadd.s32 $0xFFFFFF80  }
0x49: {  	[tilespmem:s21], [sflag:$0x5] =	stream.linear.gather [hbm4b:s15+s3], $0x80, $0x38;
	[tilespmem:$0x1BB00] =	vst v63  }
0x4a: {  	_ =	swait.ge [sflag:s17], $0x80  }
0x4b: {  	[sflag:s17] =	ssyncset.done $0x0  }
0x4c: {  	[sflag:s17] =	ssyncadd.s32 $0xFFFFFF80  }
0x4d: {  	[tilespmem:s22], [sflag:$0x2] =	stream.indirect.gather [hbm4b:s4+s18], $0x80, s20, s18, $0xb8;
	[tilespmem:$0x1BB00] =	vst v63  }
0x4e: {  	_ =	swait.ge [sflag:s23], $0x4000  }
0x4f: {  	p0 =	sne.s32 s6, $0x1;
	[sflag:s23] =	ssyncset.done $0x0  }
.Ltmp0:
0x50: {  	[sflag:s23] =	ssyncadd.s32 $0xFFFFC000;
	(pc) =	sbr.rel @!p0 .LBB2_3-.Ltmp0, $4  }
0x51: {  	[spmem:s1] =	stream.indirect.scatter.add.f32 [tilespmem:s19], [sflag:$0x3], $0x80, s18, s18, $0xb8;
	[tilespmem:$0x1BB00] =	vst v63  }
0x52: {  	_ =	swait.ge [sflag:s24], $0x4000  }
0x53: {  	s30 =	sadd.s32 $0xFFFFFFFF, s6;
	[sflag:s24] =	ssyncset.done $0x0  }
0x54: {  	s31 =	sadd.s32 $0x20, s14;
	s0 =	sadd.s32 $0x20, s15;
	[sflag:s24] =	ssyncadd.s32 $0xFFFFC000  }
.LBB2_2:
0x55: {  	[spmem:s1] =	stream.indirect.scatter.add.f32 [tilespmem:s22], [sflag:$0x4], $0x80, s21, s18, $0xb8;
	[tilespmem:$0x1BB00] =	vst v63  }
0x56: {  	p0 =	sne.s32 s30, $0x1;
	s30 =	sadd.s32 $0xFFFFFFFF, s30;
	_ =	swait.ge [sflag:s26], $0x4000  }
0x57: {  	[sflag:s26] =	ssyncset.done $0x0  }
0x58: {  	s2 =	sadd.s32 $0xFFFFFFF0, s31;
	[sflag:s26] =	ssyncadd.s32 $0xFFFFC000  }
0x59: {  	[tilespmem:s3], [sflag:$0x5] =	stream.linear.gather [hbm4b:s2+s3], $0x80, $0x38;
	[tilespmem:$0x1BB00] =	vst v63  }
0x5a: {  	_ =	swait.ge [sflag:s17], $0x80  }
0x5b: {  	[sflag:s17] =	ssyncset.done $0x0  }
0x5c: {  	s2 =	sadd.s32 $0xFFFFFFF0, s0;
	[sflag:s17] =	ssyncadd.s32 $0xFFFFFF80  }
0x5d: {  	[tilespmem:s18], [sflag:$0x5] =	stream.linear.gather [hbm4b:s2+s3], $0x80, $0x38;
	[tilespmem:$0x1BB00] =	vst v63  }
0x5e: {  	_ =	swait.ge [sflag:s17], $0x80  }
0x5f: {  	[sflag:s17] =	ssyncset.done $0x0  }
0x60: {  	[sflag:s17] =	ssyncadd.s32 $0xFFFFFF80  }
0x61: {  	[tilespmem:s19], [sflag:$0x1] =	stream.indirect.gather [hbm4b:s4+s18], $0x80, s3, s18, $0xb8;
	[tilespmem:$0x1BB00] =	vst v63  }
0x62: {  	_ =	swait.ge [sflag:s28], $0x4000  }
0x63: {  	[sflag:s28] =	ssyncset.done $0x0  }
0x64: {  	[sflag:s28] =	ssyncadd.s32 $0xFFFFC000  }
0x65: {  	[tilespmem:s20], [sflag:$0x5] =	stream.linear.gather [hbm4b:s31+s3], $0x80, $0x38;
	[tilespmem:$0x1BB00] =	vst v63  }
0x66: {  	_ =	swait.ge [sflag:s17], $0x80  }
0x67: {  	[sflag:s17] =	ssyncset.done $0x0  }
0x68: {  	[sflag:s17] =	ssyncadd.s32 $0xFFFFFF80  }
0x69: {  	[tilespmem:s21], [sflag:$0x5] =	stream.linear.gather [hbm4b:s0+s3], $0x80, $0x38;
	[tilespmem:$0x1BB00] =	vst v63  }
0x6a: {  	_ =	swait.ge [sflag:s17], $0x80  }
0x6b: {  	[sflag:s17] =	ssyncset.done $0x0  }
0x6c: {  	[sflag:s17] =	ssyncadd.s32 $0xFFFFFF80  }
0x6d: {  	[tilespmem:s22], [sflag:$0x2] =	stream.indirect.gather [hbm4b:s4+s18], $0x80, s20, s18, $0xb8;
	[tilespmem:$0x1BB00] =	vst v63  }
0x6e: {  	_ =	swait.ge [sflag:s23], $0x4000  }
0x6f: {  	[sflag:s23] =	ssyncset.done $0x0  }
.Ltmp1:
0x70: {  	[sflag:s23] =	ssyncadd.s32 $0xFFFFC000;
	(pc) =	sbr.rel @p0 .LBB2_2-.Ltmp1, $4  }
0x71: {  	[spmem:s1] =	stream.indirect.scatter.add.f32 [tilespmem:s19], [sflag:$0x3], $0x80, s18, s18, $0xb8;
	[tilespmem:$0x1BB00] =	vst v63  }
0x72: {  	_ =	swait.ge [sflag:s24], $0x4000  }
0x73: {  	[sflag:s24] =	ssyncset.done $0x0  }
0x74: {  	s31 =	sadd.s32 $0x20, s31;
	s0 =	sadd.s32 $0x20, s0;
	[sflag:s24] =	ssyncadd.s32 $0xFFFFC000  }
.LBB2_3:
0x75: {  	[spmem:s1] =	stream.indirect.scatter.add.f32 [tilespmem:s22], [sflag:$0x4], $0x80, s21, s18, $0xb8;
	[tilespmem:$0x1BB00] =	vst v63  }
0x76: {  	_ =	swait.ge [sflag:s26], $0x4000  }
0x77: {  	[sflag:s26] =	ssyncset.done $0x0  }
0x78: {  	[sflag:s26] =	ssyncadd.s32 $0xFFFFC000  }
0x79: {  	_ =	swait.ge [sflag:s28], $0x4000  }
0x7a: {  	s29 =	sadd.s32 $0x1, s29;
	[sflag:s28] =	ssyncset.done $0x0  }
0x7b: {  	p0 =	sne.s32 s29, s9;
	[sflag:s28] =	ssyncadd.s32 $0xFFFFC000  }
.Ltmp2:
0x7c: {  	[bflag:$0x0] =	sbarrier.arrive $0xFFFF;
	(pc) =	sbr.rel @p0 .LBB2_1-.Ltmp2, $4  }
0x7d: {  	[hbm:s8], [sflag:s7] =	dma.local [spmem:s25], $0x2710  }
0x7e: {  	_ =	swait.ge [sflag:s17], $0x2710  }
0x7f: {  	[sflag:s17] =	ssyncset.done $0x0  }
0x80: {  	[sflag:s17] =	ssyncadd.s32 $0xFFFFD8F0  }
0x81: {  	_ =	sfence.sel $0x180000  }
0x82: {  	[bflag:$0x0] =	sbarrier.arrive $0xFFFF  }
0x83: {  	_ =	strace $0x9000004A  }
0x84: {  	s0 =	stileid.u32;
	[bflag:$0x2] =	sbarrier.arrive $0xFFFF  }
0x85: {  	p0 =	sne.s32 s0, $0x0;
	s0 =	rddreg [dreg:$0x2]  }
0x86: {  	s0 =	sadd.s32 @!p0 $0x100000, s0  }
0x87: {  	[sflag:s0] =	ssyncadd.tile.s32 @!p0 $0x1;
	_ =	shalt  }
.Lfunc_end2:
_tile_overlayer_lowered:
.L_overlay_start_2:
0x88: {  	(tag) =	ssettag $0x2  }
0x89: {  	s0 =	rddreg [dreg:$0x0];
	s2 =	stileid.u32  }
0x8a: {  	s1 =	rddreg [dreg:$0x1];
	p0 =	sne.s32 s2, $0x0  }
0x8b: {  	s3 =	rddreg [dreg:$0x2];
	[bflag:$0x3] =	sbarrier.arrive $0xFFFF;
	s2 =	simm.s32 @!p0 $0x1C05  }
0x8c: {  	[timem:s3], [sflag:s2] =	dma.local @!p0 [hbm:s0], s1  }
0x8d: {  	s0 =	simm.s32 @!p0 $0x5  }
0x8e: {  	_ =	swait.ge @!p0 [sflag:s0], s1  }
0x8f: {  	s1 =	ssub.s32 @!p0 $0x0, s1;
	[sflag:s0] =	ssyncset.done @!p0 $0x0  }
0x90: {  	[sflag:s0] =	ssyncadd.s32 @!p0 s1  }
0x91: {  	[bflag:$0x3] =	sbarrier.arrive $0xFFFF  }
0x92: {  	_ =	shalt  }

// kernel: kernel.17.cloned.1.call-start
scs
__scs_entry_jumppad:
0x0: {  	(pc) =	sbr.rel $0x88, $3  }
0x1: {  	(tag) =	ssettag $0x0;
	lr =	simm.s32 $0x1  }
0x2: {  	[smem:$0x3F8A] =	sst lr;
	_ =	strace $0xD0000000  }
0x3: {  	_ = 	snop  }
0x4: {  	_ = 	snop  }
0x5: {  	_ = 	snop  }
0x6: {  	_ = 	snop  }
0x7: {  	_ = 	snop  }
__scs_overlays_trampoline_lowered:
0x8: {  	[smem:$0x3F99] =	sst s0  }
0x9: {  	[smem:$0x3F9A] =	sst s1  }
0xa: {  	[smem:$0x3F9B] =	sst s2  }
0xb: {  	[smem:$0x3F9C] =	sst s3  }
0xc: {  	[smem:$0x3F9D] =	sst s4  }
0xd: {  	[smem:$0x3F9E] =	sst s5  }
0xe: {  	[smem:$0x3F9F] =	sst s6  }
0xf: {  	[smem:$0x3FA0] =	sst s7  }
0x10: {  	[smem:$0x3FA1] =	sst s8  }
0x11: {  	[smem:$0x3FA2] =	sst s9;
	s0 =	simm.s32 @!p0 $0x0  }
0x12: {  	s1 =	sld [smem:$0x3F88];
	s0 =	simm.s32 @p0 $0x1  }
0x13: {  	[smem:$0x3FA3] =	sst s0;
	s0 =	simm.s32 @!p1 $0x0  }
0x14: {  	s2 =	sld [smem:$0x3F87];
	s0 =	simm.s32 @p1 $0x1  }
0x15: {  	[smem:$0x3FA4] =	sst s0;
	s0 =	simm.s32 @!p2 $0x0  }
0x16: {  	s3 =	sld [smem:$0x3FDB];
	s0 =	simm.s32 @p2 $0x1  }
0x17: {  	s4 =	simm.s32 $0x1BF5;
	[smem:$0x3FA6] =	sst s0  }
0x18: {  	s0 =	sld [smem:$0x3F89];
	_ =	swait.ge [sflag:s4], $0x0  }
0x19: {  	s7 =	sld [smem:$0x3F8A]  }
0x1a: {  	s8 =	sadd.s32 $0xFFFFE003, lr  }
0x1b: {  	s9 =	sadd.s32 $0xFFFFFEF7, lr;
	s5 =	simm.s32 $0xFFFFFFFF;
	p2 =	slt.u32 s8, $0xFFFFF086  }
0x1c: {  	p1 =	slt.u32 s9, $0xF7A;
	s5 =	simm.s32 @!p2 $0x0  }
0x1d: {  	s5 =	simm.s32 @p1 $0x1;
	p0 =	seq.s32 s7, s2  }
0x1e: {  	s7 =	smul.u32 @!p0 $0xF7A, s2;
	p2 =	seq.s32 @!p0 s5, $0x0  }
0x1f: {  	s9 =	smul.u32 $0xF7A, s1;
	s8 =	simm.s32 @!p0 $0x1BF5;
	p2 =	por !p2, p0  }
0x20: {  	[sflag:s8] =	ssyncset.s32 @!p0 $0xFFFFF086;
	s6 =	sadd.s32 @!p0 s3, s7;
	s7 =	simm.s32 @!p0 $0x108  }
0x21: {  	s3 =	sadd.s32 s3, s9;
	s6 =	sadd.s32 @!p0 $0x88, s6;
	s7 =	simm.s32 @p2 $0x1082  }
0x22: {  	[simem:s7], [sflag:s8] =	dma.local @!p0 [hbm:s6], $0xF7A  }
0x23: {  	s9 =	sor.u32 $0xD0000000, s2;
	s6 =	simm.s32 $0x108;
	_ =	swait.ge @!p0 [sflag:s8], $0x0  }
0x24: {  	s3 =	sadd.s32 $0x88, s3;
	s6 =	simm.s32 @!p1 $0x1082;
	[sflag:s4] =	ssyncset.s32 $0xFFFFF086  }
0x25: {  	[simem:s6], [sflag:s4] =	dma.local [hbm:s3], $0xF7A  }
0x26: {  	[smem:$0x3F8A] =	sst s1;
	(tag) =	ssettag s2;
	_ =	strace s9  }
0x27: {  	s1 =	sld [smem:$0x3F9A]  }
0x28: {  	s2 =	sld [smem:$0x3F9B]  }
0x29: {  	s4 =	sld [smem:$0x3F9D]  }
0x2a: {  	p0 =	seq.s32 s5, $0x0;
	s5 =	sld [smem:$0x3F9E]  }
0x2b: {  	s6 =	sld [smem:$0x3F9F]  }
0x2c: {  	s7 =	sld [smem:$0x3FA0]  }
0x2d: {  	s3 =	simm.s32 $0x108;
	s8 =	sld [smem:$0x3FA1]  }
0x2e: {  	s3 =	simm.s32 @!p0 $0x1082;
	s9 =	sld [smem:$0x3FA2]  }
0x2f: {  	lr =	sadd.s32 s0, s3;
	s0 =	sld [smem:$0x3F99]  }
0x30: {  	s3 =	sld [smem:$0x3F9C]  }
0x31: {  	[smem:$0x3FA5] =	sst s10  }
0x32: {  	s10 =	sld [smem:$0x3FA3];
	_ =	sdelay $0x3  }
0x33: {  	p0 =	seq.s32 s10, $0x1;
	s10 =	sld [smem:$0x3FA5];
	_ =	sdelay $0x3  }
0x34: {  	[smem:$0x3FA5] =	sst s10  }
0x35: {  	s10 =	sld [smem:$0x3FA4];
	_ =	sdelay $0x3  }
0x36: {  	p1 =	seq.s32 s10, $0x1;
	s10 =	sld [smem:$0x3FA5];
	_ =	sdelay $0x3  }
0x37: {  	[smem:$0x3FA5] =	sst s10  }
0x38: {  	s10 =	sld [smem:$0x3FA6]  }
0x39: {  	_ = 	snop;
	(pc) =	sbr.ind lr, $3  }
0x3a: {  	_ = 	snop  }
0x3b: {  	_ = 	snop  }
0x3c: {  	p2 =	seq.s32 s10, $0x1;
	s10 =	sld [smem:$0x3FA5]  }
0x3d: {  	_ =	shalt  }
0x3e: {  	_ =	shalt  }
0x3f: {  	_ =	shalt  }
0x40: {  	_ =	shalt  }
0x41: {  	_ =	shalt  }
0x42: {  	_ =	shalt  }
0x43: {  	_ =	shalt  }
0x44: {  	_ =	shalt  }
0x45: {  	_ =	shalt  }
0x46: {  	_ =	shalt  }
0x47: {  	_ =	shalt  }
0x48: {  	_ =	shalt  }
0x49: {  	_ =	shalt  }
0x4a: {  	_ =	shalt  }
0x4b: {  	_ =	shalt  }
0x4c: {  	_ =	shalt  }
0x4d: {  	_ =	shalt  }
0x4e: {  	_ =	shalt  }
0x4f: {  	_ =	shalt  }
0x50: {  	_ =	shalt  }
0x51: {  	_ =	shalt  }
0x52: {  	_ =	shalt  }
0x53: {  	_ =	shalt  }
0x54: {  	_ =	shalt  }
0x55: {  	_ =	shalt  }
0x56: {  	_ =	shalt  }
0x57: {  	_ =	shalt  }
0x58: {  	_ =	shalt  }
0x59: {  	_ =	shalt  }
0x5a: {  	_ =	shalt  }
0x5b: {  	_ =	shalt  }
0x5c: {  	_ =	shalt  }
0x5d: {  	_ =	shalt  }
0x5e: {  	_ =	shalt  }
0x5f: {  	_ =	shalt  }
0x60: {  	_ =	shalt  }
0x61: {  	_ =	shalt  }
0x62: {  	_ =	shalt  }
0x63: {  	_ =	shalt  }
0x64: {  	_ =	shalt  }
0x65: {  	_ =	shalt  }
0x66: {  	_ =	shalt  }
0x67: {  	_ =	shalt  }
0x68: {  	_ =	shalt  }
0x69: {  	_ =	shalt  }
0x6a: {  	_ =	shalt  }
0x6b: {  	_ =	shalt  }
0x6c: {  	_ =	shalt  }
0x6d: {  	_ =	shalt  }
0x6e: {  	_ =	shalt  }
0x6f: {  	_ =	shalt  }
0x70: {  	_ =	shalt  }
0x71: {  	_ =	shalt  }
0x72: {  	_ =	shalt  }
0x73: {  	_ =	shalt  }
0x74: {  	_ =	shalt  }
0x75: {  	_ =	shalt  }
0x76: {  	_ =	shalt  }
0x77: {  	_ =	shalt  }
0x78: {  	_ =	shalt  }
0x79: {  	_ =	shalt  }
0x7a: {  	_ =	shalt  }
0x7b: {  	_ =	shalt  }
0x7c: {  	_ =	shalt  }
0x7d: {  	_ =	shalt  }
0x7e: {  	_ =	shalt  }
0x7f: {  	_ =	shalt  }
0x80: {  	_ =	shalt  }
0x81: {  	_ =	shalt  }
0x82: {  	_ =	shalt  }
0x83: {  	_ =	shalt  }
0x84: {  	_ =	shalt  }
0x85: {  	_ =	shalt  }
0x86: {  	_ =	shalt  }
0x87: {  	_ =	shalt  }
.Lfunc_end0:
.L_simem_size_0:
called_computation.2_lowered:
.L_overlay_start_0:
0x88: {  	s2 =	sld [smem:$0x3FD9]  }
0x89: {  	s3 =	sld [smem:$0x3FFE];
	_ =	sdelay $0x1  }
0x8a: {  	s1 =	srdreg.scid  }
0x8b: {  	s0 =	sand.u32 $0x1, s1  }
0x8c: {  	s16 =	sshll.u32 s0, $0xA;
	s2 =	sadd.s32 s3, s2  }
0x8d: {  	s2 =	sadd.s32 s2, s16  }
0x8e: {  	[smem:$0x3FB1] =	sst s2  }
0x8f: {  	_ = 	snop  }
0x90: {  	(tm) =	ssettm $0x1  }
0x91: {  	s17 =	sld [smem:$0x3FFB];
	_ =	sdelay $0x3  }
0x92: {  	_ =	strace s17  }
0x93: {  	s2 =	sld [smem:$0x3FFC];
	_ =	sdelay $0x3  }
0x94: {  	_ =	strace s2  }
0x95: {  	s2 =	sld [smem:$0x3FFD];
	_ =	sdelay $0x3  }
0x96: {  	_ =	strace s2  }
0x97: {  	_ =	strace $0x8FFFFFFF  }
0x98: {  	s18 =	sld [smem:$0x3FDB];
	_ =	sdelay $0x1  }
0x99: {  	s19 =	simm.s32 $_scs_section_size  }
0x9a: {  	s4 =	simm.s32 $_size__tile_overlayer_lowered;
	s5 =	simm.s32 $_tile_overlayer_lowered  }
0x9b: {  	s22 =	simm.s32 $0x1BFF;
	s21 =	sshll.u32 s5, $0x1;
	s2 =	sadd.s32 s19, s18  }
0x9c: {  	s6 =	simm.s32 $0x0;
	s20 =	sshll.u32 s4, $0x1;
	s4 =	sadd.s32 s21, s2  }
0x9d: {  	[timem:s6], [sflag:s22] =	dma.local [hbm:s4], s20  }
0x9e: {  	_ =	swait.ge [sflag:s22], s20  }
0x9f: {  	s3 =	ssub.s32 $0x0, s20;
	[sflag:s22] =	ssyncset.done $0x0  }
0xa0: {  	[sflag:s22] =	ssyncadd.s32 s3;
	_ =	sdelay $0x1  }
0xa1: {  	s23 =	simm.s32 $0x1B8B  }
0xa2: {  	_ =	swait.ge [sflag:s23], $0x1  }
0xa3: {  	[sflag:s23] =	ssyncset.done $0x0  }
0xa4: {  	s25 =	simm.s32 $0x1B8E;
	s24 =	sld [smem:$0x3FFE];
	[sflag:s23] =	ssyncadd.s32 $0xFFFFFFFF  }
0xa5: {  	s26 =	simm.s32 $execute0_lowered;
	[smem:$0x3FD2] =	sst s25  }
0xa6: {  	s4 =	sshll.u32 s26, $0x1;
	_ =	strace $0x8000004C;
	[dreg:$0x1] =	wrdreg $0xFFFFFFFF  }
0xa7: {  	s28 =	simm.s32 $_size_execute0_lowered;
	s2 =	sadd.s32 s2, s4;
	[dreg:$0x0] =	wrdreg $0x0  }
0xa8: {  	s4 =	sshll.u32 s28, $0x1;
	[dreg:$0x2] =	wrdreg s2  }
0xa9: {  	[dreg:$0x3] =	wrdreg s4  }
0xaa: {  	[dreg:$0x4] =	wrdreg $0xC0  }
0xab: {  	_ =	task [dreg:s6], $0x5FFFF  }
0xac: {  	[dreg:$0x1] =	wrdreg $0xFFFFFFFF  }
0xad: {  	[dreg:$0x0] =	wrdreg $0x60  }
0xae: {  	[dreg:$0x2] =	wrdreg s24  }
0xaf: {  	[dreg:$0x3] =	wrdreg $0x82000  }
0xb0: {  	[dreg:$0x4] =	wrdreg $0x9  }
0xb1: {  	_ =	task.clear_ibuf [dreg:s6], $0x5FFFF;
	_ =	strace $0x9000004C  }
0xb2: {  	s29 =	simm.s32 $0x9;
	_ =	strace $0x8000004E  }
0xb3: {  	_ =	swait.ge [sflag:s29], $0x1  }
0xb4: {  	[sflag:s29] =	ssyncadd.s32 $0xFFFFFFFF  }
0xb5: {  	_ =	strace $0x9000004E  }
0xb6: {  	_ =	sfence  }
0xb7: {  	s30 =	sld [smem:$0x0];
	_ =	sdelay $0x2  }
0xb8: {  	s31 =	sshll.u32 s1, $0xD;
	s1 =	sshrl.u32 s1, $0x2  }
0xb9: {  	s3 =	sand.u32 $0x4000, s31;
	s1 =	sadd.s32 s1, s30  }
0xba: {  	s0 =	sor.u32 s3, s0;
	s1 =	sshll.u32 s1, $0x11  }
0xbb: {  	s0 =	sor.u32 s1, s0  }
0xbc: {  	s0 =	sadd.s32 $0x8F2B, s0  }
0xbd: {  	[sflag:s0] =	ssyncadd.remote.s32 $0x1  }
0xbe: {  	_ =	sfence.sel $0xFFFF  }
0xbf: {  	[dreg:$0x0] =	wrdreg $0xFFFFFFFF;
	(pc) =	sbr.abs _section_cstart, $3  }
0xc0: {  	[dreg:$0x1] =	wrdreg $0xFFFFFFFF  }
0xc1: {  	_ =	task.clear_ibuf [dreg:s6], $0x2FFFF;
	_ =	strace $0x9FFFFFFF  }
0xc2: {  	(tm) =	ssettm $0x7FFFFFFF  }
0xc3: {  	_ =	shalt  }
tec
execute0_lowered:
.L_overlay_start_1:
0x0: {  	(tag) =	ssettag $0x1  }
0x1: {  	s0 =	rddreg [dreg:$0x0]  }
0x2: {  	s1 =	rddreg [dreg:$0x1]  }
0x3: {  	s3 =	simm.s32 $0x0;
	s2 =	srdreg.scid;
	s24 =	stileid.u32  }
0x4: {  	s19 =	simm.s32 $0x200;
	s20 =	simm.s32 $0x100;
	s21 =	simm.s32 $0x180  }
0x5: {  	s22 =	simm.s32 $0x4200;
	s23 =	simm.s32 $0x1;
	s28 =	simm.s32 $0x4  }
0x6: {  	s29 =	simm.s32 $0x0;
	[smem:$0x7FF] =	sst s3;
	s9 =	smul.u32 $0x13880, s24  }
0x7: {  	s6 =	sand.u32 $0x1, s2;
	s4 =	sadd.s32 $0x23800, s0;
	s10 =	smul.u32 $0xC00, s24  }
0x8: {  	s14 =	sadd.s32 $0x19800, s0;
	s15 =	sadd.s32 $0x5A00, s0;
	s12 =	smul.u32 $0x4400, s24  }
0x9: {  	s5 =	sadd.s32 $0xFA00, s0;
	s25 =	smul.u32 $0x4E400, s24;
	s30 =	sshll.u32 s24, $0x6  }
0xa: {  	s24 =	simm.s32 $0x2;
	s7 =	smul.u32 $0x138800, s6;
	_ =	strace $0x8000004D  }
0xb: {  	s8 =	ssub.s32 $0x2, s6;
	p0 =	seq.s32 s6, $0x0;
	s6 =	simm.s32 $0x43  }
0xc: {  	s11 =	sshrl.u32 s8, $0x1;
	s10 =	sadd.s32 $0x44000, s10;
	s26 =	sshrl.u32 s25, $0x2  }
0xd: {  	s6 =	simm.s32 @!p0 $0xB;
	s31 =	sadd.s32 s9, s1;
	s7 =	sadd.s32 s9, s7  }
0xe: {  	s11 =	ssub.s32 s8, s11;
	s10 =	smov.u32 @p0 s12;
	s16 =	sadd.s32 s26, s1  }
0xf: {  	s25 =	sshrl.u32 s31, $0x3;
	s26 =	simm.s32 $0x3;
	s7 =	sshrl.u32 s7, $0x3  }
0x10: {  	s13 =	sshrl.u32 s10, $0x3;
	s9 =	smax.u32 s11, $0x1;
	s16 =	sshrl.u32 s16, $0x3  }
0x11: {  	s0 =	sadd.s32 s7, s0;
	s7 =	sor.u32 $0x1C05, s30;
	s10 =	sadd.s32 s14, s13  }
0x12: {  	s17 =	sor.u32 $0x10, s13;
	s11 =	sadd.s32 s15, s13;
	s18 =	sor.u32 $0x20, s13  }
0x13: {  	s8 =	sadd.s32 $0x4AA00, s0;
	s12 =	sadd.s32 s14, s17;
	s13 =	sadd.s32 s15, s17  }
0x14: {  	s14 =	sadd.s32 s18, s14;
	s15 =	sadd.s32 s18, s15;
	s17 =	simm.s32 $0x5  }
0x15: {  	s18 =	simm.s32 $0x80;
	s14 =	sadd.s32 $0x10, s14;
	s15 =	sadd.s32 $0x10, s15  }
.LBB2_1:
0x16: {  	[spmem:s16], [sflag:s7] =	dma.local [hbm:s5], $0x2720  }
0x17: {  	_ =	swait.ge [sflag:s17], $0x2720  }
0x18: {  	[sflag:s17] =	ssyncset.done $0x0  }
0x19: {  	[sflag:s17] =	ssyncadd.s32 $0xFFFFD8E0  }
0x1a: {  	[bflag:$0x0] =	sbarrier.arrive $0xFFFF  }
0x1b: {  	[tilespmem:s3], [sflag:$0x5] =	stream.linear.gather [hbm4b:s10+s3], $0x80, $0x38;
	[tilespmem:$0x1BB00] =	vst v63  }
0x1c: {  	_ =	swait.ge [sflag:s17], $0x80  }
0x1d: {  	[sflag:s17] =	ssyncset.done $0x0  }
0x1e: {  	[sflag:s17] =	ssyncadd.s32 $0xFFFFFF80  }
0x1f: {  	[tilespmem:s18], [sflag:$0x5] =	stream.linear.gather [hbm4b:s11+s3], $0x80, $0x38;
	[tilespmem:$0x1BB00] =	vst v63  }
0x20: {  	_ =	swait.ge [sflag:s17], $0x80  }
0x21: {  	[sflag:s17] =	ssyncset.done $0x0  }
0x22: {  	[sflag:s17] =	ssyncadd.s32 $0xFFFFFF80  }
0x23: {  	[tilespmem:s19], [sflag:$0x1] =	stream.indirect.gather [hbm4b:s4+s18], $0x80, s3, s18, $0xb8;
	[tilespmem:$0x1BB00] =	vst v63  }
0x24: {  	_ = 	snop  }
0x25: {  	[tilespmem:s20], [sflag:$0x5] =	stream.linear.gather [hbm4b:s12+s3], $0x80, $0x38;
	[tilespmem:$0x1BB00] =	vst v63  }
0x26: {  	_ =	swait.ge [sflag:s17], $0x80  }
0x27: {  	[sflag:s17] =	ssyncset.done $0x0  }
0x28: {  	[sflag:s17] =	ssyncadd.s32 $0xFFFFFF80  }
0x29: {  	[tilespmem:s21], [sflag:$0x5] =	stream.linear.gather [hbm4b:s13+s3], $0x80, $0x38;
	[tilespmem:$0x1BB00] =	vst v63  }
0x2a: {  	_ =	swait.ge [sflag:s17], $0x80  }
0x2b: {  	[sflag:s17] =	ssyncset.done $0x0  }
0x2c: {  	[sflag:s17] =	ssyncadd.s32 $0xFFFFFF80  }
0x2d: {  	[tilespmem:s22], [sflag:$0x2] =	stream.indirect.gather [hbm4b:s4+s18], $0x80, s20, s18, $0xb8;
	[tilespmem:$0x1BB00] =	vst v63  }
0x2e: {  	_ =	swait.ge [sflag:s23], $0x4000  }
0x2f: {  	[sflag:s23] =	ssyncset.done $0x0  }
0x30: {  	[sflag:s23] =	ssyncadd.s32 $0xFFFFC000  }
0x31: {  	[spmem:s1] =	stream.indirect.scatter.add.f32 [tilespmem:s19], [sflag:$0x3], $0x80, s18, s18, $0xb8;
	[tilespmem:$0x1BB00] =	vst v63  }
0x32: {  	_ =	swait.ge [sflag:s24], $0x4000  }
0x33: {  	[sflag:s24] =	ssyncset.done $0x0  }
0x34: {  	[sflag:s24] =	ssyncadd.s32 $0xFFFFC000  }
0x35: {  	[spmem:s1] =	stream.indirect.scatter.add.f32 [tilespmem:s22], [sflag:$0x4], $0x80, s21, s18, $0xb8;
	[tilespmem:$0x1BB00] =	vst v63  }
0x36: {  	_ =	swait.ge [sflag:s26], $0x4000  }
0x37: {  	[sflag:s26] =	ssyncset.done $0x0  }
0x38: {  	s0 =	sadd.s32 $0xFFFFFFF0, s14;
	[sflag:s26] =	ssyncadd.s32 $0xFFFFC000  }
0x39: {  	[tilespmem:s3], [sflag:$0x5] =	stream.linear.gather [hbm4b:s0+s3], $0x80, $0x38;
	[tilespmem:$0x1BB00] =	vst v63  }
0x3a: {  	_ =	swait.ge [sflag:s17], $0x80  }
0x3b: {  	[sflag:s17] =	ssyncset.done $0x0  }
0x3c: {  	s2 =	sadd.s32 $0xFFFFFFF0, s15;
	[sflag:s17] =	ssyncadd.s32 $0xFFFFFF80  }
0x3d: {  	[tilespmem:s18], [sflag:$0x5] =	stream.linear.gather [hbm4b:s2+s3], $0x80, $0x38;
	[tilespmem:$0x1BB00] =	vst v63  }
0x3e: {  	_ =	swait.ge [sflag:s17], $0x80  }
0x3f: {  	[sflag:s17] =	ssyncset.done $0x0  }
0x40: {  	[sflag:s17] =	ssyncadd.s32 $0xFFFFFF80  }
0x41: {  	[tilespmem:s19], [sflag:$0x1] =	stream.indirect.gather [hbm4b:s4+s18], $0x80, s3, s18, $0xb8;
	[tilespmem:$0x1BB00] =	vst v63  }
0x42: {  	_ =	swait.ge [sflag:s28], $0x4000  }
0x43: {  	[sflag:s28] =	ssyncset.done $0x0  }
0x44: {  	[sflag:s28] =	ssyncadd.s32 $0xFFFFC000  }
0x45: {  	[tilespmem:s20], [sflag:$0x5] =	stream.linear.gather [hbm4b:s14+s3], $0x80, $0x38;
	[tilespmem:$0x1BB00] =	vst v63  }
0x46: {  	_ =	swait.ge [sflag:s17], $0x80  }
0x47: {  	[sflag:s17] =	ssyncset.done $0x0  }
0x48: {  	[sflag:s17] =	ssyncadd.s32 $0xFFFFFF80  }
0x49: {  	[tilespmem:s21], [sflag:$0x5] =	stream.linear.gather [hbm4b:s15+s3], $0x80, $0x38;
	[tilespmem:$0x1BB00] =	vst v63  }
0x4a: {  	_ =	swait.ge [sflag:s17], $0x80  }
0x4b: {  	[sflag:s17] =	ssyncset.done $0x0  }
0x4c: {  	[sflag:s17] =	ssyncadd.s32 $0xFFFFFF80  }
0x4d: {  	[tilespmem:s22], [sflag:$0x2] =	stream.indirect.gather [hbm4b:s4+s18], $0x80, s20, s18, $0xb8;
	[tilespmem:$0x1BB00] =	vst v63  }
0x4e: {  	_ =	swait.ge [sflag:s23], $0x4000  }
0x4f: {  	p0 =	sne.s32 s6, $0x1;
	[sflag:s23] =	ssyncset.done $0x0  }
.Ltmp0:
0x50: {  	[sflag:s23] =	ssyncadd.s32 $0xFFFFC000;
	(pc) =	sbr.rel @!p0 .LBB2_3-.Ltmp0, $4  }
0x51: {  	[spmem:s1] =	stream.indirect.scatter.add.f32 [tilespmem:s19], [sflag:$0x3], $0x80, s18, s18, $0xb8;
	[tilespmem:$0x1BB00] =	vst v63  }
0x52: {  	_ =	swait.ge [sflag:s24], $0x4000  }
0x53: {  	s30 =	sadd.s32 $0xFFFFFFFF, s6;
	[sflag:s24] =	ssyncset.done $0x0  }
0x54: {  	s31 =	sadd.s32 $0x20, s14;
	s0 =	sadd.s32 $0x20, s15;
	[sflag:s24] =	ssyncadd.s32 $0xFFFFC000  }
.LBB2_2:
0x55: {  	[spmem:s1] =	stream.indirect.scatter.add.f32 [tilespmem:s22], [sflag:$0x4], $0x80, s21, s18, $0xb8;
	[tilespmem:$0x1BB00] =	vst v63  }
0x56: {  	p0 =	sne.s32 s30, $0x1;
	s30 =	sadd.s32 $0xFFFFFFFF, s30;
	_ =	swait.ge [sflag:s26], $0x4000  }
0x57: {  	[sflag:s26] =	ssyncset.done $0x0  }
0x58: {  	s2 =	sadd.s32 $0xFFFFFFF0, s31;
	[sflag:s26] =	ssyncadd.s32 $0xFFFFC000  }
0x59: {  	[tilespmem:s3], [sflag:$0x5] =	stream.linear.gather [hbm4b:s2+s3], $0x80, $0x38;
	[tilespmem:$0x1BB00] =	vst v63  }
0x5a: {  	_ =	swait.ge [sflag:s17], $0x80  }
0x5b: {  	[sflag:s17] =	ssyncset.done $0x0  }
0x5c: {  	s2 =	sadd.s32 $0xFFFFFFF0, s0;
	[sflag:s17] =	ssyncadd.s32 $0xFFFFFF80  }
0x5d: {  	[tilespmem:s18], [sflag:$0x5] =	stream.linear.gather [hbm4b:s2+s3], $0x80, $0x38;
	[tilespmem:$0x1BB00] =	vst v63  }
0x5e: {  	_ =	swait.ge [sflag:s17], $0x80  }
0x5f: {  	[sflag:s17] =	ssyncset.done $0x0  }
0x60: {  	[sflag:s17] =	ssyncadd.s32 $0xFFFFFF80  }
0x61: {  	[tilespmem:s19], [sflag:$0x1] =	stream.indirect.gather [hbm4b:s4+s18], $0x80, s3, s18, $0xb8;
	[tilespmem:$0x1BB00] =	vst v63  }
0x62: {  	_ =	swait.ge [sflag:s28], $0x4000  }
0x63: {  	[sflag:s28] =	ssyncset.done $0x0  }
0x64: {  	[sflag:s28] =	ssyncadd.s32 $0xFFFFC000  }
0x65: {  	[tilespmem:s20], [sflag:$0x5] =	stream.linear.gather [hbm4b:s31+s3], $0x80, $0x38;
	[tilespmem:$0x1BB00] =	vst v63  }
0x66: {  	_ =	swait.ge [sflag:s17], $0x80  }
0x67: {  	[sflag:s17] =	ssyncset.done $0x0  }
0x68: {  	[sflag:s17] =	ssyncadd.s32 $0xFFFFFF80  }
0x69: {  	[tilespmem:s21], [sflag:$0x5] =	stream.linear.gather [hbm4b:s0+s3], $0x80, $0x38;
	[tilespmem:$0x1BB00] =	vst v63  }
0x6a: {  	_ =	swait.ge [sflag:s17], $0x80  }
0x6b: {  	[sflag:s17] =	ssyncset.done $0x0  }
0x6c: {  	[sflag:s17] =	ssyncadd.s32 $0xFFFFFF80  }
0x6d: {  	[tilespmem:s22], [sflag:$0x2] =	stream.indirect.gather [hbm4b:s4+s18], $0x80, s20, s18, $0xb8;
	[tilespmem:$0x1BB00] =	vst v63  }
0x6e: {  	_ =	swait.ge [sflag:s23], $0x4000  }
0x6f: {  	[sflag:s23] =	ssyncset.done $0x0  }
.Ltmp1:
0x70: {  	[sflag:s23] =	ssyncadd.s32 $0xFFFFC000;
	(pc) =	sbr.rel @p0 .LBB2_2-.Ltmp1, $4  }
0x71: {  	[spmem:s1] =	stream.indirect.scatter.add.f32 [tilespmem:s19], [sflag:$0x3], $0x80, s18, s18, $0xb8;
	[tilespmem:$0x1BB00] =	vst v63  }
0x72: {  	_ =	swait.ge [sflag:s24], $0x4000  }
0x73: {  	[sflag:s24] =	ssyncset.done $0x0  }
0x74: {  	s31 =	sadd.s32 $0x20, s31;
	s0 =	sadd.s32 $0x20, s0;
	[sflag:s24] =	ssyncadd.s32 $0xFFFFC000  }
.LBB2_3:
0x75: {  	[spmem:s1] =	stream.indirect.scatter.add.f32 [tilespmem:s22], [sflag:$0x4], $0x80, s21, s18, $0xb8;
	[tilespmem:$0x1BB00] =	vst v63  }
0x76: {  	_ =	swait.ge [sflag:s26], $0x4000  }
0x77: {  	[sflag:s26] =	ssyncset.done $0x0  }
0x78: {  	[sflag:s26] =	ssyncadd.s32 $0xFFFFC000  }
0x79: {  	_ =	swait.ge [sflag:s28], $0x4000  }
0x7a: {  	s29 =	sadd.s32 $0x1, s29;
	[sflag:s28] =	ssyncset.done $0x0  }
0x7b: {  	p0 =	sne.s32 s29, s9;
	[sflag:s28] =	ssyncadd.s32 $0xFFFFC000  }
.Ltmp2:
0x7c: {  	[bflag:$0x0] =	sbarrier.arrive $0xFFFF;
	(pc) =	sbr.rel @p0 .LBB2_1-.Ltmp2, $4  }
0x7d: {  	[hbm:s8], [sflag:s7] =	dma.local [spmem:s25], $0x2710  }
0x7e: {  	_ =	swait.ge [sflag:s17], $0x2710  }
0x7f: {  	[sflag:s17] =	ssyncset.done $0x0  }
0x80: {  	[sflag:s17] =	ssyncadd.s32 $0xFFFFD8F0  }
0x81: {  	_ =	sfence.sel $0x180000  }
0x82: {  	[bflag:$0x0] =	sbarrier.arrive $0xFFFF  }
0x83: {  	_ =	strace $0x9000004D  }
0x84: {  	s0 =	stileid.u32;
	[bflag:$0x2] =	sbarrier.arrive $0xFFFF  }
0x85: {  	p0 =	sne.s32 s0, $0x0;
	s0 =	rddreg [dreg:$0x2]  }
0x86: {  	s0 =	sadd.s32 @!p0 $0x100000, s0  }
0x87: {  	[sflag:s0] =	ssyncadd.tile.s32 @!p0 $0x1;
	_ =	shalt  }
.Lfunc_end2:
_tile_overlayer_lowered:
.L_overlay_start_2:
0x88: {  	(tag) =	ssettag $0x2  }
0x89: {  	s0 =	rddreg [dreg:$0x0];
	s2 =	stileid.u32  }
0x8a: {  	s1 =	rddreg [dreg:$0x1];
	p0 =	sne.s32 s2, $0x0  }
0x8b: {  	s3 =	rddreg [dreg:$0x2];
	[bflag:$0x3] =	sbarrier.arrive $0xFFFF;
	s2 =	simm.s32 @!p0 $0x1C05  }
0x8c: {  	[timem:s3], [sflag:s2] =	dma.local @!p0 [hbm:s0], s1  }
0x8d: {  	s0 =	simm.s32 @!p0 $0x5  }
0x8e: {  	_ =	swait.ge @!p0 [sflag:s0], s1  }
0x8f: {  	s1 =	ssub.s32 @!p0 $0x0, s1;
	[sflag:s0] =	ssyncset.done @!p0 $0x0  }
0x90: {  	[sflag:s0] =	ssyncadd.s32 @!p0 s1  }
0x91: {  	[bflag:$0x3] =	sbarrier.arrive $0xFFFF  }
0x92: {  	_ =	shalt  }

// kernel: kernel.20.cloned.1.call-start
scs
__scs_entry_jumppad:
0x0: {  	(pc) =	sbr.rel $0x88, $3  }
0x1: {  	(tag) =	ssettag $0x0;
	lr =	simm.s32 $0x1  }
0x2: {  	[smem:$0x3F8A] =	sst lr;
	_ =	strace $0xD0000000  }
0x3: {  	_ = 	snop  }
0x4: {  	_ = 	snop  }
0x5: {  	_ = 	snop  }
0x6: {  	_ = 	snop  }
0x7: {  	_ = 	snop  }
__scs_overlays_trampoline_lowered:
0x8: {  	[smem:$0x3F99] =	sst s0  }
0x9: {  	[smem:$0x3F9A] =	sst s1  }
0xa: {  	[smem:$0x3F9B] =	sst s2  }
0xb: {  	[smem:$0x3F9C] =	sst s3  }
0xc: {  	[smem:$0x3F9D] =	sst s4  }
0xd: {  	[smem:$0x3F9E] =	sst s5  }
0xe: {  	[smem:$0x3F9F] =	sst s6  }
0xf: {  	[smem:$0x3FA0] =	sst s7  }
0x10: {  	[smem:$0x3FA1] =	sst s8  }
0x11: {  	[smem:$0x3FA2] =	sst s9;
	s0 =	simm.s32 @!p0 $0x0  }
0x12: {  	s1 =	sld [smem:$0x3F88];
	s0 =	simm.s32 @p0 $0x1  }
0x13: {  	[smem:$0x3FA3] =	sst s0;
	s0 =	simm.s32 @!p1 $0x0  }
0x14: {  	s2 =	sld [smem:$0x3F87];
	s0 =	simm.s32 @p1 $0x1  }
0x15: {  	[smem:$0x3FA4] =	sst s0;
	s0 =	simm.s32 @!p2 $0x0  }
0x16: {  	s3 =	sld [smem:$0x3FDB];
	s0 =	simm.s32 @p2 $0x1  }
0x17: {  	s4 =	simm.s32 $0x1BF5;
	[smem:$0x3FA6] =	sst s0  }
0x18: {  	s0 =	sld [smem:$0x3F89];
	_ =	swait.ge [sflag:s4], $0x0  }
0x19: {  	s7 =	sld [smem:$0x3F8A]  }
0x1a: {  	s8 =	sadd.s32 $0xFFFFE003, lr  }
0x1b: {  	s9 =	sadd.s32 $0xFFFFFEF7, lr;
	s5 =	simm.s32 $0xFFFFFFFF;
	p2 =	slt.u32 s8, $0xFFFFF086  }
0x1c: {  	p1 =	slt.u32 s9, $0xF7A;
	s5 =	simm.s32 @!p2 $0x0  }
0x1d: {  	s5 =	simm.s32 @p1 $0x1;
	p0 =	seq.s32 s7, s2  }
0x1e: {  	s7 =	smul.u32 @!p0 $0xF7A, s2;
	p2 =	seq.s32 @!p0 s5, $0x0  }
0x1f: {  	s9 =	smul.u32 $0xF7A, s1;
	s8 =	simm.s32 @!p0 $0x1BF5;
	p2 =	por !p2, p0  }
0x20: {  	[sflag:s8] =	ssyncset.s32 @!p0 $0xFFFFF086;
	s6 =	sadd.s32 @!p0 s3, s7;
	s7 =	simm.s32 @!p0 $0x108  }
0x21: {  	s3 =	sadd.s32 s3, s9;
	s6 =	sadd.s32 @!p0 $0x88, s6;
	s7 =	simm.s32 @p2 $0x1082  }
0x22: {  	[simem:s7], [sflag:s8] =	dma.local @!p0 [hbm:s6], $0xF7A  }
0x23: {  	s9 =	sor.u32 $0xD0000000, s2;
	s6 =	simm.s32 $0x108;
	_ =	swait.ge @!p0 [sflag:s8], $0x0  }
0x24: {  	s3 =	sadd.s32 $0x88, s3;
	s6 =	simm.s32 @!p1 $0x1082;
	[sflag:s4] =	ssyncset.s32 $0xFFFFF086  }
0x25: {  	[simem:s6], [sflag:s4] =	dma.local [hbm:s3], $0xF7A  }
0x26: {  	[smem:$0x3F8A] =	sst s1;
	(tag) =	ssettag s2;
	_ =	strace s9  }
0x27: {  	s1 =	sld [smem:$0x3F9A]  }
0x28: {  	s2 =	sld [smem:$0x3F9B]  }
0x29: {  	s4 =	sld [smem:$0x3F9D]  }
0x2a: {  	p0 =	seq.s32 s5, $0x0;
	s5 =	sld [smem:$0x3F9E]  }
0x2b: {  	s6 =	sld [smem:$0x3F9F]  }
0x2c: {  	s7 =	sld [smem:$0x3FA0]  }
0x2d: {  	s3 =	simm.s32 $0x108;
	s8 =	sld [smem:$0x3FA1]  }
0x2e: {  	s3 =	simm.s32 @!p0 $0x1082;
	s9 =	sld [smem:$0x3FA2]  }
0x2f: {  	lr =	sadd.s32 s0, s3;
	s0 =	sld [smem:$0x3F99]  }
0x30: {  	s3 =	sld [smem:$0x3F9C]  }
0x31: {  	[smem:$0x3FA5] =	sst s10  }
0x32: {  	s10 =	sld [smem:$0x3FA3];
	_ =	sdelay $0x3  }
0x33: {  	p0 =	seq.s32 s10, $0x1;
	s10 =	sld [smem:$0x3FA5];
	_ =	sdelay $0x3  }
0x34: {  	[smem:$0x3FA5] =	sst s10  }
0x35: {  	s10 =	sld [smem:$0x3FA4];
	_ =	sdelay $0x3  }
0x36: {  	p1 =	seq.s32 s10, $0x1;
	s10 =	sld [smem:$0x3FA5];
	_ =	sdelay $0x3  }
0x37: {  	[smem:$0x3FA5] =	sst s10  }
0x38: {  	s10 =	sld [smem:$0x3FA6]  }
0x39: {  	_ = 	snop;
	(pc) =	sbr.ind lr, $3  }
0x3a: {  	_ = 	snop  }
0x3b: {  	_ = 	snop  }
0x3c: {  	p2 =	seq.s32 s10, $0x1;
	s10 =	sld [smem:$0x3FA5]  }
0x3d: {  	_ =	shalt  }
0x3e: {  	_ =	shalt  }
0x3f: {  	_ =	shalt  }
0x40: {  	_ =	shalt  }
0x41: {  	_ =	shalt  }
0x42: {  	_ =	shalt  }
0x43: {  	_ =	shalt  }
0x44: {  	_ =	shalt  }
0x45: {  	_ =	shalt  }
0x46: {  	_ =	shalt  }
0x47: {  	_ =	shalt  }
0x48: {  	_ =	shalt  }
0x49: {  	_ =	shalt  }
0x4a: {  	_ =	shalt  }
0x4b: {  	_ =	shalt  }
0x4c: {  	_ =	shalt  }
0x4d: {  	_ =	shalt  }
0x4e: {  	_ =	shalt  }
0x4f: {  	_ =	shalt  }
0x50: {  	_ =	shalt  }
0x51: {  	_ =	shalt  }
0x52: {  	_ =	shalt  }
0x53: {  	_ =	shalt  }
0x54: {  	_ =	shalt  }
0x55: {  	_ =	shalt  }
0x56: {  	_ =	shalt  }
0x57: {  	_ =	shalt  }
0x58: {  	_ =	shalt  }
0x59: {  	_ =	shalt  }
0x5a: {  	_ =	shalt  }
0x5b: {  	_ =	shalt  }
0x5c: {  	_ =	shalt  }
0x5d: {  	_ =	shalt  }
0x5e: {  	_ =	shalt  }
0x5f: {  	_ =	shalt  }
0x60: {  	_ =	shalt  }
0x61: {  	_ =	shalt  }
0x62: {  	_ =	shalt  }
0x63: {  	_ =	shalt  }
0x64: {  	_ =	shalt  }
0x65: {  	_ =	shalt  }
0x66: {  	_ =	shalt  }
0x67: {  	_ =	shalt  }
0x68: {  	_ =	shalt  }
0x69: {  	_ =	shalt  }
0x6a: {  	_ =	shalt  }
0x6b: {  	_ =	shalt  }
0x6c: {  	_ =	shalt  }
0x6d: {  	_ =	shalt  }
0x6e: {  	_ =	shalt  }
0x6f: {  	_ =	shalt  }
0x70: {  	_ =	shalt  }
0x71: {  	_ =	shalt  }
0x72: {  	_ =	shalt  }
0x73: {  	_ =	shalt  }
0x74: {  	_ =	shalt  }
0x75: {  	_ =	shalt  }
0x76: {  	_ =	shalt  }
0x77: {  	_ =	shalt  }
0x78: {  	_ =	shalt  }
0x79: {  	_ =	shalt  }
0x7a: {  	_ =	shalt  }
0x7b: {  	_ =	shalt  }
0x7c: {  	_ =	shalt  }
0x7d: {  	_ =	shalt  }
0x7e: {  	_ =	shalt  }
0x7f: {  	_ =	shalt  }
0x80: {  	_ =	shalt  }
0x81: {  	_ =	shalt  }
0x82: {  	_ =	shalt  }
0x83: {  	_ =	shalt  }
0x84: {  	_ =	shalt  }
0x85: {  	_ =	shalt  }
0x86: {  	_ =	shalt  }
0x87: {  	_ =	shalt  }
.Lfunc_end0:
.L_simem_size_0:
called_computation.3_lowered:
.L_overlay_start_0:
0x88: {  	s2 =	sld [smem:$0x3FD9]  }
0x89: {  	s3 =	sld [smem:$0x3FFE];
	_ =	sdelay $0x1  }
0x8a: {  	s1 =	srdreg.scid  }
0x8b: {  	s0 =	sand.u32 $0x1, s1  }
0x8c: {  	s16 =	sshll.u32 s0, $0xA;
	s2 =	sadd.s32 s3, s2  }
0x8d: {  	s2 =	sadd.s32 s2, s16  }
0x8e: {  	[smem:$0x3FB1] =	sst s2  }
0x8f: {  	_ = 	snop  }
0x90: {  	(tm) =	ssettm $0x1  }
0x91: {  	s17 =	sld [smem:$0x3FFB];
	_ =	sdelay $0x3  }
0x92: {  	_ =	strace s17  }
0x93: {  	s2 =	sld [smem:$0x3FFC];
	_ =	sdelay $0x3  }
0x94: {  	_ =	strace s2  }
0x95: {  	s2 =	sld [smem:$0x3FFD];
	_ =	sdelay $0x3  }
0x96: {  	_ =	strace s2  }
0x97: {  	_ =	strace $0x8FFFFFFF  }
0x98: {  	s18 =	sld [smem:$0x3FDB];
	_ =	sdelay $0x1  }
0x99: {  	s19 =	simm.s32 $_scs_section_size  }
0x9a: {  	s4 =	simm.s32 $_size__tile_overlayer_lowered;
	s5 =	simm.s32 $_tile_overlayer_lowered  }
0x9b: {  	s22 =	simm.s32 $0x1BFF;
	s21 =	sshll.u32 s5, $0x1;
	s2 =	sadd.s32 s19, s18  }
0x9c: {  	s6 =	simm.s32 $0x0;
	s20 =	sshll.u32 s4, $0x1;
	s4 =	sadd.s32 s21, s2  }
0x9d: {  	[timem:s6], [sflag:s22] =	dma.local [hbm:s4], s20  }
0x9e: {  	_ =	swait.ge [sflag:s22], s20  }
0x9f: {  	s3 =	ssub.s32 $0x0, s20;
	[sflag:s22] =	ssyncset.done $0x0  }
0xa0: {  	[sflag:s22] =	ssyncadd.s32 s3;
	_ =	sdelay $0x1  }
0xa1: {  	s23 =	simm.s32 $0x1B8B  }
0xa2: {  	_ =	swait.ge [sflag:s23], $0x1  }
0xa3: {  	[sflag:s23] =	ssyncset.done $0x0  }
0xa4: {  	s25 =	simm.s32 $0x1B8E;
	s24 =	sld [smem:$0x3FFE];
	[sflag:s23] =	ssyncadd.s32 $0xFFFFFFFF  }
0xa5: {  	s26 =	simm.s32 $execute0_lowered;
	[smem:$0x3FD2] =	sst s25  }
0xa6: {  	s4 =	sshll.u32 s26, $0x1;
	_ =	strace $0x8000004F;
	[dreg:$0x1] =	wrdreg $0xFFFFFFFF  }
0xa7: {  	s28 =	simm.s32 $_size_execute0_lowered;
	s2 =	sadd.s32 s2, s4;
	[dreg:$0x0] =	wrdreg $0x0  }
0xa8: {  	s4 =	sshll.u32 s28, $0x1;
	[dreg:$0x2] =	wrdreg s2  }
0xa9: {  	[dreg:$0x3] =	wrdreg s4  }
0xaa: {  	[dreg:$0x4] =	wrdreg $0xC0  }
0xab: {  	_ =	task [dreg:s6], $0x5FFFF  }
0xac: {  	[dreg:$0x1] =	wrdreg $0xFFFFFFFF  }
0xad: {  	[dreg:$0x0] =	wrdreg $0x60  }
0xae: {  	[dreg:$0x2] =	wrdreg s24  }
0xaf: {  	[dreg:$0x3] =	wrdreg $0x82000  }
0xb0: {  	[dreg:$0x4] =	wrdreg $0x9  }
0xb1: {  	_ =	task.clear_ibuf [dreg:s6], $0x5FFFF;
	_ =	strace $0x9000004F  }
0xb2: {  	s29 =	simm.s32 $0x9;
	_ =	strace $0x80000051  }
0xb3: {  	_ =	swait.ge [sflag:s29], $0x1  }
0xb4: {  	[sflag:s29] =	ssyncadd.s32 $0xFFFFFFFF  }
0xb5: {  	_ =	strace $0x90000051  }
0xb6: {  	_ =	sfence  }
0xb7: {  	s30 =	sld [smem:$0x0];
	_ =	sdelay $0x2  }
0xb8: {  	s31 =	sshll.u32 s1, $0xD;
	s1 =	sshrl.u32 s1, $0x2  }
0xb9: {  	s3 =	sand.u32 $0x4000, s31;
	s1 =	sadd.s32 s1, s30  }
0xba: {  	s0 =	sor.u32 s3, s0;
	s1 =	sshll.u32 s1, $0x11  }
0xbb: {  	s0 =	sor.u32 s1, s0  }
0xbc: {  	s0 =	sadd.s32 $0x8F2B, s0  }
0xbd: {  	[sflag:s0] =	ssyncadd.remote.s32 $0x1  }
0xbe: {  	_ =	sfence.sel $0xFFFF  }
0xbf: {  	[dreg:$0x0] =	wrdreg $0xFFFFFFFF;
	(pc) =	sbr.abs _section_cstart, $3  }
0xc0: {  	[dreg:$0x1] =	wrdreg $0xFFFFFFFF  }
0xc1: {  	_ =	task.clear_ibuf [dreg:s6], $0x2FFFF;
	_ =	strace $0x9FFFFFFF  }
0xc2: {  	(tm) =	ssettm $0x7FFFFFFF  }
0xc3: {  	_ =	shalt  }
tec
execute0_lowered:
.L_overlay_start_1:
0x0: {  	(tag) =	ssettag $0x1  }
0x1: {  	s0 =	rddreg [dreg:$0x0]  }
0x2: {  	s1 =	rddreg [dreg:$0x1]  }
0x3: {  	s3 =	simm.s32 $0x0;
	s2 =	srdreg.scid;
	s24 =	stileid.u32  }
0x4: {  	s19 =	simm.s32 $0x200;
	s20 =	simm.s32 $0x100;
	s21 =	simm.s32 $0x180  }
0x5: {  	s22 =	simm.s32 $0x4200;
	s23 =	simm.s32 $0x1;
	s28 =	simm.s32 $0x4  }
0x6: {  	s29 =	simm.s32 $0x0;
	[smem:$0x7FF] =	sst s3;
	s9 =	smul.u32 $0x13880, s24  }
0x7: {  	s6 =	sand.u32 $0x1, s2;
	s4 =	sadd.s32 $0x23800, s0;
	s10 =	smul.u32 $0xC00, s24  }
0x8: {  	s14 =	sadd.s32 $0x19800, s0;
	s15 =	sadd.s32 $0x5A00, s0;
	s12 =	smul.u32 $0x4400, s24  }
0x9: {  	s5 =	sadd.s32 $0xFA00, s0;
	s25 =	smul.u32 $0x4E400, s24;
	s30 =	sshll.u32 s24, $0x6  }
0xa: {  	s24 =	simm.s32 $0x2;
	s7 =	smul.u32 $0x138800, s6;
	_ =	strace $0x80000050  }
0xb: {  	s8 =	ssub.s32 $0x2, s6;
	p0 =	seq.s32 s6, $0x0;
	s6 =	simm.s32 $0x43  }
0xc: {  	s11 =	sshrl.u32 s8, $0x1;
	s10 =	sadd.s32 $0x44000, s10;
	s26 =	sshrl.u32 s25, $0x2  }
0xd: {  	s6 =	simm.s32 @!p0 $0xB;
	s31 =	sadd.s32 s9, s1;
	s7 =	sadd.s32 s9, s7  }
0xe: {  	s11 =	ssub.s32 s8, s11;
	s10 =	smov.u32 @p0 s12;
	s16 =	sadd.s32 s26, s1  }
0xf: {  	s25 =	sshrl.u32 s31, $0x3;
	s26 =	simm.s32 $0x3;
	s7 =	sshrl.u32 s7, $0x3  }
0x10: {  	s13 =	sshrl.u32 s10, $0x3;
	s9 =	smax.u32 s11, $0x1;
	s16 =	sshrl.u32 s16, $0x3  }
0x11: {  	s0 =	sadd.s32 s7, s0;
	s7 =	sor.u32 $0x1C05, s30;
	s10 =	sadd.s32 s14, s13  }
0x12: {  	s17 =	sor.u32 $0x10, s13;
	s11 =	sadd.s32 s15, s13;
	s18 =	sor.u32 $0x20, s13  }
0x13: {  	s8 =	sadd.s32 $0x4AA00, s0;
	s12 =	sadd.s32 s14, s17;
	s13 =	sadd.s32 s15, s17  }
0x14: {  	s14 =	sadd.s32 s18, s14;
	s15 =	sadd.s32 s18, s15;
	s17 =	simm.s32 $0x5  }
0x15: {  	s18 =	simm.s32 $0x80;
	s14 =	sadd.s32 $0x10, s14;
	s15 =	sadd.s32 $0x10, s15  }
.LBB2_1:
0x16: {  	[spmem:s16], [sflag:s7] =	dma.local [hbm:s5], $0x2720  }
0x17: {  	_ =	swait.ge [sflag:s17], $0x2720  }
0x18: {  	[sflag:s17] =	ssyncset.done $0x0  }
0x19: {  	[sflag:s17] =	ssyncadd.s32 $0xFFFFD8E0  }
0x1a: {  	[bflag:$0x0] =	sbarrier.arrive $0xFFFF  }
0x1b: {  	[tilespmem:s3], [sflag:$0x5] =	stream.linear.gather [hbm4b:s10+s3], $0x80, $0x38;
	[tilespmem:$0x1BB00] =	vst v63  }
0x1c: {  	_ =	swait.ge [sflag:s17], $0x80  }
0x1d: {  	[sflag:s17] =	ssyncset.done $0x0  }
0x1e: {  	[sflag:s17] =	ssyncadd.s32 $0xFFFFFF80  }
0x1f: {  	[tilespmem:s18], [sflag:$0x5] =	stream.linear.gather [hbm4b:s11+s3], $0x80, $0x38;
	[tilespmem:$0x1BB00] =	vst v63  }
0x20: {  	_ =	swait.ge [sflag:s17], $0x80  }
0x21: {  	[sflag:s17] =	ssyncset.done $0x0  }
0x22: {  	[sflag:s17] =	ssyncadd.s32 $0xFFFFFF80  }
0x23: {  	[tilespmem:s19], [sflag:$0x1] =	stream.indirect.gather [hbm4b:s4+s18], $0x80, s3, s18, $0xb8;
	[tilespmem:$0x1BB00] =	vst v63  }
0x24: {  	_ = 	snop  }
0x25: {  	[tilespmem:s20], [sflag:$0x5] =	stream.linear.gather [hbm4b:s12+s3], $0x80, $0x38;
	[tilespmem:$0x1BB00] =	vst v63  }
0x26: {  	_ =	swait.ge [sflag:s17], $0x80  }
0x27: {  	[sflag:s17] =	ssyncset.done $0x0  }
0x28: {  	[sflag:s17] =	ssyncadd.s32 $0xFFFFFF80  }
0x29: {  	[tilespmem:s21], [sflag:$0x5] =	stream.linear.gather [hbm4b:s13+s3], $0x80, $0x38;
	[tilespmem:$0x1BB00] =	vst v63  }
0x2a: {  	_ =	swait.ge [sflag:s17], $0x80  }
0x2b: {  	[sflag:s17] =	ssyncset.done $0x0  }
0x2c: {  	[sflag:s17] =	ssyncadd.s32 $0xFFFFFF80  }
0x2d: {  	[tilespmem:s22], [sflag:$0x2] =	stream.indirect.gather [hbm4b:s4+s18], $0x80, s20, s18, $0xb8;
	[tilespmem:$0x1BB00] =	vst v63  }
0x2e: {  	_ =	swait.ge [sflag:s23], $0x4000  }
0x2f: {  	[sflag:s23] =	ssyncset.done $0x0  }
0x30: {  	[sflag:s23] =	ssyncadd.s32 $0xFFFFC000  }
0x31: {  	[spmem:s1] =	stream.indirect.scatter.add.f32 [tilespmem:s19], [sflag:$0x3], $0x80, s18, s18, $0xb8;
	[tilespmem:$0x1BB00] =	vst v63  }
0x32: {  	_ =	swait.ge [sflag:s24], $0x4000  }
0x33: {  	[sflag:s24] =	ssyncset.done $0x0  }
0x34: {  	[sflag:s24] =	ssyncadd.s32 $0xFFFFC000  }
0x35: {  	[spmem:s1] =	stream.indirect.scatter.add.f32 [tilespmem:s22], [sflag:$0x4], $0x80, s21, s18, $0xb8;
	[tilespmem:$0x1BB00] =	vst v63  }
0x36: {  	_ =	swait.ge [sflag:s26], $0x4000  }
0x37: {  	[sflag:s26] =	ssyncset.done $0x0  }
0x38: {  	s0 =	sadd.s32 $0xFFFFFFF0, s14;
	[sflag:s26] =	ssyncadd.s32 $0xFFFFC000  }
0x39: {  	[tilespmem:s3], [sflag:$0x5] =	stream.linear.gather [hbm4b:s0+s3], $0x80, $0x38;
	[tilespmem:$0x1BB00] =	vst v63  }
0x3a: {  	_ =	swait.ge [sflag:s17], $0x80  }
0x3b: {  	[sflag:s17] =	ssyncset.done $0x0  }
0x3c: {  	s2 =	sadd.s32 $0xFFFFFFF0, s15;
	[sflag:s17] =	ssyncadd.s32 $0xFFFFFF80  }
0x3d: {  	[tilespmem:s18], [sflag:$0x5] =	stream.linear.gather [hbm4b:s2+s3], $0x80, $0x38;
	[tilespmem:$0x1BB00] =	vst v63  }
0x3e: {  	_ =	swait.ge [sflag:s17], $0x80  }
0x3f: {  	[sflag:s17] =	ssyncset.done $0x0  }
0x40: {  	[sflag:s17] =	ssyncadd.s32 $0xFFFFFF80  }
0x41: {  	[tilespmem:s19], [sflag:$0x1] =	stream.indirect.gather [hbm4b:s4+s18], $0x80, s3, s18, $0xb8;
	[tilespmem:$0x1BB00] =	vst v63  }
0x42: {  	_ =	swait.ge [sflag:s28], $0x4000  }
0x43: {  	[sflag:s28] =	ssyncset.done $0x0  }
0x44: {  	[sflag:s28] =	ssyncadd.s32 $0xFFFFC000  }
0x45: {  	[tilespmem:s20], [sflag:$0x5] =	stream.linear.gather [hbm4b:s14+s3], $0x80, $0x38;
	[tilespmem:$0x1BB00] =	vst v63  }
0x46: {  	_ =	swait.ge [sflag:s17], $0x80  }
0x47: {  	[sflag:s17] =	ssyncset.done $0x0  }
0x48: {  	[sflag:s17] =	ssyncadd.s32 $0xFFFFFF80  }
0x49: {  	[tilespmem:s21], [sflag:$0x5] =	stream.linear.gather [hbm4b:s15+s3], $0x80, $0x38;
	[tilespmem:$0x1BB00] =	vst v63  }
0x4a: {  	_ =	swait.ge [sflag:s17], $0x80  }
0x4b: {  	[sflag:s17] =	ssyncset.done $0x0  }
0x4c: {  	[sflag:s17] =	ssyncadd.s32 $0xFFFFFF80  }
0x4d: {  	[tilespmem:s22], [sflag:$0x2] =	stream.indirect.gather [hbm4b:s4+s18], $0x80, s20, s18, $0xb8;
	[tilespmem:$0x1BB00] =	vst v63  }
0x4e: {  	_ =	swait.ge [sflag:s23], $0x4000  }
0x4f: {  	p0 =	sne.s32 s6, $0x1;
	[sflag:s23] =	ssyncset.done $0x0  }
.Ltmp0:
0x50: {  	[sflag:s23] =	ssyncadd.s32 $0xFFFFC000;
	(pc) =	sbr.rel @!p0 .LBB2_3-.Ltmp0, $4  }
0x51: {  	[spmem:s1] =	stream.indirect.scatter.add.f32 [tilespmem:s19], [sflag:$0x3], $0x80, s18, s18, $0xb8;
	[tilespmem:$0x1BB00] =	vst v63  }
0x52: {  	_ =	swait.ge [sflag:s24], $0x4000  }
0x53: {  	s30 =	sadd.s32 $0xFFFFFFFF, s6;
	[sflag:s24] =	ssyncset.done $0x0  }
0x54: {  	s31 =	sadd.s32 $0x20, s14;
	s0 =	sadd.s32 $0x20, s15;
	[sflag:s24] =	ssyncadd.s32 $0xFFFFC000  }
.LBB2_2:
0x55: {  	[spmem:s1] =	stream.indirect.scatter.add.f32 [tilespmem:s22], [sflag:$0x4], $0x80, s21, s18, $0xb8;
	[tilespmem:$0x1BB00] =	vst v63  }
0x56: {  	p0 =	sne.s32 s30, $0x1;
	s30 =	sadd.s32 $0xFFFFFFFF, s30;
	_ =	swait.ge [sflag:s26], $0x4000  }
0x57: {  	[sflag:s26] =	ssyncset.done $0x0  }
0x58: {  	s2 =	sadd.s32 $0xFFFFFFF0, s31;
	[sflag:s26] =	ssyncadd.s32 $0xFFFFC000  }
0x59: {  	[tilespmem:s3], [sflag:$0x5] =	stream.linear.gather [hbm4b:s2+s3], $0x80, $0x38;
	[tilespmem:$0x1BB00] =	vst v63  }
0x5a: {  	_ =	swait.ge [sflag:s17], $0x80  }
0x5b: {  	[sflag:s17] =	ssyncset.done $0x0  }
0x5c: {  	s2 =	sadd.s32 $0xFFFFFFF0, s0;
	[sflag:s17] =	ssyncadd.s32 $0xFFFFFF80  }
0x5d: {  	[tilespmem:s18], [sflag:$0x5] =	stream.linear.gather [hbm4b:s2+s3], $0x80, $0x38;
	[tilespmem:$0x1BB00] =	vst v63  }
0x5e: {  	_ =	swait.ge [sflag:s17], $0x80  }
0x5f: {  	[sflag:s17] =	ssyncset.done $0x0  }
0x60: {  	[sflag:s17] =	ssyncadd.s32 $0xFFFFFF80  }
0x61: {  	[tilespmem:s19], [sflag:$0x1] =	stream.indirect.gather [hbm4b:s4+s18], $0x80, s3, s18, $0xb8;
	[tilespmem:$0x1BB00] =	vst v63  }
0x62: {  	_ =	swait.ge [sflag:s28], $0x4000  }
0x63: {  	[sflag:s28] =	ssyncset.done $0x0  }
0x64: {  	[sflag:s28] =	ssyncadd.s32 $0xFFFFC000  }
0x65: {  	[tilespmem:s20], [sflag:$0x5] =	stream.linear.gather [hbm4b:s31+s3], $0x80, $0x38;
	[tilespmem:$0x1BB00] =	vst v63  }
0x66: {  	_ =	swait.ge [sflag:s17], $0x80  }
0x67: {  	[sflag:s17] =	ssyncset.done $0x0  }
0x68: {  	[sflag:s17] =	ssyncadd.s32 $0xFFFFFF80  }
0x69: {  	[tilespmem:s21], [sflag:$0x5] =	stream.linear.gather [hbm4b:s0+s3], $0x80, $0x38;
	[tilespmem:$0x1BB00] =	vst v63  }
0x6a: {  	_ =	swait.ge [sflag:s17], $0x80  }
0x6b: {  	[sflag:s17] =	ssyncset.done $0x0  }
0x6c: {  	[sflag:s17] =	ssyncadd.s32 $0xFFFFFF80  }
0x6d: {  	[tilespmem:s22], [sflag:$0x2] =	stream.indirect.gather [hbm4b:s4+s18], $0x80, s20, s18, $0xb8;
	[tilespmem:$0x1BB00] =	vst v63  }
0x6e: {  	_ =	swait.ge [sflag:s23], $0x4000  }
0x6f: {  	[sflag:s23] =	ssyncset.done $0x0  }
.Ltmp1:
0x70: {  	[sflag:s23] =	ssyncadd.s32 $0xFFFFC000;
	(pc) =	sbr.rel @p0 .LBB2_2-.Ltmp1, $4  }
0x71: {  	[spmem:s1] =	stream.indirect.scatter.add.f32 [tilespmem:s19], [sflag:$0x3], $0x80, s18, s18, $0xb8;
	[tilespmem:$0x1BB00] =	vst v63  }
0x72: {  	_ =	swait.ge [sflag:s24], $0x4000  }
0x73: {  	[sflag:s24] =	ssyncset.done $0x0  }
0x74: {  	s31 =	sadd.s32 $0x20, s31;
	s0 =	sadd.s32 $0x20, s0;
	[sflag:s24] =	ssyncadd.s32 $0xFFFFC000  }
.LBB2_3:
0x75: {  	[spmem:s1] =	stream.indirect.scatter.add.f32 [tilespmem:s22], [sflag:$0x4], $0x80, s21, s18, $0xb8;
	[tilespmem:$0x1BB00] =	vst v63  }
0x76: {  	_ =	swait.ge [sflag:s26], $0x4000  }
0x77: {  	[sflag:s26] =	ssyncset.done $0x0  }
0x78: {  	[sflag:s26] =	ssyncadd.s32 $0xFFFFC000  }
0x79: {  	_ =	swait.ge [sflag:s28], $0x4000  }
0x7a: {  	s29 =	sadd.s32 $0x1, s29;
	[sflag:s28] =	ssyncset.done $0x0  }
0x7b: {  	p0 =	sne.s32 s29, s9;
	[sflag:s28] =	ssyncadd.s32 $0xFFFFC000  }
.Ltmp2:
0x7c: {  	[bflag:$0x0] =	sbarrier.arrive $0xFFFF;
	(pc) =	sbr.rel @p0 .LBB2_1-.Ltmp2, $4  }
0x7d: {  	[hbm:s8], [sflag:s7] =	dma.local [spmem:s25], $0x2710  }
0x7e: {  	_ =	swait.ge [sflag:s17], $0x2710  }
0x7f: {  	[sflag:s17] =	ssyncset.done $0x0  }
0x80: {  	[sflag:s17] =	ssyncadd.s32 $0xFFFFD8F0  }
0x81: {  	_ =	sfence.sel $0x180000  }
0x82: {  	[bflag:$0x0] =	sbarrier.arrive $0xFFFF  }
0x83: {  	_ =	strace $0x90000050  }
0x84: {  	s0 =	stileid.u32;
	[bflag:$0x2] =	sbarrier.arrive $0xFFFF  }
0x85: {  	p0 =	sne.s32 s0, $0x0;
	s0 =	rddreg [dreg:$0x2]  }
0x86: {  	s0 =	sadd.s32 @!p0 $0x100000, s0  }
0x87: {  	[sflag:s0] =	ssyncadd.tile.s32 @!p0 $0x1;
	_ =	shalt  }
.Lfunc_end2:
_tile_overlayer_lowered:
.L_overlay_start_2:
0x88: {  	(tag) =	ssettag $0x2  }
0x89: {  	s0 =	rddreg [dreg:$0x0];
	s2 =	stileid.u32  }
0x8a: {  	s1 =	rddreg [dreg:$0x1];
	p0 =	sne.s32 s2, $0x0  }
0x8b: {  	s3 =	rddreg [dreg:$0x2];
	[bflag:$0x3] =	sbarrier.arrive $0xFFFF;
	s2 =	simm.s32 @!p0 $0x1C05  }
0x8c: {  	[timem:s3], [sflag:s2] =	dma.local @!p0 [hbm:s0], s1  }
0x8d: {  	s0 =	simm.s32 @!p0 $0x5  }
0x8e: {  	_ =	swait.ge @!p0 [sflag:s0], s1  }
0x8f: {  	s1 =	ssub.s32 @!p0 $0x0, s1;
	[sflag:s0] =	ssyncset.done @!p0 $0x0  }
0x90: {  	[sflag:s0] =	ssyncadd.s32 @!p0 s1  }
0x91: {  	[bflag:$0x3] =	sbarrier.arrive $0xFFFF  }
0x92: {  	_ =	shalt  }

</sc_bundles>
